<compile_context>
chip_gen: v7x
topology: tpu7x:2x2x1
jax: 0.10.2.dev20260603
libtpu: 0.0.44.dev20260713+nightly
codegen_flags: <defaults>
</compile_context>

<pallas_src>
import functools

import jax
import jax.numpy as jnp
from jax import lax
from jax.experimental import pallas as pl
from jax.experimental.pallas import tpu as pltpu
from jax.experimental.pallas import tpu_sc as plsc

N, D = 2048, 768
E, K, F = 8, 2, 3072
BT = 640
NT = 14
NP = NT * BT
FT = 1536
NF = F // FT
BS = 512
CH = 64

_MESH = plsc.VectorSubcoreMesh(core_axis_name="c", subcore_axis_name="s")


def _wid():
    return lax.axis_index("s") * 2 + lax.axis_index("c")


@functools.partial(
    pl.kernel,
    mesh=_MESH,
    out_type=jax.ShapeDtypeStruct((NP, D), jnp.float32),
    scratch_types=[
        pltpu.VMEM((CH, D), jnp.float32),
        pltpu.VMEM((CH,), jnp.int32),
        pltpu.VMEM((CH,), jnp.int32),
        pltpu.SemaphoreType.DMA,
    ],
)
def _sc_scatter(xf_hbm, pp0_hbm, pp1_hbm, xs_hbm, rows_v, i0_v, i1_v, sem):
    base = _wid() * CH
    pltpu.sync_copy(xf_hbm.at[pl.ds(base, CH)], rows_v)
    pltpu.sync_copy(pp0_hbm.at[pl.ds(base, CH)], i0_v)
    pltpu.sync_copy(pp1_hbm.at[pl.ds(base, CH)], i1_v)
    c0 = pltpu.async_copy(rows_v, xs_hbm.at[i0_v], sem)
    c1 = pltpu.async_copy(rows_v, xs_hbm.at[i1_v], sem)
    c0.wait()
    c1.wait()


@functools.partial(
    pl.kernel,
    mesh=_MESH,
    out_type=jax.ShapeDtypeStruct((N, D), jnp.float32),
    scratch_types=[
        pltpu.VMEM((CH, D), jnp.float32),
        pltpu.VMEM((CH, D), jnp.float32),
        pltpu.VMEM((CH + 16,), jnp.float32),
        pltpu.VMEM((CH + 16,), jnp.float32),
        pltpu.VMEM((CH,), jnp.int32),
        pltpu.VMEM((CH,), jnp.int32),
        pltpu.SemaphoreType.DMA,
    ],
)
def _sc_combine(ys_hbm, pp0_hbm, pp1_hbm, g0_hbm, g1_hbm, out_hbm,
                a_v, b_v, g0_v, g1_v, i0_v, i1_v, sem):
    base = _wid() * CH
    pltpu.sync_copy(pp0_hbm.at[pl.ds(base, CH)], i0_v)
    pltpu.sync_copy(pp1_hbm.at[pl.ds(base, CH)], i1_v)
    pltpu.sync_copy(g0_hbm.at[pl.ds(base, CH)], g0_v.at[pl.ds(0, CH)])
    pltpu.sync_copy(g1_hbm.at[pl.ds(base, CH)], g1_v.at[pl.ds(0, CH)])
    c0 = pltpu.async_copy(ys_hbm.at[i0_v], a_v, sem)
    c1 = pltpu.async_copy(ys_hbm.at[i1_v], b_v, sem)
    c0.wait()
    c1.wait()

    def tok(t1, carry):
        g0 = g0_v[pl.ds(t1, 16)][0]
        g1 = g1_v[pl.ds(t1, 16)][0]
        for j in range(D // 16):
            sl = pl.ds(16 * j, 16)
            a_v[t1, sl] = g0 * a_v[t1, sl] + g1 * b_v[t1, sl]
        return carry

    lax.fori_loop(0, CH, tok, 0)
    pltpu.sync_copy(a_v, out_hbm.at[pl.ds(base, CH)])


def _router_body(x_ref, wg_ref, w_ref, p_ref, c_ref):
    logits = jnp.dot(x_ref[...], wg_ref[...], preferred_element_type=jnp.float32)
    ii = jax.lax.broadcasted_iota(jnp.int32, logits.shape, 1)
    m1 = jnp.max(logits, axis=1, keepdims=True)
    a1 = jnp.min(jnp.where(logits == m1, ii, E), axis=1, keepdims=True)
    l2 = jnp.where(ii == a1, -jnp.inf, logits)
    m2 = jnp.max(l2, axis=1, keepdims=True)
    a2 = jnp.min(jnp.where(l2 == m2, ii, E), axis=1, keepdims=True)
    e2 = jnp.exp(m2 - m1)
    w1 = 1.0 / (1.0 + e2)
    w2 = e2 / (1.0 + e2)

    oh1 = (ii == a1).astype(jnp.float32)
    oh2 = (ii == a2).astype(jnp.float32)
    rt = jax.lax.broadcasted_iota(jnp.int32, (BS, BS), 0)
    ct = jax.lax.broadcasted_iota(jnp.int32, (BS, BS), 1)
    tri = (ct <= rt).astype(jnp.float32)
    carry = jnp.zeros((1, E), jnp.float32)
    prefs = []
    for oh in (oh1, oh2):
        blocks = []
        for bi in range(N // BS):
            blk = oh[bi * BS:(bi + 1) * BS, :]
            pref = jnp.dot(tri, blk, preferred_element_type=jnp.float32) + carry
            carry = pref[BS - 1:BS, :]
            blocks.append(pref)
        prefs.append(jnp.concatenate(blocks, axis=0))
    pref1, pref2 = prefs
    counts = carry
    counts_i = counts.astype(jnp.int32)
    tiles = (counts_i + (BT - 1)) // BT
    r8 = jax.lax.broadcasted_iota(jnp.int32, (E, E), 0)
    c8 = jax.lax.broadcasted_iota(jnp.int32, (E, E), 1)
    ut8 = (r8 <= c8).astype(jnp.float32)
    toff = jnp.dot(tiles.astype(jnp.float32), ut8,
                   preferred_element_type=jnp.float32)
    poff = (toff - tiles.astype(jnp.float32)) * BT
    ppos1 = jnp.sum(oh1 * (pref1 - 1.0 + poff), axis=1, keepdims=True)
    ppos2 = jnp.sum(oh2 * (pref2 - 1.0 + poff), axis=1, keepdims=True)

    lane = jax.lax.broadcasted_iota(jnp.int32, (N, 128), 1)
    w_ref[...] = jnp.where(lane == 0, w1, jnp.where(lane == 1, w2, 0.0))
    p_ref[...] = jnp.where(lane == 0, ppos1.astype(jnp.int32),
                           jnp.where(lane == 1, ppos2.astype(jnp.int32), 0))
    c_ref[...] = jnp.concatenate(
        [tiles, jnp.zeros((1, 128 - E), jnp.int32)], axis=1)


def _router(xf, Wg):
    return pl.pallas_call(
        _router_body,
        out_shape=(
            jax.ShapeDtypeStruct((N, 128), jnp.float32),
            jax.ShapeDtypeStruct((N, 128), jnp.int32),
            jax.ShapeDtypeStruct((1, 128), jnp.int32),
        ),
    )(xf, Wg)


def _ffn_body(te_ref, nv_ref, xs_ref, w1_ref, b1_ref, w2_ref, b2_ref,
              out_ref, acc_ref):
    t = pl.program_id(0)
    f = pl.program_id(1)
    valid = t < nv_ref[0]

    @pl.when(valid & (f == 0))
    def _():
        acc_ref[...] = jnp.zeros_like(acc_ref)

    @pl.when(valid)
    def _():
        h = jnp.dot(xs_ref[...], w1_ref[0], preferred_element_type=jnp.float32)
        h = h + b1_ref[0]
        h = 0.5 * h * (1.0 + jax.lax.erf(h * 0.7071067811865476))
        acc_ref[...] += jnp.dot(h, w2_ref[0], preferred_element_type=jnp.float32)

    @pl.when(valid & (f == NF - 1))
    def _():
        out_ref[...] = acc_ref[...] + b2_ref[0]


def _grouped_ffn(te, nv, xs, W1, b1r, W2, b2r):
    def _tf(t, f, nv):
        valid = t < nv[0]
        return jnp.where(valid, t, nv[0] - 1), jnp.where(valid, f, NF - 1)

    def _xs_map(t, f, te, nv):
        tt, _ = _tf(t, f, nv)
        return (tt, 0)

    def _w1_map(t, f, te, nv):
        tt, ff = _tf(t, f, nv)
        return (te[tt], 0, ff)

    def _b1_map(t, f, te, nv):
        tt, ff = _tf(t, f, nv)
        return (te[tt], 0, ff)

    def _w2_map(t, f, te, nv):
        tt, ff = _tf(t, f, nv)
        return (te[tt], ff, 0)

    def _b2_map(t, f, te, nv):
        tt, _ = _tf(t, f, nv)
        return (te[tt], 0, 0)

    def _out_map(t, f, te, nv):
        tt, _ = _tf(t, f, nv)
        return (tt, 0)

    grid_spec = pltpu.PrefetchScalarGridSpec(
        num_scalar_prefetch=2,
        grid=(NT, NF),
        in_specs=[
            pl.BlockSpec((BT, D), _xs_map),
            pl.BlockSpec((1, D, FT), _w1_map),
            pl.BlockSpec((1, 1, FT), _b1_map),
            pl.BlockSpec((1, FT, D), _w2_map),
            pl.BlockSpec((1, 1, D), _b2_map),
        ],
        out_specs=pl.BlockSpec((BT, D), _out_map),
        scratch_shapes=[pltpu.VMEM((BT, D), jnp.float32)],
    )
    return pl.pallas_call(
        _ffn_body,
        grid_spec=grid_spec,
        out_shape=jax.ShapeDtypeStruct((NP, D), jnp.float32),
    )(te, nv, xs, W1, b1r, W2, b2r)


def kernel(x, Wg, W1, b1, W2, b2):
    b, t, d = x.shape
    xf = x.reshape(-1, d)

    wout, ppos, crow = _router(xf, Wg)

    tiles = crow[0, :E]
    toff = jnp.cumsum(tiles)
    nv = toff[E - 1:E].astype(jnp.int32)
    te = jnp.minimum(
        jnp.searchsorted(toff, jnp.arange(NT, dtype=jnp.int32), side="right"),
        E - 1).astype(jnp.int32)

    pp0 = ppos[:, 0]
    pp1 = ppos[:, 1]
    g0 = wout[:, 0]
    g1 = wout[:, 1]

    xs = _sc_scatter(xf, pp0, pp1)

    b1r = b1.reshape(E, 1, F)
    b2r = b2.reshape(E, 1, D)
    ys = _grouped_ffn(te, nv, xs, W1, b1r, W2, b2r)

    out = _sc_combine(ys, pp0, pp1, g0, g1)
    return out.reshape(b, t, d)

# --- scband reference (transcript-rebuilt; emitter-appended) ---
"""Pipeline reference for scband-mo-elayer-optimized-8211977470389 (READ-ONLY COPY).

The authoritative reference and input builder live on the scoring server;
editing this copy changes nothing except your own understanding.
"""

import jax, jax.numpy as jnp
import numpy as np

B, T, D = 1, 2048, 768
E, K, F = 8, 2, 3072

def setup_inputs(seed: int = 0) -> dict:
    key = jax.random.key(seed)
    ks = jax.random.split(key, 6)
    x = jax.random.normal(ks[0], (B, T, D), dtype=jnp.float32)
    Wg = jax.random.normal(ks[1], (D, E), dtype=jnp.float32) * 0.02
    W1 = jax.random.normal(ks[2], (E, D, F), dtype=jnp.float32) * 0.02
    b1 = jnp.zeros((E, F), dtype=jnp.float32)
    W2 = jax.random.normal(ks[3], (E, F, D), dtype=jnp.float32) * 0.02
    b2 = jnp.zeros((E, D), dtype=jnp.float32)
    return {"x": x, "Wg": Wg, "W1": W1, "b1": b1, "W2": W2, "b2": b2}

def reference(x, Wg, W1, b1, W2, b2):
    b, t, d = x.shape
    xf = x.reshape(-1, d)  # [N, D]
    gate_logits = xf @ Wg  # [N, E]
    w, topk_idx = jax.lax.top_k(gate_logits, K)  # [N, K]
    w = jax.nn.softmax(w, axis=1).astype(xf.dtype)
    out = jnp.zeros_like(xf)
    for e in range(E):
        # combine weight for tokens that routed to expert e (0 otherwise)
        mask = (topk_idx == e).astype(xf.dtype)  # [N, K]
        coef = jnp.sum(w * mask, axis=1)  # [N]
        h = jax.nn.gelu(xf @ W1[e] + b1[e], approximate=False)
        ye = h @ W2[e] + b2[e]
        out = out + coef[:, None] * ye
    return out.reshape(b, t, d)

if __name__ == "__main__":
    import jax
    _d = setup_inputs()
    print(jax.jit(kernel)(*tuple(_d.values())))

</pallas_src>

<mosaic_0001>
#map = affine_map<(d0, d1) -> (0, 0)>
#map1 = affine_map<(d0, d1) -> (0)>
module attributes {stable_mosaic.version = 14 : i64} {
  func.func @_sc_scatter(%arg0: i32, %arg1: i32, %arg2: memref<2048x768xf32, #tpu.memory_space<hbm>>, %arg3: memref<2048xi32, #tpu.memory_space<hbm>>, %arg4: memref<2048xi32, #tpu.memory_space<hbm>>, %arg5: memref<8960x768xf32, #tpu.memory_space<hbm>>, %arg6: memref<64x768xf32, #tpu.memory_space<vmem>>, %arg7: memref<64xi32, #tpu.memory_space<vmem>>, %arg8: memref<64xi32, #tpu.memory_space<vmem>>, %arg9: memref<!tpu.dma_semaphore, #tpu.memory_space<semaphore_mem>>) attributes {dimension_semantics = [#tpu.dimension_semantics<core_parallel>, #tpu.dimension_semantics<subcore_parallel>], iteration_bounds = array<i64: 2, 16>, scalar_prefetch = 0 : i64, scratch_operands = 4 : i64, tpu.core_type = #tpu.core_type<sc_vector_subcore>, window_params = [{transform_indices = #map}, {transform_indices = #map1}, {transform_indices = #map1}, {transform_indices = #map}]} {
    %mul3A = arith.constant 2 : i32
    %mul3A_0 = arith.muli %arg1, %mul3A : i32
    %add3A = arith.addi %mul3A_0, %arg0 : i32
    %mul3A_1 = arith.constant 64 : i32
    %mul3A_2 = arith.muli %add3A, %mul3A_1 : i32
    "tpu.region"() ({
      %run_scoped3A = tpu.sem_alloc : memref<!tpu.dma_semaphore, #tpu.memory_space<semaphore_mem>>
      %dma_start3A_13 = arith.constant 0 : i32
      %dma_start3A_14 = tpu.memref_slice %arg2[%mul3A_2, %dma_start3A_13] : memref<2048x768xf32, #tpu.memory_space<hbm>> -> memref<64x768xf32, #tpu.memory_space<hbm>>
      %dma_start3A_15 = arith.constant 0 : i32
      %dma_start3A_16 = tpu.memref_slice %arg2[%mul3A_2, %dma_start3A_15] : memref<2048x768xf32, #tpu.memory_space<hbm>> -> memref<64x768xf32, #tpu.memory_space<hbm>>
      tpu.enqueue_dma source(%dma_start3A_16 : memref<64x768xf32, #tpu.memory_space<hbm>>) target(%arg6 : memref<64x768xf32, #tpu.memory_space<vmem>>) target_semaphore(%run_scoped3A : memref<!tpu.dma_semaphore, #tpu.memory_space<semaphore_mem>>)
      %dma_wait3A_17 = arith.constant 0 : i32
      %dma_wait3A_18 = tpu.memref_slice %arg2[%mul3A_2, %dma_wait3A_17] : memref<2048x768xf32, #tpu.memory_space<hbm>> -> memref<64x768xf32, #tpu.memory_space<hbm>>
      %dma_wait3A_19 = arith.constant 0 : i32
      %dma_wait3A_20 = tpu.memref_slice %arg2[%mul3A_2, %dma_wait3A_19] : memref<2048x768xf32, #tpu.memory_space<hbm>> -> memref<64x768xf32, #tpu.memory_space<hbm>>
      tpu.wait_dma2 semaphore(%run_scoped3A : memref<!tpu.dma_semaphore, #tpu.memory_space<semaphore_mem>>) src(%dma_wait3A_20 : memref<64x768xf32, #tpu.memory_space<hbm>>) dst(%arg6 : memref<64x768xf32, #tpu.memory_space<vmem>>)
      tpu.yield
    }) : () -> ()
    "tpu.region"() ({
      %run_scoped3A = tpu.sem_alloc : memref<!tpu.dma_semaphore, #tpu.memory_space<semaphore_mem>>
      %dma_start3A_13 = tpu.memref_slice %arg3[%mul3A_2] : memref<2048xi32, #tpu.memory_space<hbm>> -> memref<64xi32, #tpu.memory_space<hbm>>
      %dma_start3A_14 = tpu.memref_slice %arg3[%mul3A_2] : memref<2048xi32, #tpu.memory_space<hbm>> -> memref<64xi32, #tpu.memory_space<hbm>>
      tpu.enqueue_dma source(%dma_start3A_14 : memref<64xi32, #tpu.memory_space<hbm>>) target(%arg7 : memref<64xi32, #tpu.memory_space<vmem>>) target_semaphore(%run_scoped3A : memref<!tpu.dma_semaphore, #tpu.memory_space<semaphore_mem>>)
      %dma_wait3A_15 = tpu.memref_slice %arg3[%mul3A_2] : memref<2048xi32, #tpu.memory_space<hbm>> -> memref<64xi32, #tpu.memory_space<hbm>>
      %dma_wait3A_16 = tpu.memref_slice %arg3[%mul3A_2] : memref<2048xi32, #tpu.memory_space<hbm>> -> memref<64xi32, #tpu.memory_space<hbm>>
      tpu.wait_dma2 semaphore(%run_scoped3A : memref<!tpu.dma_semaphore, #tpu.memory_space<semaphore_mem>>) src(%dma_wait3A_16 : memref<64xi32, #tpu.memory_space<hbm>>) dst(%arg7 : memref<64xi32, #tpu.memory_space<vmem>>)
      tpu.yield
    }) : () -> ()
    "tpu.region"() ({
      %run_scoped3A = tpu.sem_alloc : memref<!tpu.dma_semaphore, #tpu.memory_space<semaphore_mem>>
      %dma_start3A_13 = tpu.memref_slice %arg4[%mul3A_2] : memref<2048xi32, #tpu.memory_space<hbm>> -> memref<64xi32, #tpu.memory_space<hbm>>
      %dma_start3A_14 = tpu.memref_slice %arg4[%mul3A_2] : memref<2048xi32, #tpu.memory_space<hbm>> -> memref<64xi32, #tpu.memory_space<hbm>>
      tpu.enqueue_dma source(%dma_start3A_14 : memref<64xi32, #tpu.memory_space<hbm>>) target(%arg8 : memref<64xi32, #tpu.memory_space<vmem>>) target_semaphore(%run_scoped3A : memref<!tpu.dma_semaphore, #tpu.memory_space<semaphore_mem>>)
      %dma_wait3A_15 = tpu.memref_slice %arg4[%mul3A_2] : memref<2048xi32, #tpu.memory_space<hbm>> -> memref<64xi32, #tpu.memory_space<hbm>>
      %dma_wait3A_16 = tpu.memref_slice %arg4[%mul3A_2] : memref<2048xi32, #tpu.memory_space<hbm>> -> memref<64xi32, #tpu.memory_space<hbm>>
      tpu.wait_dma2 semaphore(%run_scoped3A : memref<!tpu.dma_semaphore, #tpu.memory_space<semaphore_mem>>) src(%dma_wait3A_16 : memref<64xi32, #tpu.memory_space<hbm>>) dst(%arg8 : memref<64xi32, #tpu.memory_space<vmem>>)
      tpu.yield
    }) : () -> ()
    %dma_start3A = arith.constant 0 : i32
    %dma_start3A_3 = arith.constant 0 : i32
    %dma_start3A_4 = tpu.memref_slice %arg5[%dma_start3A, %dma_start3A_3] : memref<8960x768xf32, #tpu.memory_space<hbm>> -> memref<8960x768xf32, #tpu.memory_space<hbm>>
    tpu.enqueue_indirect_dma source(%arg6 : memref<64x768xf32, #tpu.memory_space<vmem>>) target(%dma_start3A_4 : memref<8960x768xf32, #tpu.memory_space<hbm>>) offsets(%arg7 : memref<64xi32, #tpu.memory_space<vmem>>) semaphore(%arg9 : memref<!tpu.dma_semaphore, #tpu.memory_space<semaphore_mem>>)
    %dma_start3A_5 = arith.constant 0 : i32
    %dma_start3A_6 = arith.constant 0 : i32
    %dma_start3A_7 = tpu.memref_slice %arg5[%dma_start3A_5, %dma_start3A_6] : memref<8960x768xf32, #tpu.memory_space<hbm>> -> memref<8960x768xf32, #tpu.memory_space<hbm>>
    tpu.enqueue_indirect_dma source(%arg6 : memref<64x768xf32, #tpu.memory_space<vmem>>) target(%dma_start3A_7 : memref<8960x768xf32, #tpu.memory_space<hbm>>) offsets(%arg8 : memref<64xi32, #tpu.memory_space<vmem>>) semaphore(%arg9 : memref<!tpu.dma_semaphore, #tpu.memory_space<semaphore_mem>>)
    %dma_wait3A = arith.constant 0 : i32
    %dma_wait3A_8 = arith.constant 0 : i32
    %dma_wait3A_9 = tpu.memref_slice %arg5[%dma_wait3A, %dma_wait3A_8] : memref<8960x768xf32, #tpu.memory_space<hbm>> -> memref<8960x768xf32, #tpu.memory_space<hbm>>
    tpu.wait_indirect_dma semaphore(%arg9 : memref<!tpu.dma_semaphore, #tpu.memory_space<semaphore_mem>>) src(%arg6 : memref<64x768xf32, #tpu.memory_space<vmem>>) dst(%dma_wait3A_9 : memref<8960x768xf32, #tpu.memory_space<hbm>>)
    %dma_wait3A_10 = arith.constant 0 : i32
    %dma_wait3A_11 = arith.constant 0 : i32
    %dma_wait3A_12 = tpu.memref_slice %arg5[%dma_wait3A_10, %dma_wait3A_11] : memref<8960x768xf32, #tpu.memory_space<hbm>> -> memref<8960x768xf32, #tpu.memory_space<hbm>>
    tpu.wait_indirect_dma semaphore(%arg9 : memref<!tpu.dma_semaphore, #tpu.memory_space<semaphore_mem>>) src(%arg6 : memref<64x768xf32, #tpu.memory_space<vmem>>) dst(%dma_wait3A_12 : memref<8960x768xf32, #tpu.memory_space<hbm>>)
    return
  }
}

#map = affine_map<(d0, d1) -> (0, 0)>
#map1 = affine_map<(d0, d1) -> (0)>
module attributes {stable_mosaic.version = 14 : i64} {
  func.func @_sc_combine(%arg0: i32, %arg1: i32, %arg2: memref<8960x768xf32, #tpu.memory_space<hbm>>, %arg3: memref<2048xi32, #tpu.memory_space<hbm>>, %arg4: memref<2048xi32, #tpu.memory_space<hbm>>, %arg5: memref<2048xf32, #tpu.memory_space<hbm>>, %arg6: memref<2048xf32, #tpu.memory_space<hbm>>, %arg7: memref<2048x768xf32, #tpu.memory_space<hbm>>, %arg8: memref<64x768xf32, #tpu.memory_space<vmem>>, %arg9: memref<64x768xf32, #tpu.memory_space<vmem>>, %arg10: memref<80xf32, #tpu.memory_space<vmem>>, %arg11: memref<80xf32, #tpu.memory_space<vmem>>, %arg12: memref<64xi32, #tpu.memory_space<vmem>>, %arg13: memref<64xi32, #tpu.memory_space<vmem>>, %arg14: memref<!tpu.dma_semaphore, #tpu.memory_space<semaphore_mem>>) attributes {dimension_semantics = [#tpu.dimension_semantics<core_parallel>, #tpu.dimension_semantics<subcore_parallel>], iteration_bounds = array<i64: 2, 16>, scalar_prefetch = 0 : i64, scratch_operands = 7 : i64, tpu.core_type = #tpu.core_type<sc_vector_subcore>, window_params = [{transform_indices = #map}, {transform_indices = #map1}, {transform_indices = #map1}, {transform_indices = #map1}, {transform_indices = #map1}, {transform_indices = #map}]} {
    %mul3A = arith.constant 2 : i32
    %mul3A_0 = arith.muli %arg1, %mul3A : i32
    %add3A = arith.addi %mul3A_0, %arg0 : i32
    %mul3A_1 = arith.constant 64 : i32
    %mul3A_2 = arith.muli %add3A, %mul3A_1 : i32
    "tpu.region"() ({
      %run_scoped3A = tpu.sem_alloc : memref<!tpu.dma_semaphore, #tpu.memory_space<semaphore_mem>>
      %dma_start3A_18 = tpu.memref_slice %arg3[%mul3A_2] : memref<2048xi32, #tpu.memory_space<hbm>> -> memref<64xi32, #tpu.memory_space<hbm>>
      %dma_start3A_19 = tpu.memref_slice %arg3[%mul3A_2] : memref<2048xi32, #tpu.memory_space<hbm>> -> memref<64xi32, #tpu.memory_space<hbm>>
      tpu.enqueue_dma source(%dma_start3A_19 : memref<64xi32, #tpu.memory_space<hbm>>) target(%arg12 : memref<64xi32, #tpu.memory_space<vmem>>) target_semaphore(%run_scoped3A : memref<!tpu.dma_semaphore, #tpu.memory_space<semaphore_mem>>)
      %dma_wait3A_20 = tpu.memref_slice %arg3[%mul3A_2] : memref<2048xi32, #tpu.memory_space<hbm>> -> memref<64xi32, #tpu.memory_space<hbm>>
      %dma_wait3A_21 = tpu.memref_slice %arg3[%mul3A_2] : memref<2048xi32, #tpu.memory_space<hbm>> -> memref<64xi32, #tpu.memory_space<hbm>>
      tpu.wait_dma2 semaphore(%run_scoped3A : memref<!tpu.dma_semaphore, #tpu.memory_space<semaphore_mem>>) src(%dma_wait3A_21 : memref<64xi32, #tpu.memory_space<hbm>>) dst(%arg12 : memref<64xi32, #tpu.memory_space<vmem>>)
      tpu.yield
    }) : () -> ()
    "tpu.region"() ({
      %run_scoped3A = tpu.sem_alloc : memref<!tpu.dma_semaphore, #tpu.memory_space<semaphore_mem>>
      %dma_start3A_18 = tpu.memref_slice %arg4[%mul3A_2] : memref<2048xi32, #tpu.memory_space<hbm>> -> memref<64xi32, #tpu.memory_space<hbm>>
      %dma_start3A_19 = tpu.memref_slice %arg4[%mul3A_2] : memref<2048xi32, #tpu.memory_space<hbm>> -> memref<64xi32, #tpu.memory_space<hbm>>
      tpu.enqueue_dma source(%dma_start3A_19 : memref<64xi32, #tpu.memory_space<hbm>>) target(%arg13 : memref<64xi32, #tpu.memory_space<vmem>>) target_semaphore(%run_scoped3A : memref<!tpu.dma_semaphore, #tpu.memory_space<semaphore_mem>>)
      %dma_wait3A_20 = tpu.memref_slice %arg4[%mul3A_2] : memref<2048xi32, #tpu.memory_space<hbm>> -> memref<64xi32, #tpu.memory_space<hbm>>
      %dma_wait3A_21 = tpu.memref_slice %arg4[%mul3A_2] : memref<2048xi32, #tpu.memory_space<hbm>> -> memref<64xi32, #tpu.memory_space<hbm>>
      tpu.wait_dma2 semaphore(%run_scoped3A : memref<!tpu.dma_semaphore, #tpu.memory_space<semaphore_mem>>) src(%dma_wait3A_21 : memref<64xi32, #tpu.memory_space<hbm>>) dst(%arg13 : memref<64xi32, #tpu.memory_space<vmem>>)
      tpu.yield
    }) : () -> ()
    "tpu.region"() ({
      %run_scoped3A = tpu.sem_alloc : memref<!tpu.dma_semaphore, #tpu.memory_space<semaphore_mem>>
      %dma_start3A_18 = arith.constant 0 : i32
      %dma_start3A_19 = tpu.memref_slice %arg10[%dma_start3A_18] : memref<80xf32, #tpu.memory_space<vmem>> -> memref<64xf32, #tpu.memory_space<vmem>>
      %dma_start3A_20 = tpu.memref_slice %arg5[%mul3A_2] : memref<2048xf32, #tpu.memory_space<hbm>> -> memref<64xf32, #tpu.memory_space<hbm>>
      %dma_start3A_21 = arith.constant 0 : i32
      %dma_start3A_22 = tpu.memref_slice %arg10[%dma_start3A_21] : memref<80xf32, #tpu.memory_space<vmem>> -> memref<64xf32, #tpu.memory_space<vmem>>
      %dma_start3A_23 = tpu.memref_slice %arg5[%mul3A_2] : memref<2048xf32, #tpu.memory_space<hbm>> -> memref<64xf32, #tpu.memory_space<hbm>>
      tpu.enqueue_dma source(%dma_start3A_23 : memref<64xf32, #tpu.memory_space<hbm>>) target(%dma_start3A_22 : memref<64xf32, #tpu.memory_space<vmem>>) target_semaphore(%run_scoped3A : memref<!tpu.dma_semaphore, #tpu.memory_space<semaphore_mem>>)
      %dma_wait3A_24 = arith.constant 0 : i32
      %dma_wait3A_25 = tpu.memref_slice %arg10[%dma_wait3A_24] : memref<80xf32, #tpu.memory_space<vmem>> -> memref<64xf32, #tpu.memory_space<vmem>>
      %dma_wait3A_26 = tpu.memref_slice %arg5[%mul3A_2] : memref<2048xf32, #tpu.memory_space<hbm>> -> memref<64xf32, #tpu.memory_space<hbm>>
      %dma_wait3A_27 = arith.constant 0 : i32
      %dma_wait3A_28 = tpu.memref_slice %arg10[%dma_wait3A_27] : memref<80xf32, #tpu.memory_space<vmem>> -> memref<64xf32, #tpu.memory_space<vmem>>
      %dma_wait3A_29 = tpu.memref_slice %arg5[%mul3A_2] : memref<2048xf32, #tpu.memory_space<hbm>> -> memref<64xf32, #tpu.memory_space<hbm>>
      tpu.wait_dma2 semaphore(%run_scoped3A : memref<!tpu.dma_semaphore, #tpu.memory_space<semaphore_mem>>) src(%dma_wait3A_29 : memref<64xf32, #tpu.memory_space<hbm>>) dst(%dma_wait3A_28 : memref<64xf32, #tpu.memory_space<vmem>>)
      tpu.yield
    }) : () -> ()
    "tpu.region"() ({
      %run_scoped3A = tpu.sem_alloc : memref<!tpu.dma_semaphore, #tpu.memory_space<semaphore_mem>>
      %dma_start3A_18 = arith.constant 0 : i32
      %dma_start3A_19 = tpu.memref_slice %arg11[%dma_start3A_18] : memref<80xf32, #tpu.memory_space<vmem>> -> memref<64xf32, #tpu.memory_space<vmem>>
      %dma_start3A_20 = tpu.memref_slice %arg6[%mul3A_2] : memref<2048xf32, #tpu.memory_space<hbm>> -> memref<64xf32, #tpu.memory_space<hbm>>
      %dma_start3A_21 = arith.constant 0 : i32
      %dma_start3A_22 = tpu.memref_slice %arg11[%dma_start3A_21] : memref<80xf32, #tpu.memory_space<vmem>> -> memref<64xf32, #tpu.memory_space<vmem>>
      %dma_start3A_23 = tpu.memref_slice %arg6[%mul3A_2] : memref<2048xf32, #tpu.memory_space<hbm>> -> memref<64xf32, #tpu.memory_space<hbm>>
      tpu.enqueue_dma source(%dma_start3A_23 : memref<64xf32, #tpu.memory_space<hbm>>) target(%dma_start3A_22 : memref<64xf32, #tpu.memory_space<vmem>>) target_semaphore(%run_scoped3A : memref<!tpu.dma_semaphore, #tpu.memory_space<semaphore_mem>>)
      %dma_wait3A_24 = arith.constant 0 : i32
      %dma_wait3A_25 = tpu.memref_slice %arg11[%dma_wait3A_24] : memref<80xf32, #tpu.memory_space<vmem>> -> memref<64xf32, #tpu.memory_space<vmem>>
      %dma_wait3A_26 = tpu.memref_slice %arg6[%mul3A_2] : memref<2048xf32, #tpu.memory_space<hbm>> -> memref<64xf32, #tpu.memory_space<hbm>>
      %dma_wait3A_27 = arith.constant 0 : i32
      %dma_wait3A_28 = tpu.memref_slice %arg11[%dma_wait3A_27] : memref<80xf32, #tpu.memory_space<vmem>> -> memref<64xf32, #tpu.memory_space<vmem>>
      %dma_wait3A_29 = tpu.memref_slice %arg6[%mul3A_2] : memref<2048xf32, #tpu.memory_space<hbm>> -> memref<64xf32, #tpu.memory_space<hbm>>
      tpu.wait_dma2 semaphore(%run_scoped3A : memref<!tpu.dma_semaphore, #tpu.memory_space<semaphore_mem>>) src(%dma_wait3A_29 : memref<64xf32, #tpu.memory_space<hbm>>) dst(%dma_wait3A_28 : memref<64xf32, #tpu.memory_space<vmem>>)
      tpu.yield
    }) : () -> ()
    %dma_start3A = arith.constant 0 : i32
    %dma_start3A_3 = arith.constant 0 : i32
    %dma_start3A_4 = tpu.memref_slice %arg2[%dma_start3A, %dma_start3A_3] : memref<8960x768xf32, #tpu.memory_space<hbm>> -> memref<8960x768xf32, #tpu.memory_space<hbm>>
    tpu.enqueue_indirect_dma source(%dma_start3A_4 : memref<8960x768xf32, #tpu.memory_space<hbm>>) target(%arg8 : memref<64x768xf32, #tpu.memory_space<vmem>>) offsets(%arg12 : memref<64xi32, #tpu.memory_space<vmem>>) semaphore(%arg14 : memref<!tpu.dma_semaphore, #tpu.memory_space<semaphore_mem>>)
    %dma_start3A_5 = arith.constant 0 : i32
    %dma_start3A_6 = arith.constant 0 : i32
    %dma_start3A_7 = tpu.memref_slice %arg2[%dma_start3A_5, %dma_start3A_6] : memref<8960x768xf32, #tpu.memory_space<hbm>> -> memref<8960x768xf32, #tpu.memory_space<hbm>>
    tpu.enqueue_indirect_dma source(%dma_start3A_7 : memref<8960x768xf32, #tpu.memory_space<hbm>>) target(%arg9 : memref<64x768xf32, #tpu.memory_space<vmem>>) offsets(%arg13 : memref<64xi32, #tpu.memory_space<vmem>>) semaphore(%arg14 : memref<!tpu.dma_semaphore, #tpu.memory_space<semaphore_mem>>)
    %dma_wait3A = arith.constant 0 : i32
    %dma_wait3A_8 = arith.constant 0 : i32
    %dma_wait3A_9 = tpu.memref_slice %arg2[%dma_wait3A, %dma_wait3A_8] : memref<8960x768xf32, #tpu.memory_space<hbm>> -> memref<8960x768xf32, #tpu.memory_space<hbm>>
    tpu.wait_indirect_dma semaphore(%arg14 : memref<!tpu.dma_semaphore, #tpu.memory_space<semaphore_mem>>) src(%dma_wait3A_9 : memref<8960x768xf32, #tpu.memory_space<hbm>>) dst(%arg8 : memref<64x768xf32, #tpu.memory_space<vmem>>)
    %dma_wait3A_10 = arith.constant 0 : i32
    %dma_wait3A_11 = arith.constant 0 : i32
    %dma_wait3A_12 = tpu.memref_slice %arg2[%dma_wait3A_10, %dma_wait3A_11] : memref<8960x768xf32, #tpu.memory_space<hbm>> -> memref<8960x768xf32, #tpu.memory_space<hbm>>
    tpu.wait_indirect_dma semaphore(%arg14 : memref<!tpu.dma_semaphore, #tpu.memory_space<semaphore_mem>>) src(%dma_wait3A_12 : memref<8960x768xf32, #tpu.memory_space<hbm>>) dst(%arg9 : memref<64x768xf32, #tpu.memory_space<vmem>>)
    %scan3A = arith.constant 0 : i32
    %scan3A_13 = arith.constant 0 : i32
    %scan3A_14 = arith.constant 64 : i32
    %scan3A_15 = arith.addi %scan3A_13, %scan3A_14 : i32
    %scan3A_16 = arith.constant 1 : i32
    scf.for %scan3A_18 = %scan3A_13 to %scan3A_15 step %scan3A_16  : i32 {
      %get3A = arith.index_cast %scan3A_18 : i32 to index
      %get3A_19 = tpu.vector_load %arg10[%get3A] {strides = array<i32>} : memref<80xf32, #tpu.memory_space<vmem>>, vector<16xf32>,
      %get3A_20 = vector.shape_cast %get3A_19 : vector<16xf32> to vector<16xf32>
      %slice3A = vector.extract_strided_slice %get3A_20 {offsets = [0], sizes = [1], strides = [1]} : vector<16xf32> to vector<1xf32>
      %squeeze3A = vector.extract %slice3A[0] : f32 from vector<1xf32>
      %get3A_21 = arith.index_cast %scan3A_18 : i32 to index
      %get3A_22 = tpu.vector_load %arg11[%get3A_21] {strides = array<i32>} : memref<80xf32, #tpu.memory_space<vmem>>, vector<16xf32>,
      %get3A_23 = vector.shape_cast %get3A_22 : vector<16xf32> to vector<16xf32>
      %slice3A_24 = vector.extract_strided_slice %get3A_23 {offsets = [0], sizes = [1], strides = [1]} : vector<16xf32> to vector<1xf32>
      %squeeze3A_25 = vector.extract %slice3A_24[0] : f32 from vector<1xf32>
      %get3A_26 = arith.index_cast %scan3A_18 : i32 to index
      %get3A_27 = arith.constant 0 : index
      %get3A_28 = tpu.vector_load %arg8[%get3A_26, %get3A_27] {strides = array<i32>} : memref<64x768xf32, #tpu.memory_space<vmem>>, vector<1x16xf32>,
      %get3A_29 = vector.shape_cast %get3A_28 : vector<1x16xf32> to vector<16xf32>
      %mul3A_30 = vector.broadcast %squeeze3A : f32 to vector<16xf32>
      %mul3A_31 = arith.mulf %mul3A_30, %get3A_29 : vector<16xf32>
      %get3A_32 = arith.index_cast %scan3A_18 : i32 to index
      %get3A_33 = arith.constant 0 : index
      %get3A_34 = tpu.vector_load %arg9[%get3A_32, %get3A_33] {strides = array<i32>} : memref<64x768xf32, #tpu.memory_space<vmem>>, vector<1x16xf32>,
      %get3A_35 = vector.shape_cast %get3A_34 : vector<1x16xf32> to vector<16xf32>
      %mul3A_36 = vector.broadcast %squeeze3A_25 : f32 to vector<16xf32>
      %mul3A_37 = arith.mulf %mul3A_36, %get3A_35 : vector<16xf32>
      %add3A_38 = arith.addf %mul3A_31, %mul3A_37 : vector<16xf32>
      %swap3A = arith.index_cast %scan3A_18 : i32 to index
      %swap3A_39 = arith.constant 0 : index
      %swap3A_40 = tpu.vector_load %arg8[%swap3A, %swap3A_39] {strides = array<i32>} : memref<64x768xf32, #tpu.memory_space<vmem>>, vector<1x16xf32>,
      %swap3A_41 = vector.shape_cast %swap3A_40 : vector<1x16xf32> to vector<16xf32>
      %swap3A_42 = vector.shape_cast %add3A_38 : vector<16xf32> to vector<1x16xf32>
      tpu.vector_store %arg8[%swap3A, %swap3A_39], %swap3A_42 {strides = array<i32>} : memref<64x768xf32, #tpu.memory_space<vmem>>, vector<1x16xf32>,
      %get3A_43 = arith.index_cast %scan3A_18 : i32 to index
      %get3A_44 = arith.constant 16 : index
      %get3A_45 = tpu.vector_load %arg8[%get3A_43, %get3A_44] {strides = array<i32>} : memref<64x768xf32, #tpu.memory_space<vmem>>, vector<1x16xf32>,
      %get3A_46 = vector.shape_cast %get3A_45 : vector<1x16xf32> to vector<16xf32>
      %mul3A_47 = vector.broadcast %squeeze3A : f32 to vector<16xf32>
      %mul3A_48 = arith.mulf %mul3A_47, %get3A_46 : vector<16xf32>
      %get3A_49 = arith.index_cast %scan3A_18 : i32 to index
      %get3A_50 = arith.constant 16 : index
      %get3A_51 = tpu.vector_load %arg9[%get3A_49, %get3A_50] {strides = array<i32>} : memref<64x768xf32, #tpu.memory_space<vmem>>, vector<1x16xf32>,
      %get3A_52 = vector.shape_cast %get3A_51 : vector<1x16xf32> to vector<16xf32>
      %mul3A_53 = vector.broadcast %squeeze3A_25 : f32 to vector<16xf32>
      %mul3A_54 = arith.mulf %mul3A_53, %get3A_52 : vector<16xf32>
      %add3A_55 = arith.addf %mul3A_48, %mul3A_54 : vector<16xf32>
      %swap3A_56 = arith.index_cast %scan3A_18 : i32 to index
      %swap3A_57 = arith.constant 16 : index
      %swap3A_58 = tpu.vector_load %arg8[%swap3A_56, %swap3A_57] {strides = array<i32>} : memref<64x768xf32, #tpu.memory_space<vmem>>, vector<1x16xf32>,
      %swap3A_59 = vector.shape_cast %swap3A_58 : vector<1x16xf32> to vector<16xf32>
      %swap3A_60 = vector.shape_cast %add3A_55 : vector<16xf32> to vector<1x16xf32>
      tpu.vector_store %arg8[%swap3A_56, %swap3A_57], %swap3A_60 {strides = array<i32>} : memref<64x768xf32, #tpu.memory_space<vmem>>, vector<1x16xf32>,
      %get3A_61 = arith.index_cast %scan3A_18 : i32 to index
      %get3A_62 = arith.constant 32 : index
      %get3A_63 = tpu.vector_load %arg8[%get3A_61, %get3A_62] {strides = array<i32>} : memref<64x768xf32, #tpu.memory_space<vmem>>, vector<1x16xf32>,
      %get3A_64 = vector.shape_cast %get3A_63 : vector<1x16xf32> to vector<16xf32>
      %mul3A_65 = vector.broadcast %squeeze3A : f32 to vector<16xf32>
      %mul3A_66 = arith.mulf %mul3A_65, %get3A_64 : vector<16xf32>
      %get3A_67 = arith.index_cast %scan3A_18 : i32 to index
      %get3A_68 = arith.constant 32 : index
      %get3A_69 = tpu.vector_load %arg9[%get3A_67, %get3A_68] {strides = array<i32>} : memref<64x768xf32, #tpu.memory_space<vmem>>, vector<1x16xf32>,
      %get3A_70 = vector.shape_cast %get3A_69 : vector<1x16xf32> to vector<16xf32>
      %mul3A_71 = vector.broadcast %squeeze3A_25 : f32 to vector<16xf32>
      %mul3A_72 = arith.mulf %mul3A_71, %get3A_70 : vector<16xf32>
      %add3A_73 = arith.addf %mul3A_66, %mul3A_72 : vector<16xf32>
      %swap3A_74 = arith.index_cast %scan3A_18 : i32 to index
      %swap3A_75 = arith.constant 32 : index
      %swap3A_76 = tpu.vector_load %arg8[%swap3A_74, %swap3A_75] {strides = array<i32>} : memref<64x768xf32, #tpu.memory_space<vmem>>, vector<1x16xf32>,
      %swap3A_77 = vector.shape_cast %swap3A_76 : vector<1x16xf32> to vector<16xf32>
      %swap3A_78 = vector.shape_cast %add3A_73 : vector<16xf32> to vector<1x16xf32>
      tpu.vector_store %arg8[%swap3A_74, %swap3A_75], %swap3A_78 {strides = array<i32>} : memref<64x768xf32, #tpu.memory_space<vmem>>, vector<1x16xf32>,
      %get3A_79 = arith.index_cast %scan3A_18 : i32 to index
      %get3A_80 = arith.constant 48 : index
      %get3A_81 = tpu.vector_load %arg8[%get3A_79, %get3A_80] {strides = array<i32>} : memref<64x768xf32, #tpu.memory_space<vmem>>, vector<1x16xf32>,
      %get3A_82 = vector.shape_cast %get3A_81 : vector<1x16xf32> to vector<16xf32>
      %mul3A_83 = vector.broadcast %squeeze3A : f32 to vector<16xf32>
      %mul3A_84 = arith.mulf %mul3A_83, %get3A_82 : vector<16xf32>
      %get3A_85 = arith.index_cast %scan3A_18 : i32 to index
      %get3A_86 = arith.constant 48 : index
      %get3A_87 = tpu.vector_load %arg9[%get3A_85, %get3A_86] {strides = array<i32>} : memref<64x768xf32, #tpu.memory_space<vmem>>, vector<1x16xf32>,
      %get3A_88 = vector.shape_cast %get3A_87 : vector<1x16xf32> to vector<16xf32>
      %mul3A_89 = vector.broadcast %squeeze3A_25 : f32 to vector<16xf32>
      %mul3A_90 = arith.mulf %mul3A_89, %get3A_88 : vector<16xf32>
      %add3A_91 = arith.addf %mul3A_84, %mul3A_90 : vector<16xf32>
      %swap3A_92 = arith.index_cast %scan3A_18 : i32 to index
      %swap3A_93 = arith.constant 48 : index
      %swap3A_94 = tpu.vector_load %arg8[%swap3A_92, %swap3A_93] {strides = array<i32>} : memref<64x768xf32, #tpu.memory_space<vmem>>, vector<1x16xf32>,
      %swap3A_95 = vector.shape_cast %swap3A_94 : vector<1x16xf32> to vector<16xf32>
      %swap3A_96 = vector.shape_cast %add3A_91 : vector<16xf32> to vector<1x16xf32>
      tpu.vector_store %arg8[%swap3A_92, %swap3A_93], %swap3A_96 {strides = array<i32>} : memref<64x768xf32, #tpu.memory_space<vmem>>, vector<1x16xf32>,
      %get3A_97 = arith.index_cast %scan3A_18 : i32 to index
      %get3A_98 = arith.constant 64 : index
      %get3A_99 = tpu.vector_load %arg8[%get3A_97, %get3A_98] {strides = array<i32>} : memref<64x768xf32, #tpu.memory_space<vmem>>, vector<1x16xf32>,
      %get3A_100 = vector.shape_cast %get3A_99 : vector<1x16xf32> to vector<16xf32>
      %mul3A_101 = vector.broadcast %squeeze3A : f32 to vector<16xf32>
      %mul3A_102 = arith.mulf %mul3A_101, %get3A_100 : vector<16xf32>
      %get3A_103 = arith.index_cast %scan3A_18 : i32 to index
      %get3A_104 = arith.constant 64 : index
      %get3A_105 = tpu.vector_load %arg9[%get3A_103, %get3A_104] {strides = array<i32>} : memref<64x768xf32, #tpu.memory_space<vmem>>, vector<1x16xf32>,
      %get3A_106 = vector.shape_cast %get3A_105 : vector<1x16xf32> to vector<16xf32>
      %mul3A_107 = vector.broadcast %squeeze3A_25 : f32 to vector<16xf32>
      %mul3A_108 = arith.mulf %mul3A_107, %get3A_106 : vector<16xf32>
      %add3A_109 = arith.addf %mul3A_102, %mul3A_108 : vector<16xf32>
      %swap3A_110 = arith.index_cast %scan3A_18 : i32 to index
      %swap3A_111 = arith.constant 64 : index
      %swap3A_112 = tpu.vector_load %arg8[%swap3A_110, %swap3A_111] {strides = array<i32>} : memref<64x768xf32, #tpu.memory_space<vmem>>, vector<1x16xf32>,
      %swap3A_113 = vector.shape_cast %swap3A_112 : vector<1x16xf32> to vector<16xf32>
      %swap3A_114 = vector.shape_cast %add3A_109 : vector<16xf32> to vector<1x16xf32>
      tpu.vector_store %arg8[%swap3A_110, %swap3A_111], %swap3A_114 {strides = array<i32>} : memref<64x768xf32, #tpu.memory_space<vmem>>, vector<1x16xf32>,
      %get3A_115 = arith.index_cast %scan3A_18 : i32 to index
      %get3A_116 = arith.constant 80 : index
      %get3A_117 = tpu.vector_load %arg8[%get3A_115, %get3A_116] {strides = array<i32>} : memref<64x768xf32, #tpu.memory_space<vmem>>, vector<1x16xf32>,
      %get3A_118 = vector.shape_cast %get3A_117 : vector<1x16xf32> to vector<16xf32>
      %mul3A_119 = vector.broadcast %squeeze3A : f32 to vector<16xf32>
      %mul3A_120 = arith.mulf %mul3A_119, %get3A_118 : vector<16xf32>
      %get3A_121 = arith.index_cast %scan3A_18 : i32 to index
      %get3A_122 = arith.constant 80 : index
      %get3A_123 = tpu.vector_load %arg9[%get3A_121, %get3A_122] {strides = array<i32>} : memref<64x768xf32, #tpu.memory_space<vmem>>, vector<1x16xf32>,
      %get3A_124 = vector.shape_cast %get3A_123 : vector<1x16xf32> to vector<16xf32>
      %mul3A_125 = vector.broadcast %squeeze3A_25 : f32 to vector<16xf32>
      %mul3A_126 = arith.mulf %mul3A_125, %get3A_124 : vector<16xf32>
      %add3A_127 = arith.addf %mul3A_120, %mul3A_126 : vector<16xf32>
      %swap3A_128 = arith.index_cast %scan3A_18 : i32 to index
      %swap3A_129 = arith.constant 80 : index
      %swap3A_130 = tpu.vector_load %arg8[%swap3A_128, %swap3A_129] {strides = array<i32>} : memref<64x768xf32, #tpu.memory_space<vmem>>, vector<1x16xf32>,
      %swap3A_131 = vector.shape_cast %swap3A_130 : vector<1x16xf32> to vector<16xf32>
      %swap3A_132 = vector.shape_cast %add3A_127 : vector<16xf32> to vector<1x16xf32>
      tpu.vector_store %arg8[%swap3A_128, %swap3A_129], %swap3A_132 {strides = array<i32>} : memref<64x768xf32, #tpu.memory_space<vmem>>, vector<1x16xf32>,
      %get3A_133 = arith.index_cast %scan3A_18 : i32 to index
      %get3A_134 = arith.constant 96 : index
      %get3A_135 = tpu.vector_load %arg8[%get3A_133, %get3A_134] {strides = array<i32>} : memref<64x768xf32, #tpu.memory_space<vmem>>, vector<1x16xf32>,
      %get3A_136 = vector.shape_cast %get3A_135 : vector<1x16xf32> to vector<16xf32>
      %mul3A_137 = vector.broadcast %squeeze3A : f32 to vector<16xf32>
      %mul3A_138 = arith.mulf %mul3A_137, %get3A_136 : vector<16xf32>
      %get3A_139 = arith.index_cast %scan3A_18 : i32 to index
      %get3A_140 = arith.constant 96 : index
      %get3A_141 = tpu.vector_load %arg9[%get3A_139, %get3A_140] {strides = array<i32>} : memref<64x768xf32, #tpu.memory_space<vmem>>, vector<1x16xf32>,
      %get3A_142 = vector.shape_cast %get3A_141 : vector<1x16xf32> to vector<16xf32>
      %mul3A_143 = vector.broadcast %squeeze3A_25 : f32 to vector<16xf32>
      %mul3A_144 = arith.mulf %mul3A_143, %get3A_142 : vector<16xf32>
      %add3A_145 = arith.addf %mul3A_138, %mul3A_144 : vector<16xf32>
      %swap3A_146 = arith.index_cast %scan3A_18 : i32 to index
      %swap3A_147 = arith.constant 96 : index
      %swap3A_148 = tpu.vector_load %arg8[%swap3A_146, %swap3A_147] {strides = array<i32>} : memref<64x768xf32, #tpu.memory_space<vmem>>, vector<1x16xf32>,
      %swap3A_149 = vector.shape_cast %swap3A_148 : vector<1x16xf32> to vector<16xf32>
      %swap3A_150 = vector.shape_cast %add3A_145 : vector<16xf32> to vector<1x16xf32>
      tpu.vector_store %arg8[%swap3A_146, %swap3A_147], %swap3A_150 {strides = array<i32>} : memref<64x768xf32, #tpu.memory_space<vmem>>, vector<1x16xf32>,
      %get3A_151 = arith.index_cast %scan3A_18 : i32 to index
      %get3A_152 = arith.constant 112 : index
      %get3A_153 = tpu.vector_load %arg8[%get3A_151, %get3A_152] {strides = array<i32>} : memref<64x768xf32, #tpu.memory_space<vmem>>, vector<1x16xf32>,
      %get3A_154 = vector.shape_cast %get3A_153 : vector<1x16xf32> to vector<16xf32>
      %mul3A_155 = vector.broadcast %squeeze3A : f32 to vector<16xf32>
      %mul3A_156 = arith.mulf %mul3A_155, %get3A_154 : vector<16xf32>
      %get3A_157 = arith.index_cast %scan3A_18 : i32 to index
      %get3A_158 = arith.constant 112 : index
      %get3A_159 = tpu.vector_load %arg9[%get3A_157, %get3A_158] {strides = array<i32>} : memref<64x768xf32, #tpu.memory_space<vmem>>, vector<1x16xf32>,
      %get3A_160 = vector.shape_cast %get3A_159 : vector<1x16xf32> to vector<16xf32>
      %mul3A_161 = vector.broadcast %squeeze3A_25 : f32 to vector<16xf32>
      %mul3A_162 = arith.mulf %mul3A_161, %get3A_160 : vector<16xf32>
      %add3A_163 = arith.addf %mul3A_156, %mul3A_162 : vector<16xf32>
      %swap3A_164 = arith.index_cast %scan3A_18 : i32 to index
      %swap3A_165 = arith.constant 112 : index
      %swap3A_166 = tpu.vector_load %arg8[%swap3A_164, %swap3A_165] {strides = array<i32>} : memref<64x768xf32, #tpu.memory_space<vmem>>, vector<1x16xf32>,
      %swap3A_167 = vector.shape_cast %swap3A_166 : vector<1x16xf32> to vector<16xf32>
      %swap3A_168 = vector.shape_cast %add3A_163 : vector<16xf32> to vector<1x16xf32>
      tpu.vector_store %arg8[%swap3A_164, %swap3A_165], %swap3A_168 {strides = array<i32>} : memref<64x768xf32, #tpu.memory_space<vmem>>, vector<1x16xf32>,
      %get3A_169 = arith.index_cast %scan3A_18 : i32 to index
      %get3A_170 = arith.constant 128 : index
      %get3A_171 = tpu.vector_load %arg8[%get3A_169, %get3A_170] {strides = array<i32>} : memref<64x768xf32, #tpu.memory_space<vmem>>, vector<1x16xf32>,
      %get3A_172 = vector.shape_cast %get3A_171 : vector<1x16xf32> to vector<16xf32>
      %mul3A_173 = vector.broadcast %squeeze3A : f32 to vector<16xf32>
      %mul3A_174 = arith.mulf %mul3A_173, %get3A_172 : vector<16xf32>
      %get3A_175 = arith.index_cast %scan3A_18 : i32 to index
      %get3A_176 = arith.constant 128 : index
      %get3A_177 = tpu.vector_load %arg9[%get3A_175, %get3A_176] {strides = array<i32>} : memref<64x768xf32, #tpu.memory_space<vmem>>, vector<1x16xf32>,
      %get3A_178 = vector.shape_cast %get3A_177 : vector<1x16xf32> to vector<16xf32>
      %mul3A_179 = vector.broadcast %squeeze3A_25 : f32 to vector<16xf32>
      %mul3A_180 = arith.mulf %mul3A_179, %get3A_178 : vector<16xf32>
      %add3A_181 = arith.addf %mul3A_174, %mul3A_180 : vector<16xf32>
      %swap3A_182 = arith.index_cast %scan3A_18 : i32 to index
      %swap3A_183 = arith.constant 128 : index
      %swap3A_184 = tpu.vector_load %arg8[%swap3A_182, %swap3A_183] {strides = array<i32>} : memref<64x768xf32, #tpu.memory_space<vmem>>, vector<1x16xf32>,
      %swap3A_185 = vector.shape_cast %swap3A_184 : vector<1x16xf32> to vector<16xf32>
      %swap3A_186 = vector.shape_cast %add3A_181 : vector<16xf32> to vector<1x16xf32>
      tpu.vector_store %arg8[%swap3A_182, %swap3A_183], %swap3A_186 {strides = array<i32>} : memref<64x768xf32, #tpu.memory_space<vmem>>, vector<1x16xf32>,
      %get3A_187 = arith.index_cast %scan3A_18 : i32 to index
      %get3A_188 = arith.constant 144 : index
      %get3A_189 = tpu.vector_load %arg8[%get3A_187, %get3A_188] {strides = array<i32>} : memref<64x768xf32, #tpu.memory_space<vmem>>, vector<1x16xf32>,
      %get3A_190 = vector.shape_cast %get3A_189 : vector<1x16xf32> to vector<16xf32>
      %mul3A_191 = vector.broadcast %squeeze3A : f32 to vector<16xf32>
      %mul3A_192 = arith.mulf %mul3A_191, %get3A_190 : vector<16xf32>
      %get3A_193 = arith.index_cast %scan3A_18 : i32 to index
      %get3A_194 = arith.constant 144 : index
      %get3A_195 = tpu.vector_load %arg9[%get3A_193, %get3A_194] {strides = array<i32>} : memref<64x768xf32, #tpu.memory_space<vmem>>, vector<1x16xf32>,
      %get3A_196 = vector.shape_cast %get3A_195 : vector<1x16xf32> to vector<16xf32>
      %mul3A_197 = vector.broadcast %squeeze3A_25 : f32 to vector<16xf32>
      %mul3A_198 = arith.mulf %mul3A_197, %get3A_196 : vector<16xf32>
      %add3A_199 = arith.addf %mul3A_192, %mul3A_198 : vector<16xf32>
      %swap3A_200 = arith.index_cast %scan3A_18 : i32 to index
      %swap3A_201 = arith.constant 144 : index
      %swap3A_202 = tpu.vector_load %arg8[%swap3A_200, %swap3A_201] {strides = array<i32>} : memref<64x768xf32, #tpu.memory_space<vmem>>, vector<1x16xf32>,
      %swap3A_203 = vector.shape_cast %swap3A_202 : vector<1x16xf32> to vector<16xf32>
      %swap3A_204 = vector.shape_cast %add3A_199 : vector<16xf32> to vector<1x16xf32>
      tpu.vector_store %arg8[%swap3A_200, %swap3A_201], %swap3A_204 {strides = array<i32>} : memref<64x768xf32, #tpu.memory_space<vmem>>, vector<1x16xf32>,
      %get3A_205 = arith.index_cast %scan3A_18 : i32 to index
      %get3A_206 = arith.constant 160 : index
      %get3A_207 = tpu.vector_load %arg8[%get3A_205, %get3A_206] {strides = array<i32>} : memref<64x768xf32, #tpu.memory_space<vmem>>, vector<1x16xf32>,
      %get3A_208 = vector.shape_cast %get3A_207 : vector<1x16xf32> to vector<16xf32>
      %mul3A_209 = vector.broadcast %squeeze3A : f32 to vector<16xf32>
      %mul3A_210 = arith.mulf %mul3A_209, %get3A_208 : vector<16xf32>
      %get3A_211 = arith.index_cast %scan3A_18 : i32 to index
      %get3A_212 = arith.constant 160 : index
      %get3A_213 = tpu.vector_load %arg9[%get3A_211, %get3A_212] {strides = array<i32>} : memref<64x768xf32, #tpu.memory_space<vmem>>, vector<1x16xf32>,
      %get3A_214 = vector.shape_cast %get3A_213 : vector<1x16xf32> to vector<16xf32>
      %mul3A_215 = vector.broadcast %squeeze3A_25 : f32 to vector<16xf32>
      %mul3A_216 = arith.mulf %mul3A_215, %get3A_214 : vector<16xf32>
      %add3A_217 = arith.addf %mul3A_210, %mul3A_216 : vector<16xf32>
      %swap3A_218 = arith.index_cast %scan3A_18 : i32 to index
      %swap3A_219 = arith.constant 160 : index
      %swap3A_220 = tpu.vector_load %arg8[%swap3A_218, %swap3A_219] {strides = array<i32>} : memref<64x768xf32, #tpu.memory_space<vmem>>, vector<1x16xf32>,
      %swap3A_221 = vector.shape_cast %swap3A_220 : vector<1x16xf32> to vector<16xf32>
      %swap3A_222 = vector.shape_cast %add3A_217 : vector<16xf32> to vector<1x16xf32>
      tpu.vector_store %arg8[%swap3A_218, %swap3A_219], %swap3A_222 {strides = array<i32>} : memref<64x768xf32, #tpu.memory_space<vmem>>, vector<1x16xf32>,
      %get3A_223 = arith.index_cast %scan3A_18 : i32 to index
      %get3A_224 = arith.constant 176 : index
      %get3A_225 = tpu.vector_load %arg8[%get3A_223, %get3A_224] {strides = array<i32>} : memref<64x768xf32, #tpu.memory_space<vmem>>, vector<1x16xf32>,
      %get3A_226 = vector.shape_cast %get3A_225 : vector<1x16xf32> to vector<16xf32>
      %mul3A_227 = vector.broadcast %squeeze3A : f32 to vector<16xf32>
      %mul3A_228 = arith.mulf %mul3A_227, %get3A_226 : vector<16xf32>
      %get3A_229 = arith.index_cast %scan3A_18 : i32 to index
      %get3A_230 = arith.constant 176 : index
      %get3A_231 = tpu.vector_load %arg9[%get3A_229, %get3A_230] {strides = array<i32>} : memref<64x768xf32, #tpu.memory_space<vmem>>, vector<1x16xf32>,
      %get3A_232 = vector.shape_cast %get3A_231 : vector<1x16xf32> to vector<16xf32>
      %mul3A_233 = vector.broadcast %squeeze3A_25 : f32 to vector<16xf32>
      %mul3A_234 = arith.mulf %mul3A_233, %get3A_232 : vector<16xf32>
      %add3A_235 = arith.addf %mul3A_228, %mul3A_234 : vector<16xf32>
      %swap3A_236 = arith.index_cast %scan3A_18 : i32 to index
      %swap3A_237 = arith.constant 176 : index
      %swap3A_238 = tpu.vector_load %arg8[%swap3A_236, %swap3A_237] {strides = array<i32>} : memref<64x768xf32, #tpu.memory_space<vmem>>, vector<1x16xf32>,
      %swap3A_239 = vector.shape_cast %swap3A_238 : vector<1x16xf32> to vector<16xf32>
      %swap3A_240 = vector.shape_cast %add3A_235 : vector<16xf32> to vector<1x16xf32>
      tpu.vector_store %arg8[%swap3A_236, %swap3A_237], %swap3A_240 {strides = array<i32>} : memref<64x768xf32, #tpu.memory_space<vmem>>, vector<1x16xf32>,
      %get3A_241 = arith.index_cast %scan3A_18 : i32 to index
      %get3A_242 = arith.constant 192 : index
      %get3A_243 = tpu.vector_load %arg8[%get3A_241, %get3A_242] {strides = array<i32>} : memref<64x768xf32, #tpu.memory_space<vmem>>, vector<1x16xf32>,
      %get3A_244 = vector.shape_cast %get3A_243 : vector<1x16xf32> to vector<16xf32>
      %mul3A_245 = vector.broadcast %squeeze3A : f32 to vector<16xf32>
      %mul3A_246 = arith.mulf %mul3A_245, %get3A_244 : vector<16xf32>
      %get3A_247 = arith.index_cast %scan3A_18 : i32 to index
      %get3A_248 = arith.constant 192 : index
      %get3A_249 = tpu.vector_load %arg9[%get3A_247, %get3A_248] {strides = array<i32>} : memref<64x768xf32, #tpu.memory_space<vmem>>, vector<1x16xf32>,
      %get3A_250 = vector.shape_cast %get3A_249 : vector<1x16xf32> to vector<16xf32>
      %mul3A_251 = vector.broadcast %squeeze3A_25 : f32 to vector<16xf32>
      %mul3A_252 = arith.mulf %mul3A_251, %get3A_250 : vector<16xf32>
      %add3A_253 = arith.addf %mul3A_246, %mul3A_252 : vector<16xf32>
      %swap3A_254 = arith.index_cast %scan3A_18 : i32 to index
      %swap3A_255 = arith.constant 192 : index
      %swap3A_256 = tpu.vector_load %arg8[%swap3A_254, %swap3A_255] {strides = array<i32>} : memref<64x768xf32, #tpu.memory_space<vmem>>, vector<1x16xf32>,
      %swap3A_257 = vector.shape_cast %swap3A_256 : vector<1x16xf32> to vector<16xf32>
      %swap3A_258 = vector.shape_cast %add3A_253 : vector<16xf32> to vector<1x16xf32>
      tpu.vector_store %arg8[%swap3A_254, %swap3A_255], %swap3A_258 {strides = array<i32>} : memref<64x768xf32, #tpu.memory_space<vmem>>, vector<1x16xf32>,
      %get3A_259 = arith.index_cast %scan3A_18 : i32 to index
      %get3A_260 = arith.constant 208 : index
      %get3A_261 = tpu.vector_load %arg8[%get3A_259, %get3A_260] {strides = array<i32>} : memref<64x768xf32, #tpu.memory_space<vmem>>, vector<1x16xf32>,
      %get3A_262 = vector.shape_cast %get3A_261 : vector<1x16xf32> to vector<16xf32>
      %mul3A_263 = vector.broadcast %squeeze3A : f32 to vector<16xf32>
      %mul3A_264 = arith.mulf %mul3A_263, %get3A_262 : vector<16xf32>
      %get3A_265 = arith.index_cast %scan3A_18 : i32 to index
      %get3A_266 = arith.constant 208 : index
      %get3A_267 = tpu.vector_load %arg9[%get3A_265, %get3A_266] {strides = array<i32>} : memref<64x768xf32, #tpu.memory_space<vmem>>, vector<1x16xf32>,
      %get3A_268 = vector.shape_cast %get3A_267 : vector<1x16xf32> to vector<16xf32>
      %mul3A_269 = vector.broadcast %squeeze3A_25 : f32 to vector<16xf32>
      %mul3A_270 = arith.mulf %mul3A_269, %get3A_268 : vector<16xf32>
      %add3A_271 = arith.addf %mul3A_264, %mul3A_270 : vector<16xf32>
      %swap3A_272 = arith.index_cast %scan3A_18 : i32 to index
      %swap3A_273 = arith.constant 208 : index
      %swap3A_274 = tpu.vector_load %arg8[%swap3A_272, %swap3A_273] {strides = array<i32>} : memref<64x768xf32, #tpu.memory_space<vmem>>, vector<1x16xf32>,
      %swap3A_275 = vector.shape_cast %swap3A_274 : vector<1x16xf32> to vector<16xf32>
      %swap3A_276 = vector.shape_cast %add3A_271 : vector<16xf32> to vector<1x16xf32>
      tpu.vector_store %arg8[%swap3A_272, %swap3A_273], %swap3A_276 {strides = array<i32>} : memref<64x768xf32, #tpu.memory_space<vmem>>, vector<1x16xf32>,
      %get3A_277 = arith.index_cast %scan3A_18 : i32 to index
      %get3A_278 = arith.constant 224 : index
      %get3A_279 = tpu.vector_load %arg8[%get3A_277, %get3A_278] {strides = array<i32>} : memref<64x768xf32, #tpu.memory_space<vmem>>, vector<1x16xf32>,
      %get3A_280 = vector.shape_cast %get3A_279 : vector<1x16xf32> to vector<16xf32>
      %mul3A_281 = vector.broadcast %squeeze3A : f32 to vector<16xf32>
      %mul3A_282 = arith.mulf %mul3A_281, %get3A_280 : vector<16xf32>
      %get3A_283 = arith.index_cast %scan3A_18 : i32 to index
      %get3A_284 = arith.constant 224 : index
      %get3A_285 = tpu.vector_load %arg9[%get3A_283, %get3A_284] {strides = array<i32>} : memref<64x768xf32, #tpu.memory_space<vmem>>, vector<1x16xf32>,
      %get3A_286 = vector.shape_cast %get3A_285 : vector<1x16xf32> to vector<16xf32>
      %mul3A_287 = vector.broadcast %squeeze3A_25 : f32 to vector<16xf32>
      %mul3A_288 = arith.mulf %mul3A_287, %get3A_286 : vector<16xf32>
      %add3A_289 = arith.addf %mul3A_282, %mul3A_288 : vector<16xf32>
      %swap3A_290 = arith.index_cast %scan3A_18 : i32 to index
      %swap3A_291 = arith.constant 224 : index
      %swap3A_292 = tpu.vector_load %arg8[%swap3A_290, %swap3A_291] {strides = array<i32>} : memref<64x768xf32, #tpu.memory_space<vmem>>, vector<1x16xf32>,
      %swap3A_293 = vector.shape_cast %swap3A_292 : vector<1x16xf32> to vector<16xf32>
      %swap3A_294 = vector.shape_cast %add3A_289 : vector<16xf32> to vector<1x16xf32>
      tpu.vector_store %arg8[%swap3A_290, %swap3A_291], %swap3A_294 {strides = array<i32>} : memref<64x768xf32, #tpu.memory_space<vmem>>, vector<1x16xf32>,
      %get3A_295 = arith.index_cast %scan3A_18 : i32 to index
      %get3A_296 = arith.constant 240 : index
      %get3A_297 = tpu.vector_load %arg8[%get3A_295, %get3A_296] {strides = array<i32>} : memref<64x768xf32, #tpu.memory_space<vmem>>, vector<1x16xf32>,
      %get3A_298 = vector.shape_cast %get3A_297 : vector<1x16xf32> to vector<16xf32>
      %mul3A_299 = vector.broadcast %squeeze3A : f32 to vector<16xf32>
      %mul3A_300 = arith.mulf %mul3A_299, %get3A_298 : vector<16xf32>
      %get3A_301 = arith.index_cast %scan3A_18 : i32 to index
      %get3A_302 = arith.constant 240 : index
      %get3A_303 = tpu.vector_load %arg9[%get3A_301, %get3A_302] {strides = array<i32>} : memref<64x768xf32, #tpu.memory_space<vmem>>, vector<1x16xf32>,
      %get3A_304 = vector.shape_cast %get3A_303 : vector<1x16xf32> to vector<16xf32>
      %mul3A_305 = vector.broadcast %squeeze3A_25 : f32 to vector<16xf32>
      %mul3A_306 = arith.mulf %mul3A_305, %get3A_304 : vector<16xf32>
      %add3A_307 = arith.addf %mul3A_300, %mul3A_306 : vector<16xf32>
      %swap3A_308 = arith.index_cast %scan3A_18 : i32 to index
      %swap3A_309 = arith.constant 240 : index
      %swap3A_310 = tpu.vector_load %arg8[%swap3A_308, %swap3A_309] {strides = array<i32>} : memref<64x768xf32, #tpu.memory_space<vmem>>, vector<1x16xf32>,
      %swap3A_311 = vector.shape_cast %swap3A_310 : vector<1x16xf32> to vector<16xf32>
      %swap3A_312 = vector.shape_cast %add3A_307 : vector<16xf32> to vector<1x16xf32>
      tpu.vector_store %arg8[%swap3A_308, %swap3A_309], %swap3A_312 {strides = array<i32>} : memref<64x768xf32, #tpu.memory_space<vmem>>, vector<1x16xf32>,
      %get3A_313 = arith.index_cast %scan3A_18 : i32 to index
      %get3A_314 = arith.constant 256 : index
      %get3A_315 = tpu.vector_load %arg8[%get3A_313, %get3A_314] {strides = array<i32>} : memref<64x768xf32, #tpu.memory_space<vmem>>, vector<1x16xf32>,
      %get3A_316 = vector.shape_cast %get3A_315 : vector<1x16xf32> to vector<16xf32>
      %mul3A_317 = vector.broadcast %squeeze3A : f32 to vector<16xf32>
      %mul3A_318 = arith.mulf %mul3A_317, %get3A_316 : vector<16xf32>
      %get3A_319 = arith.index_cast %scan3A_18 : i32 to index
      %get3A_320 = arith.constant 256 : index
      %get3A_321 = tpu.vector_load %arg9[%get3A_319, %get3A_320] {strides = array<i32>} : memref<64x768xf32, #tpu.memory_space<vmem>>, vector<1x16xf32>,
      %get3A_322 = vector.shape_cast %get3A_321 : vector<1x16xf32> to vector<16xf32>
      %mul3A_323 = vector.broadcast %squeeze3A_25 : f32 to vector<16xf32>
      %mul3A_324 = arith.mulf %mul3A_323, %get3A_322 : vector<16xf32>
      %add3A_325 = arith.addf %mul3A_318, %mul3A_324 : vector<16xf32>
      %swap3A_326 = arith.index_cast %scan3A_18 : i32 to index
      %swap3A_327 = arith.constant 256 : index
      %swap3A_328 = tpu.vector_load %arg8[%swap3A_326, %swap3A_327] {strides = array<i32>} : memref<64x768xf32, #tpu.memory_space<vmem>>, vector<1x16xf32>,
      %swap3A_329 = vector.shape_cast %swap3A_328 : vector<1x16xf32> to vector<16xf32>
      %swap3A_330 = vector.shape_cast %add3A_325 : vector<16xf32> to vector<1x16xf32>
      tpu.vector_store %arg8[%swap3A_326, %swap3A_327], %swap3A_330 {strides = array<i32>} : memref<64x768xf32, #tpu.memory_space<vmem>>, vector<1x16xf32>,
      %get3A_331 = arith.index_cast %scan3A_18 : i32 to index
      %get3A_332 = arith.constant 272 : index
      %get3A_333 = tpu.vector_load %arg8[%get3A_331, %get3A_332] {strides = array<i32>} : memref<64x768xf32, #tpu.memory_space<vmem>>, vector<1x16xf32>,
      %get3A_334 = vector.shape_cast %get3A_333 : vector<1x16xf32> to vector<16xf32>
      %mul3A_335 = vector.broadcast %squeeze3A : f32 to vector<16xf32>
      %mul3A_336 = arith.mulf %mul3A_335, %get3A_334 : vector<16xf32>
      %get3A_337 = arith.index_cast %scan3A_18 : i32 to index
      %get3A_338 = arith.constant 272 : index
      %get3A_339 = tpu.vector_load %arg9[%get3A_337, %get3A_338] {strides = array<i32>} : memref<64x768xf32, #tpu.memory_space<vmem>>, vector<1x16xf32>,
      %get3A_340 = vector.shape_cast %get3A_339 : vector<1x16xf32> to vector<16xf32>
      %mul3A_341 = vector.broadcast %squeeze3A_25 : f32 to vector<16xf32>
      %mul3A_342 = arith.mulf %mul3A_341, %get3A_340 : vector<16xf32>
      %add3A_343 = arith.addf %mul3A_336, %mul3A_342 : vector<16xf32>
      %swap3A_344 = arith.index_cast %scan3A_18 : i32 to index
      %swap3A_345 = arith.constant 272 : index
      %swap3A_346 = tpu.vector_load %arg8[%swap3A_344, %swap3A_345] {strides = array<i32>} : memref<64x768xf32, #tpu.memory_space<vmem>>, vector<1x16xf32>,
      %swap3A_347 = vector.shape_cast %swap3A_346 : vector<1x16xf32> to vector<16xf32>
      %swap3A_348 = vector.shape_cast %add3A_343 : vector<16xf32> to vector<1x16xf32>
      tpu.vector_store %arg8[%swap3A_344, %swap3A_345], %swap3A_348 {strides = array<i32>} : memref<64x768xf32, #tpu.memory_space<vmem>>, vector<1x16xf32>,
      %get3A_349 = arith.index_cast %scan3A_18 : i32 to index
      %get3A_350 = arith.constant 288 : index
      %get3A_351 = tpu.vector_load %arg8[%get3A_349, %get3A_350] {strides = array<i32>} : memref<64x768xf32, #tpu.memory_space<vmem>>, vector<1x16xf32>,
      %get3A_352 = vector.shape_cast %get3A_351 : vector<1x16xf32> to vector<16xf32>
      %mul3A_353 = vector.broadcast %squeeze3A : f32 to vector<16xf32>
      %mul3A_354 = arith.mulf %mul3A_353, %get3A_352 : vector<16xf32>
      %get3A_355 = arith.index_cast %scan3A_18 : i32 to index
      %get3A_356 = arith.constant 288 : index
      %get3A_357 = tpu.vector_load %arg9[%get3A_355, %get3A_356] {strides = array<i32>} : memref<64x768xf32, #tpu.memory_space<vmem>>, vector<1x16xf32>,
      %get3A_358 = vector.shape_cast %get3A_357 : vector<1x16xf32> to vector<16xf32>
      %mul3A_359 = vector.broadcast %squeeze3A_25 : f32 to vector<16xf32>
      %mul3A_360 = arith.mulf %mul3A_359, %get3A_358 : vector<16xf32>
      %add3A_361 = arith.addf %mul3A_354, %mul3A_360 : vector<16xf32>
      %swap3A_362 = arith.index_cast %scan3A_18 : i32 to index
      %swap3A_363 = arith.constant 288 : index
      %swap3A_364 = tpu.vector_load %arg8[%swap3A_362, %swap3A_363] {strides = array<i32>} : memref<64x768xf32, #tpu.memory_space<vmem>>, vector<1x16xf32>,
      %swap3A_365 = vector.shape_cast %swap3A_364 : vector<1x16xf32> to vector<16xf32>
      %swap3A_366 = vector.shape_cast %add3A_361 : vector<16xf32> to vector<1x16xf32>
      tpu.vector_store %arg8[%swap3A_362, %swap3A_363], %swap3A_366 {strides = array<i32>} : memref<64x768xf32, #tpu.memory_space<vmem>>, vector<1x16xf32>,
      %get3A_367 = arith.index_cast %scan3A_18 : i32 to index
      %get3A_368 = arith.constant 304 : index
      %get3A_369 = tpu.vector_load %arg8[%get3A_367, %get3A_368] {strides = array<i32>} : memref<64x768xf32, #tpu.memory_space<vmem>>, vector<1x16xf32>,
      %get3A_370 = vector.shape_cast %get3A_369 : vector<1x16xf32> to vector<16xf32>
      %mul3A_371 = vector.broadcast %squeeze3A : f32 to vector<16xf32>
      %mul3A_372 = arith.mulf %mul3A_371, %get3A_370 : vector<16xf32>
      %get3A_373 = arith.index_cast %scan3A_18 : i32 to index
      %get3A_374 = arith.constant 304 : index
      %get3A_375 = tpu.vector_load %arg9[%get3A_373, %get3A_374] {strides = array<i32>} : memref<64x768xf32, #tpu.memory_space<vmem>>, vector<1x16xf32>,
      %get3A_376 = vector.shape_cast %get3A_375 : vector<1x16xf32> to vector<16xf32>
      %mul3A_377 = vector.broadcast %squeeze3A_25 : f32 to vector<16xf32>
      %mul3A_378 = arith.mulf %mul3A_377, %get3A_376 : vector<16xf32>
      %add3A_379 = arith.addf %mul3A_372, %mul3A_378 : vector<16xf32>
      %swap3A_380 = arith.index_cast %scan3A_18 : i32 to index
      %swap3A_381 = arith.constant 304 : index
      %swap3A_382 = tpu.vector_load %arg8[%swap3A_380, %swap3A_381] {strides = array<i32>} : memref<64x768xf32, #tpu.memory_space<vmem>>, vector<1x16xf32>,
      %swap3A_383 = vector.shape_cast %swap3A_382 : vector<1x16xf32> to vector<16xf32>
      %swap3A_384 = vector.shape_cast %add3A_379 : vector<16xf32> to vector<1x16xf32>
      tpu.vector_store %arg8[%swap3A_380, %swap3A_381], %swap3A_384 {strides = array<i32>} : memref<64x768xf32, #tpu.memory_space<vmem>>, vector<1x16xf32>,
      %get3A_385 = arith.index_cast %scan3A_18 : i32 to index
      %get3A_386 = arith.constant 320 : index
      %get3A_387 = tpu.vector_load %arg8[%get3A_385, %get3A_386] {strides = array<i32>} : memref<64x768xf32, #tpu.memory_space<vmem>>, vector<1x16xf32>,
      %get3A_388 = vector.shape_cast %get3A_387 : vector<1x16xf32> to vector<16xf32>
      %mul3A_389 = vector.broadcast %squeeze3A : f32 to vector<16xf32>
      %mul3A_390 = arith.mulf %mul3A_389, %get3A_388 : vector<16xf32>
      %get3A_391 = arith.index_cast %scan3A_18 : i32 to index
      %get3A_392 = arith.constant 320 : index
      %get3A_393 = tpu.vector_load %arg9[%get3A_391, %get3A_392] {strides = array<i32>} : memref<64x768xf32, #tpu.memory_space<vmem>>, vector<1x16xf32>,
      %get3A_394 = vector.shape_cast %get3A_393 : vector<1x16xf32> to vector<16xf32>
      %mul3A_395 = vector.broadcast %squeeze3A_25 : f32 to vector<16xf32>
      %mul3A_396 = arith.mulf %mul3A_395, %get3A_394 : vector<16xf32>
      %add3A_397 = arith.addf %mul3A_390, %mul3A_396 : vector<16xf32>
      %swap3A_398 = arith.index_cast %scan3A_18 : i32 to index
      %swap3A_399 = arith.constant 320 : index
      %swap3A_400 = tpu.vector_load %arg8[%swap3A_398, %swap3A_399] {strides = array<i32>} : memref<64x768xf32, #tpu.memory_space<vmem>>, vector<1x16xf32>,
      %swap3A_401 = vector.shape_cast %swap3A_400 : vector<1x16xf32> to vector<16xf32>
      %swap3A_402 = vector.shape_cast %add3A_397 : vector<16xf32> to vector<1x16xf32>
      tpu.vector_store %arg8[%swap3A_398, %swap3A_399], %swap3A_402 {strides = array<i32>} : memref<64x768xf32, #tpu.memory_space<vmem>>, vector<1x16xf32>,
      %get3A_403 = arith.index_cast %scan3A_18 : i32 to index
      %get3A_404 = arith.constant 336 : index
      %get3A_405 = tpu.vector_load %arg8[%get3A_403, %get3A_404] {strides = array<i32>} : memref<64x768xf32, #tpu.memory_space<vmem>>, vector<1x16xf32>,
      %get3A_406 = vector.shape_cast %get3A_405 : vector<1x16xf32> to vector<16xf32>
      %mul3A_407 = vector.broadcast %squeeze3A : f32 to vector<16xf32>
      %mul3A_408 = arith.mulf %mul3A_407, %get3A_406 : vector<16xf32>
      %get3A_409 = arith.index_cast %scan3A_18 : i32 to index
      %get3A_410 = arith.constant 336 : index
      %get3A_411 = tpu.vector_load %arg9[%get3A_409, %get3A_410] {strides = array<i32>} : memref<64x768xf32, #tpu.memory_space<vmem>>, vector<1x16xf32>,
      %get3A_412 = vector.shape_cast %get3A_411 : vector<1x16xf32> to vector<16xf32>
      %mul3A_413 = vector.broadcast %squeeze3A_25 : f32 to vector<16xf32>
      %mul3A_414 = arith.mulf %mul3A_413, %get3A_412 : vector<16xf32>
      %add3A_415 = arith.addf %mul3A_408, %mul3A_414 : vector<16xf32>
      %swap3A_416 = arith.index_cast %scan3A_18 : i32 to index
      %swap3A_417 = arith.constant 336 : index
      %swap3A_418 = tpu.vector_load %arg8[%swap3A_416, %swap3A_417] {strides = array<i32>} : memref<64x768xf32, #tpu.memory_space<vmem>>, vector<1x16xf32>,
      %swap3A_419 = vector.shape_cast %swap3A_418 : vector<1x16xf32> to vector<16xf32>
      %swap3A_420 = vector.shape_cast %add3A_415 : vector<16xf32> to vector<1x16xf32>
      tpu.vector_store %arg8[%swap3A_416, %swap3A_417], %swap3A_420 {strides = array<i32>} : memref<64x768xf32, #tpu.memory_space<vmem>>, vector<1x16xf32>,
      %get3A_421 = arith.index_cast %scan3A_18 : i32 to index
      %get3A_422 = arith.constant 352 : index
      %get3A_423 = tpu.vector_load %arg8[%get3A_421, %get3A_422] {strides = array<i32>} : memref<64x768xf32, #tpu.memory_space<vmem>>, vector<1x16xf32>,
      %get3A_424 = vector.shape_cast %get3A_423 : vector<1x16xf32> to vector<16xf32>
      %mul3A_425 = vector.broadcast %squeeze3A : f32 to vector<16xf32>
      %mul3A_426 = arith.mulf %mul3A_425, %get3A_424 : vector<16xf32>
      %get3A_427 = arith.index_cast %scan3A_18 : i32 to index
      %get3A_428 = arith.constant 352 : index
      %get3A_429 = tpu.vector_load %arg9[%get3A_427, %get3A_428] {strides = array<i32>} : memref<64x768xf32, #tpu.memory_space<vmem>>, vector<1x16xf32>,
      %get3A_430 = vector.shape_cast %get3A_429 : vector<1x16xf32> to vector<16xf32>
      %mul3A_431 = vector.broadcast %squeeze3A_25 : f32 to vector<16xf32>
      %mul3A_432 = arith.mulf %mul3A_431, %get3A_430 : vector<16xf32>
      %add3A_433 = arith.addf %mul3A_426, %mul3A_432 : vector<16xf32>
      %swap3A_434 = arith.index_cast %scan3A_18 : i32 to index
      %swap3A_435 = arith.constant 352 : index
      %swap3A_436 = tpu.vector_load %arg8[%swap3A_434, %swap3A_435] {strides = array<i32>} : memref<64x768xf32, #tpu.memory_space<vmem>>, vector<1x16xf32>,
      %swap3A_437 = vector.shape_cast %swap3A_436 : vector<1x16xf32> to vector<16xf32>
      %swap3A_438 = vector.shape_cast %add3A_433 : vector<16xf32> to vector<1x16xf32>
      tpu.vector_store %arg8[%swap3A_434, %swap3A_435], %swap3A_438 {strides = array<i32>} : memref<64x768xf32, #tpu.memory_space<vmem>>, vector<1x16xf32>,
      %get3A_439 = arith.index_cast %scan3A_18 : i32 to index
      %get3A_440 = arith.constant 368 : index
      %get3A_441 = tpu.vector_load %arg8[%get3A_439, %get3A_440] {strides = array<i32>} : memref<64x768xf32, #tpu.memory_space<vmem>>, vector<1x16xf32>,
      %get3A_442 = vector.shape_cast %get3A_441 : vector<1x16xf32> to vector<16xf32>
      %mul3A_443 = vector.broadcast %squeeze3A : f32 to vector<16xf32>
      %mul3A_444 = arith.mulf %mul3A_443, %get3A_442 : vector<16xf32>
      %get3A_445 = arith.index_cast %scan3A_18 : i32 to index
      %get3A_446 = arith.constant 368 : index
      %get3A_447 = tpu.vector_load %arg9[%get3A_445, %get3A_446] {strides = array<i32>} : memref<64x768xf32, #tpu.memory_space<vmem>>, vector<1x16xf32>,
      %get3A_448 = vector.shape_cast %get3A_447 : vector<1x16xf32> to vector<16xf32>
      %mul3A_449 = vector.broadcast %squeeze3A_25 : f32 to vector<16xf32>
      %mul3A_450 = arith.mulf %mul3A_449, %get3A_448 : vector<16xf32>
      %add3A_451 = arith.addf %mul3A_444, %mul3A_450 : vector<16xf32>
      %swap3A_452 = arith.index_cast %scan3A_18 : i32 to index
      %swap3A_453 = arith.constant 368 : index
      %swap3A_454 = tpu.vector_load %arg8[%swap3A_452, %swap3A_453] {strides = array<i32>} : memref<64x768xf32, #tpu.memory_space<vmem>>, vector<1x16xf32>,
      %swap3A_455 = vector.shape_cast %swap3A_454 : vector<1x16xf32> to vector<16xf32>
      %swap3A_456 = vector.shape_cast %add3A_451 : vector<16xf32> to vector<1x16xf32>
      tpu.vector_store %arg8[%swap3A_452, %swap3A_453], %swap3A_456 {strides = array<i32>} : memref<64x768xf32, #tpu.memory_space<vmem>>, vector<1x16xf32>,
      %get3A_457 = arith.index_cast %scan3A_18 : i32 to index
      %get3A_458 = arith.constant 384 : index
      %get3A_459 = tpu.vector_load %arg8[%get3A_457, %get3A_458] {strides = array<i32>} : memref<64x768xf32, #tpu.memory_space<vmem>>, vector<1x16xf32>,
      %get3A_460 = vector.shape_cast %get3A_459 : vector<1x16xf32> to vector<16xf32>
      %mul3A_461 = vector.broadcast %squeeze3A : f32 to vector<16xf32>
      %mul3A_462 = arith.mulf %mul3A_461, %get3A_460 : vector<16xf32>
      %get3A_463 = arith.index_cast %scan3A_18 : i32 to index
      %get3A_464 = arith.constant 384 : index
      %get3A_465 = tpu.vector_load %arg9[%get3A_463, %get3A_464] {strides = array<i32>} : memref<64x768xf32, #tpu.memory_space<vmem>>, vector<1x16xf32>,
      %get3A_466 = vector.shape_cast %get3A_465 : vector<1x16xf32> to vector<16xf32>
      %mul3A_467 = vector.broadcast %squeeze3A_25 : f32 to vector<16xf32>
      %mul3A_468 = arith.mulf %mul3A_467, %get3A_466 : vector<16xf32>
      %add3A_469 = arith.addf %mul3A_462, %mul3A_468 : vector<16xf32>
      %swap3A_470 = arith.index_cast %scan3A_18 : i32 to index
      %swap3A_471 = arith.constant 384 : index
      %swap3A_472 = tpu.vector_load %arg8[%swap3A_470, %swap3A_471] {strides = array<i32>} : memref<64x768xf32, #tpu.memory_space<vmem>>, vector<1x16xf32>,
      %swap3A_473 = vector.shape_cast %swap3A_472 : vector<1x16xf32> to vector<16xf32>
      %swap3A_474 = vector.shape_cast %add3A_469 : vector<16xf32> to vector<1x16xf32>
      tpu.vector_store %arg8[%swap3A_470, %swap3A_471], %swap3A_474 {strides = array<i32>} : memref<64x768xf32, #tpu.memory_space<vmem>>, vector<1x16xf32>,
      %get3A_475 = arith.index_cast %scan3A_18 : i32 to index
      %get3A_476 = arith.constant 400 : index
      %get3A_477 = tpu.vector_load %arg8[%get3A_475, %get3A_476] {strides = array<i32>} : memref<64x768xf32, #tpu.memory_space<vmem>>, vector<1x16xf32>,
      %get3A_478 = vector.shape_cast %get3A_477 : vector<1x16xf32> to vector<16xf32>
      %mul3A_479 = vector.broadcast %squeeze3A : f32 to vector<16xf32>
      %mul3A_480 = arith.mulf %mul3A_479, %get3A_478 : vector<16xf32>
      %get3A_481 = arith.index_cast %scan3A_18 : i32 to index
      %get3A_482 = arith.constant 400 : index
      %get3A_483 = tpu.vector_load %arg9[%get3A_481, %get3A_482] {strides = array<i32>} : memref<64x768xf32, #tpu.memory_space<vmem>>, vector<1x16xf32>,
      %get3A_484 = vector.shape_cast %get3A_483 : vector<1x16xf32> to vector<16xf32>
      %mul3A_485 = vector.broadcast %squeeze3A_25 : f32 to vector<16xf32>
      %mul3A_486 = arith.mulf %mul3A_485, %get3A_484 : vector<16xf32>
      %add3A_487 = arith.addf %mul3A_480, %mul3A_486 : vector<16xf32>
      %swap3A_488 = arith.index_cast %scan3A_18 : i32 to index
      %swap3A_489 = arith.constant 400 : index
      %swap3A_490 = tpu.vector_load %arg8[%swap3A_488, %swap3A_489] {strides = array<i32>} : memref<64x768xf32, #tpu.memory_space<vmem>>, vector<1x16xf32>,
      %swap3A_491 = vector.shape_cast %swap3A_490 : vector<1x16xf32> to vector<16xf32>
      %swap3A_492 = vector.shape_cast %add3A_487 : vector<16xf32> to vector<1x16xf32>
      tpu.vector_store %arg8[%swap3A_488, %swap3A_489], %swap3A_492 {strides = array<i32>} : memref<64x768xf32, #tpu.memory_space<vmem>>, vector<1x16xf32>,
      %get3A_493 = arith.index_cast %scan3A_18 : i32 to index
      %get3A_494 = arith.constant 416 : index
      %get3A_495 = tpu.vector_load %arg8[%get3A_493, %get3A_494] {strides = array<i32>} : memref<64x768xf32, #tpu.memory_space<vmem>>, vector<1x16xf32>,
      %get3A_496 = vector.shape_cast %get3A_495 : vector<1x16xf32> to vector<16xf32>
      %mul3A_497 = vector.broadcast %squeeze3A : f32 to vector<16xf32>
      %mul3A_498 = arith.mulf %mul3A_497, %get3A_496 : vector<16xf32>
      %get3A_499 = arith.index_cast %scan3A_18 : i32 to index
      %get3A_500 = arith.constant 416 : index
      %get3A_501 = tpu.vector_load %arg9[%get3A_499, %get3A_500] {strides = array<i32>} : memref<64x768xf32, #tpu.memory_space<vmem>>, vector<1x16xf32>,
      %get3A_502 = vector.shape_cast %get3A_501 : vector<1x16xf32> to vector<16xf32>
      %mul3A_503 = vector.broadcast %squeeze3A_25 : f32 to vector<16xf32>
      %mul3A_504 = arith.mulf %mul3A_503, %get3A_502 : vector<16xf32>
      %add3A_505 = arith.addf %mul3A_498, %mul3A_504 : vector<16xf32>
      %swap3A_506 = arith.index_cast %scan3A_18 : i32 to index
      %swap3A_507 = arith.constant 416 : index
      %swap3A_508 = tpu.vector_load %arg8[%swap3A_506, %swap3A_507] {strides = array<i32>} : memref<64x768xf32, #tpu.memory_space<vmem>>, vector<1x16xf32>,
      %swap3A_509 = vector.shape_cast %swap3A_508 : vector<1x16xf32> to vector<16xf32>
      %swap3A_510 = vector.shape_cast %add3A_505 : vector<16xf32> to vector<1x16xf32>
      tpu.vector_store %arg8[%swap3A_506, %swap3A_507], %swap3A_510 {strides = array<i32>} : memref<64x768xf32, #tpu.memory_space<vmem>>, vector<1x16xf32>,
      %get3A_511 = arith.index_cast %scan3A_18 : i32 to index
      %get3A_512 = arith.constant 432 : index
      %get3A_513 = tpu.vector_load %arg8[%get3A_511, %get3A_512] {strides = array<i32>} : memref<64x768xf32, #tpu.memory_space<vmem>>, vector<1x16xf32>,
      %get3A_514 = vector.shape_cast %get3A_513 : vector<1x16xf32> to vector<16xf32>
      %mul3A_515 = vector.broadcast %squeeze3A : f32 to vector<16xf32>
      %mul3A_516 = arith.mulf %mul3A_515, %get3A_514 : vector<16xf32>
      %get3A_517 = arith.index_cast %scan3A_18 : i32 to index
      %get3A_518 = arith.constant 432 : index
      %get3A_519 = tpu.vector_load %arg9[%get3A_517, %get3A_518] {strides = array<i32>} : memref<64x768xf32, #tpu.memory_space<vmem>>, vector<1x16xf32>,
      %get3A_520 = vector.shape_cast %get3A_519 : vector<1x16xf32> to vector<16xf32>
      %mul3A_521 = vector.broadcast %squeeze3A_25 : f32 to vector<16xf32>
      %mul3A_522 = arith.mulf %mul3A_521, %get3A_520 : vector<16xf32>
      %add3A_523 = arith.addf %mul3A_516, %mul3A_522 : vector<16xf32>
      %swap3A_524 = arith.index_cast %scan3A_18 : i32 to index
      %swap3A_525 = arith.constant 432 : index
      %swap3A_526 = tpu.vector_load %arg8[%swap3A_524, %swap3A_525] {strides = array<i32>} : memref<64x768xf32, #tpu.memory_space<vmem>>, vector<1x16xf32>,
      %swap3A_527 = vector.shape_cast %swap3A_526 : vector<1x16xf32> to vector<16xf32>
      %swap3A_528 = vector.shape_cast %add3A_523 : vector<16xf32> to vector<1x16xf32>
      tpu.vector_store %arg8[%swap3A_524, %swap3A_525], %swap3A_528 {strides = array<i32>} : memref<64x768xf32, #tpu.memory_space<vmem>>, vector<1x16xf32>,
      %get3A_529 = arith.index_cast %scan3A_18 : i32 to index
      %get3A_530 = arith.constant 448 : index
      %get3A_531 = tpu.vector_load %arg8[%get3A_529, %get3A_530] {strides = array<i32>} : memref<64x768xf32, #tpu.memory_space<vmem>>, vector<1x16xf32>,
      %get3A_532 = vector.shape_cast %get3A_531 : vector<1x16xf32> to vector<16xf32>
      %mul3A_533 = vector.broadcast %squeeze3A : f32 to vector<16xf32>
      %mul3A_534 = arith.mulf %mul3A_533, %get3A_532 : vector<16xf32>
      %get3A_535 = arith.index_cast %scan3A_18 : i32 to index
      %get3A_536 = arith.constant 448 : index
      %get3A_537 = tpu.vector_load %arg9[%get3A_535, %get3A_536] {strides = array<i32>} : memref<64x768xf32, #tpu.memory_space<vmem>>, vector<1x16xf32>,
      %get3A_538 = vector.shape_cast %get3A_537 : vector<1x16xf32> to vector<16xf32>
      %mul3A_539 = vector.broadcast %squeeze3A_25 : f32 to vector<16xf32>
      %mul3A_540 = arith.mulf %mul3A_539, %get3A_538 : vector<16xf32>
      %add3A_541 = arith.addf %mul3A_534, %mul3A_540 : vector<16xf32>
      %swap3A_542 = arith.index_cast %scan3A_18 : i32 to index
      %swap3A_543 = arith.constant 448 : index
      %swap3A_544 = tpu.vector_load %arg8[%swap3A_542, %swap3A_543] {strides = array<i32>} : memref<64x768xf32, #tpu.memory_space<vmem>>, vector<1x16xf32>,
      %swap3A_545 = vector.shape_cast %swap3A_544 : vector<1x16xf32> to vector<16xf32>
      %swap3A_546 = vector.shape_cast %add3A_541 : vector<16xf32> to vector<1x16xf32>
      tpu.vector_store %arg8[%swap3A_542, %swap3A_543], %swap3A_546 {strides = array<i32>} : memref<64x768xf32, #tpu.memory_space<vmem>>, vector<1x16xf32>,
      %get3A_547 = arith.index_cast %scan3A_18 : i32 to index
      %get3A_548 = arith.constant 464 : index
      %get3A_549 = tpu.vector_load %arg8[%get3A_547, %get3A_548] {strides = array<i32>} : memref<64x768xf32, #tpu.memory_space<vmem>>, vector<1x16xf32>,
      %get3A_550 = vector.shape_cast %get3A_549 : vector<1x16xf32> to vector<16xf32>
      %mul3A_551 = vector.broadcast %squeeze3A : f32 to vector<16xf32>
      %mul3A_552 = arith.mulf %mul3A_551, %get3A_550 : vector<16xf32>
      %get3A_553 = arith.index_cast %scan3A_18 : i32 to index
      %get3A_554 = arith.constant 464 : index
      %get3A_555 = tpu.vector_load %arg9[%get3A_553, %get3A_554] {strides = array<i32>} : memref<64x768xf32, #tpu.memory_space<vmem>>, vector<1x16xf32>,
      %get3A_556 = vector.shape_cast %get3A_555 : vector<1x16xf32> to vector<16xf32>
      %mul3A_557 = vector.broadcast %squeeze3A_25 : f32 to vector<16xf32>
      %mul3A_558 = arith.mulf %mul3A_557, %get3A_556 : vector<16xf32>
      %add3A_559 = arith.addf %mul3A_552, %mul3A_558 : vector<16xf32>
      %swap3A_560 = arith.index_cast %scan3A_18 : i32 to index
      %swap3A_561 = arith.constant 464 : index
      %swap3A_562 = tpu.vector_load %arg8[%swap3A_560, %swap3A_561] {strides = array<i32>} : memref<64x768xf32, #tpu.memory_space<vmem>>, vector<1x16xf32>,
      %swap3A_563 = vector.shape_cast %swap3A_562 : vector<1x16xf32> to vector<16xf32>
      %swap3A_564 = vector.shape_cast %add3A_559 : vector<16xf32> to vector<1x16xf32>
      tpu.vector_store %arg8[%swap3A_560, %swap3A_561], %swap3A_564 {strides = array<i32>} : memref<64x768xf32, #tpu.memory_space<vmem>>, vector<1x16xf32>,
      %get3A_565 = arith.index_cast %scan3A_18 : i32 to index
      %get3A_566 = arith.constant 480 : index
      %get3A_567 = tpu.vector_load %arg8[%get3A_565, %get3A_566] {strides = array<i32>} : memref<64x768xf32, #tpu.memory_space<vmem>>, vector<1x16xf32>,
      %get3A_568 = vector.shape_cast %get3A_567 : vector<1x16xf32> to vector<16xf32>
      %mul3A_569 = vector.broadcast %squeeze3A : f32 to vector<16xf32>
      %mul3A_570 = arith.mulf %mul3A_569, %get3A_568 : vector<16xf32>
      %get3A_571 = arith.index_cast %scan3A_18 : i32 to index
      %get3A_572 = arith.constant 480 : index
      %get3A_573 = tpu.vector_load %arg9[%get3A_571, %get3A_572] {strides = array<i32>} : memref<64x768xf32, #tpu.memory_space<vmem>>, vector<1x16xf32>,
      %get3A_574 = vector.shape_cast %get3A_573 : vector<1x16xf32> to vector<16xf32>
      %mul3A_575 = vector.broadcast %squeeze3A_25 : f32 to vector<16xf32>
      %mul3A_576 = arith.mulf %mul3A_575, %get3A_574 : vector<16xf32>
      %add3A_577 = arith.addf %mul3A_570, %mul3A_576 : vector<16xf32>
      %swap3A_578 = arith.index_cast %scan3A_18 : i32 to index
      %swap3A_579 = arith.constant 480 : index
      %swap3A_580 = tpu.vector_load %arg8[%swap3A_578, %swap3A_579] {strides = array<i32>} : memref<64x768xf32, #tpu.memory_space<vmem>>, vector<1x16xf32>,
      %swap3A_581 = vector.shape_cast %swap3A_580 : vector<1x16xf32> to vector<16xf32>
      %swap3A_582 = vector.shape_cast %add3A_577 : vector<16xf32> to vector<1x16xf32>
      tpu.vector_store %arg8[%swap3A_578, %swap3A_579], %swap3A_582 {strides = array<i32>} : memref<64x768xf32, #tpu.memory_space<vmem>>, vector<1x16xf32>,
      %get3A_583 = arith.index_cast %scan3A_18 : i32 to index
      %get3A_584 = arith.constant 496 : index
      %get3A_585 = tpu.vector_load %arg8[%get3A_583, %get3A_584] {strides = array<i32>} : memref<64x768xf32, #tpu.memory_space<vmem>>, vector<1x16xf32>,
      %get3A_586 = vector.shape_cast %get3A_585 : vector<1x16xf32> to vector<16xf32>
      %mul3A_587 = vector.broadcast %squeeze3A : f32 to vector<16xf32>
      %mul3A_588 = arith.mulf %mul3A_587, %get3A_586 : vector<16xf32>
      %get3A_589 = arith.index_cast %scan3A_18 : i32 to index
      %get3A_590 = arith.constant 496 : index
      %get3A_591 = tpu.vector_load %arg9[%get3A_589, %get3A_590] {strides = array<i32>} : memref<64x768xf32, #tpu.memory_space<vmem>>, vector<1x16xf32>,
      %get3A_592 = vector.shape_cast %get3A_591 : vector<1x16xf32> to vector<16xf32>
      %mul3A_593 = vector.broadcast %squeeze3A_25 : f32 to vector<16xf32>
      %mul3A_594 = arith.mulf %mul3A_593, %get3A_592 : vector<16xf32>
      %add3A_595 = arith.addf %mul3A_588, %mul3A_594 : vector<16xf32>
      %swap3A_596 = arith.index_cast %scan3A_18 : i32 to index
      %swap3A_597 = arith.constant 496 : index
      %swap3A_598 = tpu.vector_load %arg8[%swap3A_596, %swap3A_597] {strides = array<i32>} : memref<64x768xf32, #tpu.memory_space<vmem>>, vector<1x16xf32>,
      %swap3A_599 = vector.shape_cast %swap3A_598 : vector<1x16xf32> to vector<16xf32>
      %swap3A_600 = vector.shape_cast %add3A_595 : vector<16xf32> to vector<1x16xf32>
      tpu.vector_store %arg8[%swap3A_596, %swap3A_597], %swap3A_600 {strides = array<i32>} : memref<64x768xf32, #tpu.memory_space<vmem>>, vector<1x16xf32>,
      %get3A_601 = arith.index_cast %scan3A_18 : i32 to index
      %get3A_602 = arith.constant 512 : index
      %get3A_603 = tpu.vector_load %arg8[%get3A_601, %get3A_602] {strides = array<i32>} : memref<64x768xf32, #tpu.memory_space<vmem>>, vector<1x16xf32>,
      %get3A_604 = vector.shape_cast %get3A_603 : vector<1x16xf32> to vector<16xf32>
      %mul3A_605 = vector.broadcast %squeeze3A : f32 to vector<16xf32>
      %mul3A_606 = arith.mulf %mul3A_605, %get3A_604 : vector<16xf32>
      %get3A_607 = arith.index_cast %scan3A_18 : i32 to index
      %get3A_608 = arith.constant 512 : index
      %get3A_609 = tpu.vector_load %arg9[%get3A_607, %get3A_608] {strides = array<i32>} : memref<64x768xf32, #tpu.memory_space<vmem>>, vector<1x16xf32>,
      %get3A_610 = vector.shape_cast %get3A_609 : vector<1x16xf32> to vector<16xf32>
      %mul3A_611 = vector.broadcast %squeeze3A_25 : f32 to vector<16xf32>
      %mul3A_612 = arith.mulf %mul3A_611, %get3A_610 : vector<16xf32>
      %add3A_613 = arith.addf %mul3A_606, %mul3A_612 : vector<16xf32>
      %swap3A_614 = arith.index_cast %scan3A_18 : i32 to index
      %swap3A_615 = arith.constant 512 : index
      %swap3A_616 = tpu.vector_load %arg8[%swap3A_614, %swap3A_615] {strides = array<i32>} : memref<64x768xf32, #tpu.memory_space<vmem>>, vector<1x16xf32>,
      %swap3A_617 = vector.shape_cast %swap3A_616 : vector<1x16xf32> to vector<16xf32>
      %swap3A_618 = vector.shape_cast %add3A_613 : vector<16xf32> to vector<1x16xf32>
      tpu.vector_store %arg8[%swap3A_614, %swap3A_615], %swap3A_618 {strides = array<i32>} : memref<64x768xf32, #tpu.memory_space<vmem>>, vector<1x16xf32>,
      %get3A_619 = arith.index_cast %scan3A_18 : i32 to index
      %get3A_620 = arith.constant 528 : index
      %get3A_621 = tpu.vector_load %arg8[%get3A_619, %get3A_620] {strides = array<i32>} : memref<64x768xf32, #tpu.memory_space<vmem>>, vector<1x16xf32>,
      %get3A_622 = vector.shape_cast %get3A_621 : vector<1x16xf32> to vector<16xf32>
      %mul3A_623 = vector.broadcast %squeeze3A : f32 to vector<16xf32>
      %mul3A_624 = arith.mulf %mul3A_623, %get3A_622 : vector<16xf32>
      %get3A_625 = arith.index_cast %scan3A_18 : i32 to index
      %get3A_626 = arith.constant 528 : index
      %get3A_627 = tpu.vector_load %arg9[%get3A_625, %get3A_626] {strides = array<i32>} : memref<64x768xf32, #tpu.memory_space<vmem>>, vector<1x16xf32>,
      %get3A_628 = vector.shape_cast %get3A_627 : vector<1x16xf32> to vector<16xf32>
      %mul3A_629 = vector.broadcast %squeeze3A_25 : f32 to vector<16xf32>
      %mul3A_630 = arith.mulf %mul3A_629, %get3A_628 : vector<16xf32>
      %add3A_631 = arith.addf %mul3A_624, %mul3A_630 : vector<16xf32>
      %swap3A_632 = arith.index_cast %scan3A_18 : i32 to index
      %swap3A_633 = arith.constant 528 : index
      %swap3A_634 = tpu.vector_load %arg8[%swap3A_632, %swap3A_633] {strides = array<i32>} : memref<64x768xf32, #tpu.memory_space<vmem>>, vector<1x16xf32>,
      %swap3A_635 = vector.shape_cast %swap3A_634 : vector<1x16xf32> to vector<16xf32>
      %swap3A_636 = vector.shape_cast %add3A_631 : vector<16xf32> to vector<1x16xf32>
      tpu.vector_store %arg8[%swap3A_632, %swap3A_633], %swap3A_636 {strides = array<i32>} : memref<64x768xf32, #tpu.memory_space<vmem>>, vector<1x16xf32>,
      %get3A_637 = arith.index_cast %scan3A_18 : i32 to index
      %get3A_638 = arith.constant 544 : index
      %get3A_639 = tpu.vector_load %arg8[%get3A_637, %get3A_638] {strides = array<i32>} : memref<64x768xf32, #tpu.memory_space<vmem>>, vector<1x16xf32>,
      %get3A_640 = vector.shape_cast %get3A_639 : vector<1x16xf32> to vector<16xf32>
      %mul3A_641 = vector.broadcast %squeeze3A : f32 to vector<16xf32>
      %mul3A_642 = arith.mulf %mul3A_641, %get3A_640 : vector<16xf32>
      %get3A_643 = arith.index_cast %scan3A_18 : i32 to index
      %get3A_644 = arith.constant 544 : index
      %get3A_645 = tpu.vector_load %arg9[%get3A_643, %get3A_644] {strides = array<i32>} : memref<64x768xf32, #tpu.memory_space<vmem>>, vector<1x16xf32>,
      %get3A_646 = vector.shape_cast %get3A_645 : vector<1x16xf32> to vector<16xf32>
      %mul3A_647 = vector.broadcast %squeeze3A_25 : f32 to vector<16xf32>
      %mul3A_648 = arith.mulf %mul3A_647, %get3A_646 : vector<16xf32>
      %add3A_649 = arith.addf %mul3A_642, %mul3A_648 : vector<16xf32>
      %swap3A_650 = arith.index_cast %scan3A_18 : i32 to index
      %swap3A_651 = arith.constant 544 : index
      %swap3A_652 = tpu.vector_load %arg8[%swap3A_650, %swap3A_651] {strides = array<i32>} : memref<64x768xf32, #tpu.memory_space<vmem>>, vector<1x16xf32>,
      %swap3A_653 = vector.shape_cast %swap3A_652 : vector<1x16xf32> to vector<16xf32>
      %swap3A_654 = vector.shape_cast %add3A_649 : vector<16xf32> to vector<1x16xf32>
      tpu.vector_store %arg8[%swap3A_650, %swap3A_651], %swap3A_654 {strides = array<i32>} : memref<64x768xf32, #tpu.memory_space<vmem>>, vector<1x16xf32>,
      %get3A_655 = arith.index_cast %scan3A_18 : i32 to index
      %get3A_656 = arith.constant 560 : index
      %get3A_657 = tpu.vector_load %arg8[%get3A_655, %get3A_656] {strides = array<i32>} : memref<64x768xf32, #tpu.memory_space<vmem>>, vector<1x16xf32>,
      %get3A_658 = vector.shape_cast %get3A_657 : vector<1x16xf32> to vector<16xf32>
      %mul3A_659 = vector.broadcast %squeeze3A : f32 to vector<16xf32>
      %mul3A_660 = arith.mulf %mul3A_659, %get3A_658 : vector<16xf32>
      %get3A_661 = arith.index_cast %scan3A_18 : i32 to index
      %get3A_662 = arith.constant 560 : index
      %get3A_663 = tpu.vector_load %arg9[%get3A_661, %get3A_662] {strides = array<i32>} : memref<64x768xf32, #tpu.memory_space<vmem>>, vector<1x16xf32>,
      %get3A_664 = vector.shape_cast %get3A_663 : vector<1x16xf32> to vector<16xf32>
      %mul3A_665 = vector.broadcast %squeeze3A_25 : f32 to vector<16xf32>
      %mul3A_666 = arith.mulf %mul3A_665, %get3A_664 : vector<16xf32>
      %add3A_667 = arith.addf %mul3A_660, %mul3A_666 : vector<16xf32>
      %swap3A_668 = arith.index_cast %scan3A_18 : i32 to index
      %swap3A_669 = arith.constant 560 : index
      %swap3A_670 = tpu.vector_load %arg8[%swap3A_668, %swap3A_669] {strides = array<i32>} : memref<64x768xf32, #tpu.memory_space<vmem>>, vector<1x16xf32>,
      %swap3A_671 = vector.shape_cast %swap3A_670 : vector<1x16xf32> to vector<16xf32>
      %swap3A_672 = vector.shape_cast %add3A_667 : vector<16xf32> to vector<1x16xf32>
      tpu.vector_store %arg8[%swap3A_668, %swap3A_669], %swap3A_672 {strides = array<i32>} : memref<64x768xf32, #tpu.memory_space<vmem>>, vector<1x16xf32>,
      %get3A_673 = arith.index_cast %scan3A_18 : i32 to index
      %get3A_674 = arith.constant 576 : index
      %get3A_675 = tpu.vector_load %arg8[%get3A_673, %get3A_674] {strides = array<i32>} : memref<64x768xf32, #tpu.memory_space<vmem>>, vector<1x16xf32>,
      %get3A_676 = vector.shape_cast %get3A_675 : vector<1x16xf32> to vector<16xf32>
      %mul3A_677 = vector.broadcast %squeeze3A : f32 to vector<16xf32>
      %mul3A_678 = arith.mulf %mul3A_677, %get3A_676 : vector<16xf32>
      %get3A_679 = arith.index_cast %scan3A_18 : i32 to index
      %get3A_680 = arith.constant 576 : index
      %get3A_681 = tpu.vector_load %arg9[%get3A_679, %get3A_680] {strides = array<i32>} : memref<64x768xf32, #tpu.memory_space<vmem>>, vector<1x16xf32>,
      %get3A_682 = vector.shape_cast %get3A_681 : vector<1x16xf32> to vector<16xf32>
      %mul3A_683 = vector.broadcast %squeeze3A_25 : f32 to vector<16xf32>
      %mul3A_684 = arith.mulf %mul3A_683, %get3A_682 : vector<16xf32>
      %add3A_685 = arith.addf %mul3A_678, %mul3A_684 : vector<16xf32>
      %swap3A_686 = arith.index_cast %scan3A_18 : i32 to index
      %swap3A_687 = arith.constant 576 : index
      %swap3A_688 = tpu.vector_load %arg8[%swap3A_686, %swap3A_687] {strides = array<i32>} : memref<64x768xf32, #tpu.memory_space<vmem>>, vector<1x16xf32>,
      %swap3A_689 = vector.shape_cast %swap3A_688 : vector<1x16xf32> to vector<16xf32>
      %swap3A_690 = vector.shape_cast %add3A_685 : vector<16xf32> to vector<1x16xf32>
      tpu.vector_store %arg8[%swap3A_686, %swap3A_687], %swap3A_690 {strides = array<i32>} : memref<64x768xf32, #tpu.memory_space<vmem>>, vector<1x16xf32>,
      %get3A_691 = arith.index_cast %scan3A_18 : i32 to index
      %get3A_692 = arith.constant 592 : index
      %get3A_693 = tpu.vector_load %arg8[%get3A_691, %get3A_692] {strides = array<i32>} : memref<64x768xf32, #tpu.memory_space<vmem>>, vector<1x16xf32>,
      %get3A_694 = vector.shape_cast %get3A_693 : vector<1x16xf32> to vector<16xf32>
      %mul3A_695 = vector.broadcast %squeeze3A : f32 to vector<16xf32>
      %mul3A_696 = arith.mulf %mul3A_695, %get3A_694 : vector<16xf32>
      %get3A_697 = arith.index_cast %scan3A_18 : i32 to index
      %get3A_698 = arith.constant 592 : index
      %get3A_699 = tpu.vector_load %arg9[%get3A_697, %get3A_698] {strides = array<i32>} : memref<64x768xf32, #tpu.memory_space<vmem>>, vector<1x16xf32>,
      %get3A_700 = vector.shape_cast %get3A_699 : vector<1x16xf32> to vector<16xf32>
      %mul3A_701 = vector.broadcast %squeeze3A_25 : f32 to vector<16xf32>
      %mul3A_702 = arith.mulf %mul3A_701, %get3A_700 : vector<16xf32>
      %add3A_703 = arith.addf %mul3A_696, %mul3A_702 : vector<16xf32>
      %swap3A_704 = arith.index_cast %scan3A_18 : i32 to index
      %swap3A_705 = arith.constant 592 : index
      %swap3A_706 = tpu.vector_load %arg8[%swap3A_704, %swap3A_705] {strides = array<i32>} : memref<64x768xf32, #tpu.memory_space<vmem>>, vector<1x16xf32>,
      %swap3A_707 = vector.shape_cast %swap3A_706 : vector<1x16xf32> to vector<16xf32>
      %swap3A_708 = vector.shape_cast %add3A_703 : vector<16xf32> to vector<1x16xf32>
      tpu.vector_store %arg8[%swap3A_704, %swap3A_705], %swap3A_708 {strides = array<i32>} : memref<64x768xf32, #tpu.memory_space<vmem>>, vector<1x16xf32>,
      %get3A_709 = arith.index_cast %scan3A_18 : i32 to index
      %get3A_710 = arith.constant 608 : index
      %get3A_711 = tpu.vector_load %arg8[%get3A_709, %get3A_710] {strides = array<i32>} : memref<64x768xf32, #tpu.memory_space<vmem>>, vector<1x16xf32>,
      %get3A_712 = vector.shape_cast %get3A_711 : vector<1x16xf32> to vector<16xf32>
      %mul3A_713 = vector.broadcast %squeeze3A : f32 to vector<16xf32>
      %mul3A_714 = arith.mulf %mul3A_713, %get3A_712 : vector<16xf32>
      %get3A_715 = arith.index_cast %scan3A_18 : i32 to index
      %get3A_716 = arith.constant 608 : index
      %get3A_717 = tpu.vector_load %arg9[%get3A_715, %get3A_716] {strides = array<i32>} : memref<64x768xf32, #tpu.memory_space<vmem>>, vector<1x16xf32>,
      %get3A_718 = vector.shape_cast %get3A_717 : vector<1x16xf32> to vector<16xf32>
      %mul3A_719 = vector.broadcast %squeeze3A_25 : f32 to vector<16xf32>
      %mul3A_720 = arith.mulf %mul3A_719, %get3A_718 : vector<16xf32>
      %add3A_721 = arith.addf %mul3A_714, %mul3A_720 : vector<16xf32>
      %swap3A_722 = arith.index_cast %scan3A_18 : i32 to index
      %swap3A_723 = arith.constant 608 : index
      %swap3A_724 = tpu.vector_load %arg8[%swap3A_722, %swap3A_723] {strides = array<i32>} : memref<64x768xf32, #tpu.memory_space<vmem>>, vector<1x16xf32>,
      %swap3A_725 = vector.shape_cast %swap3A_724 : vector<1x16xf32> to vector<16xf32>
      %swap3A_726 = vector.shape_cast %add3A_721 : vector<16xf32> to vector<1x16xf32>
      tpu.vector_store %arg8[%swap3A_722, %swap3A_723], %swap3A_726 {strides = array<i32>} : memref<64x768xf32, #tpu.memory_space<vmem>>, vector<1x16xf32>,
      %get3A_727 = arith.index_cast %scan3A_18 : i32 to index
      %get3A_728 = arith.constant 624 : index
      %get3A_729 = tpu.vector_load %arg8[%get3A_727, %get3A_728] {strides = array<i32>} : memref<64x768xf32, #tpu.memory_space<vmem>>, vector<1x16xf32>,
      %get3A_730 = vector.shape_cast %get3A_729 : vector<1x16xf32> to vector<16xf32>
      %mul3A_731 = vector.broadcast %squeeze3A : f32 to vector<16xf32>
      %mul3A_732 = arith.mulf %mul3A_731, %get3A_730 : vector<16xf32>
      %get3A_733 = arith.index_cast %scan3A_18 : i32 to index
      %get3A_734 = arith.constant 624 : index
      %get3A_735 = tpu.vector_load %arg9[%get3A_733, %get3A_734] {strides = array<i32>} : memref<64x768xf32, #tpu.memory_space<vmem>>, vector<1x16xf32>,
      %get3A_736 = vector.shape_cast %get3A_735 : vector<1x16xf32> to vector<16xf32>
      %mul3A_737 = vector.broadcast %squeeze3A_25 : f32 to vector<16xf32>
      %mul3A_738 = arith.mulf %mul3A_737, %get3A_736 : vector<16xf32>
      %add3A_739 = arith.addf %mul3A_732, %mul3A_738 : vector<16xf32>
      %swap3A_740 = arith.index_cast %scan3A_18 : i32 to index
      %swap3A_741 = arith.constant 624 : index
      %swap3A_742 = tpu.vector_load %arg8[%swap3A_740, %swap3A_741] {strides = array<i32>} : memref<64x768xf32, #tpu.memory_space<vmem>>, vector<1x16xf32>,
      %swap3A_743 = vector.shape_cast %swap3A_742 : vector<1x16xf32> to vector<16xf32>
      %swap3A_744 = vector.shape_cast %add3A_739 : vector<16xf32> to vector<1x16xf32>
      tpu.vector_store %arg8[%swap3A_740, %swap3A_741], %swap3A_744 {strides = array<i32>} : memref<64x768xf32, #tpu.memory_space<vmem>>, vector<1x16xf32>,
      %get3A_745 = arith.index_cast %scan3A_18 : i32 to index
      %get3A_746 = arith.constant 640 : index
      %get3A_747 = tpu.vector_load %arg8[%get3A_745, %get3A_746] {strides = array<i32>} : memref<64x768xf32, #tpu.memory_space<vmem>>, vector<1x16xf32>,
      %get3A_748 = vector.shape_cast %get3A_747 : vector<1x16xf32> to vector<16xf32>
      %mul3A_749 = vector.broadcast %squeeze3A : f32 to vector<16xf32>
      %mul3A_750 = arith.mulf %mul3A_749, %get3A_748 : vector<16xf32>
      %get3A_751 = arith.index_cast %scan3A_18 : i32 to index
      %get3A_752 = arith.constant 640 : index
      %get3A_753 = tpu.vector_load %arg9[%get3A_751, %get3A_752] {strides = array<i32>} : memref<64x768xf32, #tpu.memory_space<vmem>>, vector<1x16xf32>,
      %get3A_754 = vector.shape_cast %get3A_753 : vector<1x16xf32> to vector<16xf32>
      %mul3A_755 = vector.broadcast %squeeze3A_25 : f32 to vector<16xf32>
      %mul3A_756 = arith.mulf %mul3A_755, %get3A_754 : vector<16xf32>
      %add3A_757 = arith.addf %mul3A_750, %mul3A_756 : vector<16xf32>
      %swap3A_758 = arith.index_cast %scan3A_18 : i32 to index
      %swap3A_759 = arith.constant 640 : index
      %swap3A_760 = tpu.vector_load %arg8[%swap3A_758, %swap3A_759] {strides = array<i32>} : memref<64x768xf32, #tpu.memory_space<vmem>>, vector<1x16xf32>,
      %swap3A_761 = vector.shape_cast %swap3A_760 : vector<1x16xf32> to vector<16xf32>
      %swap3A_762 = vector.shape_cast %add3A_757 : vector<16xf32> to vector<1x16xf32>
      tpu.vector_store %arg8[%swap3A_758, %swap3A_759], %swap3A_762 {strides = array<i32>} : memref<64x768xf32, #tpu.memory_space<vmem>>, vector<1x16xf32>,
      %get3A_763 = arith.index_cast %scan3A_18 : i32 to index
      %get3A_764 = arith.constant 656 : index
      %get3A_765 = tpu.vector_load %arg8[%get3A_763, %get3A_764] {strides = array<i32>} : memref<64x768xf32, #tpu.memory_space<vmem>>, vector<1x16xf32>,
      %get3A_766 = vector.shape_cast %get3A_765 : vector<1x16xf32> to vector<16xf32>
      %mul3A_767 = vector.broadcast %squeeze3A : f32 to vector<16xf32>
      %mul3A_768 = arith.mulf %mul3A_767, %get3A_766 : vector<16xf32>
      %get3A_769 = arith.index_cast %scan3A_18 : i32 to index
      %get3A_770 = arith.constant 656 : index
      %get3A_771 = tpu.vector_load %arg9[%get3A_769, %get3A_770] {strides = array<i32>} : memref<64x768xf32, #tpu.memory_space<vmem>>, vector<1x16xf32>,
      %get3A_772 = vector.shape_cast %get3A_771 : vector<1x16xf32> to vector<16xf32>
      %mul3A_773 = vector.broadcast %squeeze3A_25 : f32 to vector<16xf32>
      %mul3A_774 = arith.mulf %mul3A_773, %get3A_772 : vector<16xf32>
      %add3A_775 = arith.addf %mul3A_768, %mul3A_774 : vector<16xf32>
      %swap3A_776 = arith.index_cast %scan3A_18 : i32 to index
      %swap3A_777 = arith.constant 656 : index
      %swap3A_778 = tpu.vector_load %arg8[%swap3A_776, %swap3A_777] {strides = array<i32>} : memref<64x768xf32, #tpu.memory_space<vmem>>, vector<1x16xf32>,
      %swap3A_779 = vector.shape_cast %swap3A_778 : vector<1x16xf32> to vector<16xf32>
      %swap3A_780 = vector.shape_cast %add3A_775 : vector<16xf32> to vector<1x16xf32>
      tpu.vector_store %arg8[%swap3A_776, %swap3A_777], %swap3A_780 {strides = array<i32>} : memref<64x768xf32, #tpu.memory_space<vmem>>, vector<1x16xf32>,
      %get3A_781 = arith.index_cast %scan3A_18 : i32 to index
      %get3A_782 = arith.constant 672 : index
      %get3A_783 = tpu.vector_load %arg8[%get3A_781, %get3A_782] {strides = array<i32>} : memref<64x768xf32, #tpu.memory_space<vmem>>, vector<1x16xf32>,
      %get3A_784 = vector.shape_cast %get3A_783 : vector<1x16xf32> to vector<16xf32>
      %mul3A_785 = vector.broadcast %squeeze3A : f32 to vector<16xf32>
      %mul3A_786 = arith.mulf %mul3A_785, %get3A_784 : vector<16xf32>
      %get3A_787 = arith.index_cast %scan3A_18 : i32 to index
      %get3A_788 = arith.constant 672 : index
      %get3A_789 = tpu.vector_load %arg9[%get3A_787, %get3A_788] {strides = array<i32>} : memref<64x768xf32, #tpu.memory_space<vmem>>, vector<1x16xf32>,
      %get3A_790 = vector.shape_cast %get3A_789 : vector<1x16xf32> to vector<16xf32>
      %mul3A_791 = vector.broadcast %squeeze3A_25 : f32 to vector<16xf32>
      %mul3A_792 = arith.mulf %mul3A_791, %get3A_790 : vector<16xf32>
      %add3A_793 = arith.addf %mul3A_786, %mul3A_792 : vector<16xf32>
      %swap3A_794 = arith.index_cast %scan3A_18 : i32 to index
      %swap3A_795 = arith.constant 672 : index
      %swap3A_796 = tpu.vector_load %arg8[%swap3A_794, %swap3A_795] {strides = array<i32>} : memref<64x768xf32, #tpu.memory_space<vmem>>, vector<1x16xf32>,
      %swap3A_797 = vector.shape_cast %swap3A_796 : vector<1x16xf32> to vector<16xf32>
      %swap3A_798 = vector.shape_cast %add3A_793 : vector<16xf32> to vector<1x16xf32>
      tpu.vector_store %arg8[%swap3A_794, %swap3A_795], %swap3A_798 {strides = array<i32>} : memref<64x768xf32, #tpu.memory_space<vmem>>, vector<1x16xf32>,
      %get3A_799 = arith.index_cast %scan3A_18 : i32 to index
      %get3A_800 = arith.constant 688 : index
      %get3A_801 = tpu.vector_load %arg8[%get3A_799, %get3A_800] {strides = array<i32>} : memref<64x768xf32, #tpu.memory_space<vmem>>, vector<1x16xf32>,
      %get3A_802 = vector.shape_cast %get3A_801 : vector<1x16xf32> to vector<16xf32>
      %mul3A_803 = vector.broadcast %squeeze3A : f32 to vector<16xf32>
      %mul3A_804 = arith.mulf %mul3A_803, %get3A_802 : vector<16xf32>
      %get3A_805 = arith.index_cast %scan3A_18 : i32 to index
      %get3A_806 = arith.constant 688 : index
      %get3A_807 = tpu.vector_load %arg9[%get3A_805, %get3A_806] {strides = array<i32>} : memref<64x768xf32, #tpu.memory_space<vmem>>, vector<1x16xf32>,
      %get3A_808 = vector.shape_cast %get3A_807 : vector<1x16xf32> to vector<16xf32>
      %mul3A_809 = vector.broadcast %squeeze3A_25 : f32 to vector<16xf32>
      %mul3A_810 = arith.mulf %mul3A_809, %get3A_808 : vector<16xf32>
      %add3A_811 = arith.addf %mul3A_804, %mul3A_810 : vector<16xf32>
      %swap3A_812 = arith.index_cast %scan3A_18 : i32 to index
      %swap3A_813 = arith.constant 688 : index
      %swap3A_814 = tpu.vector_load %arg8[%swap3A_812, %swap3A_813] {strides = array<i32>} : memref<64x768xf32, #tpu.memory_space<vmem>>, vector<1x16xf32>,
      %swap3A_815 = vector.shape_cast %swap3A_814 : vector<1x16xf32> to vector<16xf32>
      %swap3A_816 = vector.shape_cast %add3A_811 : vector<16xf32> to vector<1x16xf32>
      tpu.vector_store %arg8[%swap3A_812, %swap3A_813], %swap3A_816 {strides = array<i32>} : memref<64x768xf32, #tpu.memory_space<vmem>>, vector<1x16xf32>,
      %get3A_817 = arith.index_cast %scan3A_18 : i32 to index
      %get3A_818 = arith.constant 704 : index
      %get3A_819 = tpu.vector_load %arg8[%get3A_817, %get3A_818] {strides = array<i32>} : memref<64x768xf32, #tpu.memory_space<vmem>>, vector<1x16xf32>,
      %get3A_820 = vector.shape_cast %get3A_819 : vector<1x16xf32> to vector<16xf32>
      %mul3A_821 = vector.broadcast %squeeze3A : f32 to vector<16xf32>
      %mul3A_822 = arith.mulf %mul3A_821, %get3A_820 : vector<16xf32>
      %get3A_823 = arith.index_cast %scan3A_18 : i32 to index
      %get3A_824 = arith.constant 704 : index
      %get3A_825 = tpu.vector_load %arg9[%get3A_823, %get3A_824] {strides = array<i32>} : memref<64x768xf32, #tpu.memory_space<vmem>>, vector<1x16xf32>,
      %get3A_826 = vector.shape_cast %get3A_825 : vector<1x16xf32> to vector<16xf32>
      %mul3A_827 = vector.broadcast %squeeze3A_25 : f32 to vector<16xf32>
      %mul3A_828 = arith.mulf %mul3A_827, %get3A_826 : vector<16xf32>
      %add3A_829 = arith.addf %mul3A_822, %mul3A_828 : vector<16xf32>
      %swap3A_830 = arith.index_cast %scan3A_18 : i32 to index
      %swap3A_831 = arith.constant 704 : index
      %swap3A_832 = tpu.vector_load %arg8[%swap3A_830, %swap3A_831] {strides = array<i32>} : memref<64x768xf32, #tpu.memory_space<vmem>>, vector<1x16xf32>,
      %swap3A_833 = vector.shape_cast %swap3A_832 : vector<1x16xf32> to vector<16xf32>
      %swap3A_834 = vector.shape_cast %add3A_829 : vector<16xf32> to vector<1x16xf32>
      tpu.vector_store %arg8[%swap3A_830, %swap3A_831], %swap3A_834 {strides = array<i32>} : memref<64x768xf32, #tpu.memory_space<vmem>>, vector<1x16xf32>,
      %get3A_835 = arith.index_cast %scan3A_18 : i32 to index
      %get3A_836 = arith.constant 720 : index
      %get3A_837 = tpu.vector_load %arg8[%get3A_835, %get3A_836] {strides = array<i32>} : memref<64x768xf32, #tpu.memory_space<vmem>>, vector<1x16xf32>,
      %get3A_838 = vector.shape_cast %get3A_837 : vector<1x16xf32> to vector<16xf32>
      %mul3A_839 = vector.broadcast %squeeze3A : f32 to vector<16xf32>
      %mul3A_840 = arith.mulf %mul3A_839, %get3A_838 : vector<16xf32>
      %get3A_841 = arith.index_cast %scan3A_18 : i32 to index
      %get3A_842 = arith.constant 720 : index
      %get3A_843 = tpu.vector_load %arg9[%get3A_841, %get3A_842] {strides = array<i32>} : memref<64x768xf32, #tpu.memory_space<vmem>>, vector<1x16xf32>,
      %get3A_844 = vector.shape_cast %get3A_843 : vector<1x16xf32> to vector<16xf32>
      %mul3A_845 = vector.broadcast %squeeze3A_25 : f32 to vector<16xf32>
      %mul3A_846 = arith.mulf %mul3A_845, %get3A_844 : vector<16xf32>
      %add3A_847 = arith.addf %mul3A_840, %mul3A_846 : vector<16xf32>
      %swap3A_848 = arith.index_cast %scan3A_18 : i32 to index
      %swap3A_849 = arith.constant 720 : index
      %swap3A_850 = tpu.vector_load %arg8[%swap3A_848, %swap3A_849] {strides = array<i32>} : memref<64x768xf32, #tpu.memory_space<vmem>>, vector<1x16xf32>,
      %swap3A_851 = vector.shape_cast %swap3A_850 : vector<1x16xf32> to vector<16xf32>
      %swap3A_852 = vector.shape_cast %add3A_847 : vector<16xf32> to vector<1x16xf32>
      tpu.vector_store %arg8[%swap3A_848, %swap3A_849], %swap3A_852 {strides = array<i32>} : memref<64x768xf32, #tpu.memory_space<vmem>>, vector<1x16xf32>,
      %get3A_853 = arith.index_cast %scan3A_18 : i32 to index
      %get3A_854 = arith.constant 736 : index
      %get3A_855 = tpu.vector_load %arg8[%get3A_853, %get3A_854] {strides = array<i32>} : memref<64x768xf32, #tpu.memory_space<vmem>>, vector<1x16xf32>,
      %get3A_856 = vector.shape_cast %get3A_855 : vector<1x16xf32> to vector<16xf32>
      %mul3A_857 = vector.broadcast %squeeze3A : f32 to vector<16xf32>
      %mul3A_858 = arith.mulf %mul3A_857, %get3A_856 : vector<16xf32>
      %get3A_859 = arith.index_cast %scan3A_18 : i32 to index
      %get3A_860 = arith.constant 736 : index
      %get3A_861 = tpu.vector_load %arg9[%get3A_859, %get3A_860] {strides = array<i32>} : memref<64x768xf32, #tpu.memory_space<vmem>>, vector<1x16xf32>,
      %get3A_862 = vector.shape_cast %get3A_861 : vector<1x16xf32> to vector<16xf32>
      %mul3A_863 = vector.broadcast %squeeze3A_25 : f32 to vector<16xf32>
      %mul3A_864 = arith.mulf %mul3A_863, %get3A_862 : vector<16xf32>
      %add3A_865 = arith.addf %mul3A_858, %mul3A_864 : vector<16xf32>
      %swap3A_866 = arith.index_cast %scan3A_18 : i32 to index
      %swap3A_867 = arith.constant 736 : index
      %swap3A_868 = tpu.vector_load %arg8[%swap3A_866, %swap3A_867] {strides = array<i32>} : memref<64x768xf32, #tpu.memory_space<vmem>>, vector<1x16xf32>,
      %swap3A_869 = vector.shape_cast %swap3A_868 : vector<1x16xf32> to vector<16xf32>
      %swap3A_870 = vector.shape_cast %add3A_865 : vector<16xf32> to vector<1x16xf32>
      tpu.vector_store %arg8[%swap3A_866, %swap3A_867], %swap3A_870 {strides = array<i32>} : memref<64x768xf32, #tpu.memory_space<vmem>>, vector<1x16xf32>,
      %get3A_871 = arith.index_cast %scan3A_18 : i32 to index
      %get3A_872 = arith.constant 752 : index
      %get3A_873 = tpu.vector_load %arg8[%get3A_871, %get3A_872] {strides = array<i32>} : memref<64x768xf32, #tpu.memory_space<vmem>>, vector<1x16xf32>,
      %get3A_874 = vector.shape_cast %get3A_873 : vector<1x16xf32> to vector<16xf32>
      %mul3A_875 = vector.broadcast %squeeze3A : f32 to vector<16xf32>
      %mul3A_876 = arith.mulf %mul3A_875, %get3A_874 : vector<16xf32>
      %get3A_877 = arith.index_cast %scan3A_18 : i32 to index
      %get3A_878 = arith.constant 752 : index
      %get3A_879 = tpu.vector_load %arg9[%get3A_877, %get3A_878] {strides = array<i32>} : memref<64x768xf32, #tpu.memory_space<vmem>>, vector<1x16xf32>,
      %get3A_880 = vector.shape_cast %get3A_879 : vector<1x16xf32> to vector<16xf32>
      %mul3A_881 = vector.broadcast %squeeze3A_25 : f32 to vector<16xf32>
      %mul3A_882 = arith.mulf %mul3A_881, %get3A_880 : vector<16xf32>
      %add3A_883 = arith.addf %mul3A_876, %mul3A_882 : vector<16xf32>
      %swap3A_884 = arith.index_cast %scan3A_18 : i32 to index
      %swap3A_885 = arith.constant 752 : index
      %swap3A_886 = tpu.vector_load %arg8[%swap3A_884, %swap3A_885] {strides = array<i32>} : memref<64x768xf32, #tpu.memory_space<vmem>>, vector<1x16xf32>,
      %swap3A_887 = vector.shape_cast %swap3A_886 : vector<1x16xf32> to vector<16xf32>
      %swap3A_888 = vector.shape_cast %add3A_883 : vector<16xf32> to vector<1x16xf32>
      tpu.vector_store %arg8[%swap3A_884, %swap3A_885], %swap3A_888 {strides = array<i32>} : memref<64x768xf32, #tpu.memory_space<vmem>>, vector<1x16xf32>,
    }
    %scan3A_17 = arith.constant 64 : i32
    "tpu.region"() ({
      %run_scoped3A = tpu.sem_alloc : memref<!tpu.dma_semaphore, #tpu.memory_space<semaphore_mem>>
      %dma_start3A_18 = arith.constant 0 : i32
      %dma_start3A_19 = tpu.memref_slice %arg7[%mul3A_2, %dma_start3A_18] : memref<2048x768xf32, #tpu.memory_space<hbm>> -> memref<64x768xf32, #tpu.memory_space<hbm>>
      %dma_start3A_20 = arith.constant 0 : i32
      %dma_start3A_21 = tpu.memref_slice %arg7[%mul3A_2, %dma_start3A_20] : memref<2048x768xf32, #tpu.memory_space<hbm>> -> memref<64x768xf32, #tpu.memory_space<hbm>>
      tpu.enqueue_dma source(%arg8 : memref<64x768xf32, #tpu.memory_space<vmem>>) target(%dma_start3A_21 : memref<64x768xf32, #tpu.memory_space<hbm>>) target_semaphore(%run_scoped3A : memref<!tpu.dma_semaphore, #tpu.memory_space<semaphore_mem>>)
      %dma_wait3A_22 = arith.constant 0 : i32
      %dma_wait3A_23 = tpu.memref_slice %arg7[%mul3A_2, %dma_wait3A_22] : memref<2048x768xf32, #tpu.memory_space<hbm>> -> memref<64x768xf32, #tpu.memory_space<hbm>>
      %dma_wait3A_24 = arith.constant 0 : i32
      %dma_wait3A_25 = tpu.memref_slice %arg7[%mul3A_2, %dma_wait3A_24] : memref<2048x768xf32, #tpu.memory_space<hbm>> -> memref<64x768xf32, #tpu.memory_space<hbm>>
      tpu.wait_dma2 semaphore(%run_scoped3A : memref<!tpu.dma_semaphore, #tpu.memory_space<semaphore_mem>>) src(%arg8 : memref<64x768xf32, #tpu.memory_space<vmem>>) dst(%dma_wait3A_25 : memref<64x768xf32, #tpu.memory_space<hbm>>)
      tpu.yield
    }) : () -> ()
    return
  }
}

module attributes {stable_mosaic.version = 14 : i64} {
  func.func @_router_body(%arg0: memref<2048x768xf32, #tpu.memory_space<vmem>>, %arg1: memref<768x8xf32, #tpu.memory_space<vmem>>, %arg2: memref<2048x128xf32, #tpu.memory_space<vmem>>, %arg3: memref<2048x128xi32, #tpu.memory_space<vmem>>, %arg4: memref<1x128xi32, #tpu.memory_space<vmem>>) attributes {dimension_semantics = [], scalar_prefetch = 0 : i64, scratch_operands = 0 : i64, tpu.core_type = #tpu.core_type<tc>} {
    %get3A = arith.constant 0 : index
    %get3A_0 = arith.constant 0 : index
    %get3A_1 = vector.load %arg0[%get3A, %get3A_0] : memref<2048x768xf32, #tpu.memory_space<vmem>>, vector<2048x768xf32>
    %get3A_2 = arith.constant 0 : index
    %get3A_3 = arith.constant 0 : index
    %get3A_4 = vector.load %arg1[%get3A_2, %get3A_3] : memref<768x8xf32, #tpu.memory_space<vmem>>, vector<768x8xf32>
    %dot_general3A = arith.constant dense<0.000000e+00> : vector<2048x8xf32>
    %dot_general3A_5 = tpu.matmul %get3A_1, %get3A_4, %dot_general3A {dimension_numbers = #tpu.dot_dimension_numbers<[1], [0], [0], [1], [0, 0, 1, 1], [], []>, transpose_lhs_hint = false} : vector<2048x768xf32>, vector<768x8xf32>, vector<2048x8xf32> -> vector<2048x8xf32>
    %iota3A = tpu.iota {dimensions = array<i32: 1>} : vector<2048x8xi32>
    %reduce_max3A = arith.constant dense<0xFF800000> : vector<2048xf32>
    %reduce_max3A_6 = vector.multi_reduction <maximumf>, %dot_general3A_5, %reduce_max3A [1] : vector<2048x8xf32> to vector<2048xf32>
    %broadcast_in_dim3A = vector.shape_cast %reduce_max3A_6 : vector<2048xf32> to vector<2048x1xf32>
    %eq3A = vector.broadcast %broadcast_in_dim3A : vector<2048x1xf32> to vector<2048x8xf32>
    %eq3A_7 = arith.cmpf oeq, %dot_general3A_5, %eq3A : vector<2048x8xf32>
    %jit3A = arith.constant 8 : i32
    %broadcast_in_dim3A_8 = vector.broadcast %jit3A : i32 to vector<2048x8xi32>
    %select_n3A = arith.select %eq3A_7, %iota3A, %broadcast_in_dim3A_8 : vector<2048x8xi1>, vector<2048x8xi32>
    %reduce_min3A = arith.constant dense<2147483647> : vector<2048xi32>
    %reduce_min3A_9 = vector.multi_reduction <minsi>, %select_n3A, %reduce_min3A [1] : vector<2048x8xi32> to vector<2048xi32>
    %broadcast_in_dim3A_10 = vector.shape_cast %reduce_min3A_9 : vector<2048xi32> to vector<2048x1xi32>
    %eq3A_11 = vector.broadcast %broadcast_in_dim3A_10 : vector<2048x1xi32> to vector<2048x8xi32>
    %eq3A_12 = arith.cmpi eq, %iota3A, %eq3A_11 : vector<2048x8xi32>
    %jit3A_13 = arith.constant 0xFF800000 : f32
    %broadcast_in_dim3A_14 = vector.broadcast %jit3A_13 : f32 to vector<2048x8xf32>
    %select_n3A_15 = arith.select %eq3A_12, %broadcast_in_dim3A_14, %dot_general3A_5 : vector<2048x8xi1>, vector<2048x8xf32>
    %reduce_max3A_16 = arith.constant dense<0xFF800000> : vector<2048xf32>
    %reduce_max3A_17 = vector.multi_reduction <maximumf>, %select_n3A_15, %reduce_max3A_16 [1] : vector<2048x8xf32> to vector<2048xf32>
    %broadcast_in_dim3A_18 = vector.shape_cast %reduce_max3A_17 : vector<2048xf32> to vector<2048x1xf32>
    %eq3A_19 = vector.broadcast %broadcast_in_dim3A_18 : vector<2048x1xf32> to vector<2048x8xf32>
    %eq3A_20 = arith.cmpf oeq, %select_n3A_15, %eq3A_19 : vector<2048x8xf32>
    %jit3A_21 = arith.constant 8 : i32
    %broadcast_in_dim3A_22 = vector.broadcast %jit3A_21 : i32 to vector<2048x8xi32>
    %select_n3A_23 = arith.select %eq3A_20, %iota3A, %broadcast_in_dim3A_22 : vector<2048x8xi1>, vector<2048x8xi32>
    %reduce_min3A_24 = arith.constant dense<2147483647> : vector<2048xi32>
    %reduce_min3A_25 = vector.multi_reduction <minsi>, %select_n3A_23, %reduce_min3A_24 [1] : vector<2048x8xi32> to vector<2048xi32>
    %broadcast_in_dim3A_26 = vector.shape_cast %reduce_min3A_25 : vector<2048xi32> to vector<2048x1xi32>
    %sub3A = arith.subf %broadcast_in_dim3A_18, %broadcast_in_dim3A : vector<2048x1xf32>
    %exp3A = math.exp %sub3A : vector<2048x1xf32>
    %add3A = arith.constant 1.000000e+00 : f32
    %add3A_27 = vector.broadcast %add3A : f32 to vector<2048x1xf32>
    %add3A_28 = arith.addf %add3A_27, %exp3A : vector<2048x1xf32>
    %div3A = arith.constant 1.000000e+00 : f32
    %div3A_29 = vector.broadcast %div3A : f32 to vector<2048x1xf32>
    %div3A_30 = arith.divf %div3A_29, %add3A_28 : vector<2048x1xf32>
    %add3A_31 = arith.constant 1.000000e+00 : f32
    %add3A_32 = vector.broadcast %add3A_31 : f32 to vector<2048x1xf32>
    %add3A_33 = arith.addf %add3A_32, %exp3A : vector<2048x1xf32>
    %div3A_34 = arith.divf %exp3A, %add3A_33 : vector<2048x1xf32>
    %eq3A_35 = vector.broadcast %broadcast_in_dim3A_10 : vector<2048x1xi32> to vector<2048x8xi32>
    %eq3A_36 = arith.cmpi eq, %iota3A, %eq3A_35 : vector<2048x8xi32>
    %convert_element_type3A = arith.extui %eq3A_36 : vector<2048x8xi1> to vector<2048x8xi32>
    %convert_element_type3A_37 = arith.sitofp %convert_element_type3A : vector<2048x8xi32> to vector<2048x8xf32>
    %eq3A_38 = vector.broadcast %broadcast_in_dim3A_26 : vector<2048x1xi32> to vector<2048x8xi32>
    %eq3A_39 = arith.cmpi eq, %iota3A, %eq3A_38 : vector<2048x8xi32>
    %convert_element_type3A_40 = arith.extui %eq3A_39 : vector<2048x8xi1> to vector<2048x8xi32>
    %convert_element_type3A_41 = arith.sitofp %convert_element_type3A_40 : vector<2048x8xi32> to vector<2048x8xf32>
    %iota3A_42 = tpu.iota {dimensions = array<i32: 0>} : vector<512x512xi32>
    %iota3A_43 = tpu.iota {dimensions = array<i32: 1>} : vector<512x512xi32>
    %le3A = arith.cmpi sle, %iota3A_43, %iota3A_42 : vector<512x512xi32>
    %convert_element_type3A_44 = arith.extui %le3A : vector<512x512xi1> to vector<512x512xi32>
    %convert_element_type3A_45 = arith.sitofp %convert_element_type3A_44 : vector<512x512xi32> to vector<512x512xf32>
    %broadcast_in_dim3A_46 = arith.constant 0.000000e+00 : f32
    %broadcast_in_dim3A_47 = vector.broadcast %broadcast_in_dim3A_46 : f32 to vector<1x8xf32>
    %slice3A = vector.extract_strided_slice %convert_element_type3A_37 {offsets = [0, 0], sizes = [512, 8], strides = [1, 1]} : vector<2048x8xf32> to vector<512x8xf32>
    %dot_general3A_48 = arith.constant dense<0.000000e+00> : vector<512x8xf32>
    %dot_general3A_49 = tpu.matmul %convert_element_type3A_45, %slice3A, %dot_general3A_48 {dimension_numbers = #tpu.dot_dimension_numbers<[1], [0], [0], [1], [0, 0, 1, 1], [], []>, transpose_lhs_hint = false} : vector<512x512xf32>, vector<512x8xf32>, vector<512x8xf32> -> vector<512x8xf32>
    %add3A_50 = vector.broadcast %broadcast_in_dim3A_47 : vector<1x8xf32> to vector<512x8xf32>
    %add3A_51 = arith.addf %dot_general3A_49, %add3A_50 : vector<512x8xf32>
    %slice3A_52 = vector.extract_strided_slice %add3A_51 {offsets = [511, 0], sizes = [1, 8], strides = [1, 1]} : vector<512x8xf32> to vector<1x8xf32>
    %slice3A_53 = vector.extract_strided_slice %convert_element_type3A_37 {offsets = [512, 0], sizes = [512, 8], strides = [1, 1]} : vector<2048x8xf32> to vector<512x8xf32>
    %dot_general3A_54 = arith.constant dense<0.000000e+00> : vector<512x8xf32>
    %dot_general3A_55 = tpu.matmul %convert_element_type3A_45, %slice3A_53, %dot_general3A_54 {dimension_numbers = #tpu.dot_dimension_numbers<[1], [0], [0], [1], [0, 0, 1, 1], [], []>, transpose_lhs_hint = false} : vector<512x512xf32>, vector<512x8xf32>, vector<512x8xf32> -> vector<512x8xf32>
    %add3A_56 = vector.broadcast %slice3A_52 : vector<1x8xf32> to vector<512x8xf32>
    %add3A_57 = arith.addf %dot_general3A_55, %add3A_56 : vector<512x8xf32>
    %slice3A_58 = vector.extract_strided_slice %add3A_57 {offsets = [511, 0], sizes = [1, 8], strides = [1, 1]} : vector<512x8xf32> to vector<1x8xf32>
    %slice3A_59 = vector.extract_strided_slice %convert_element_type3A_37 {offsets = [1024, 0], sizes = [512, 8], strides = [1, 1]} : vector<2048x8xf32> to vector<512x8xf32>
    %dot_general3A_60 = arith.constant dense<0.000000e+00> : vector<512x8xf32>
    %dot_general3A_61 = tpu.matmul %convert_element_type3A_45, %slice3A_59, %dot_general3A_60 {dimension_numbers = #tpu.dot_dimension_numbers<[1], [0], [0], [1], [0, 0, 1, 1], [], []>, transpose_lhs_hint = false} : vector<512x512xf32>, vector<512x8xf32>, vector<512x8xf32> -> vector<512x8xf32>
    %add3A_62 = vector.broadcast %slice3A_58 : vector<1x8xf32> to vector<512x8xf32>
    %add3A_63 = arith.addf %dot_general3A_61, %add3A_62 : vector<512x8xf32>
    %slice3A_64 = vector.extract_strided_slice %add3A_63 {offsets = [511, 0], sizes = [1, 8], strides = [1, 1]} : vector<512x8xf32> to vector<1x8xf32>
    %slice3A_65 = vector.extract_strided_slice %convert_element_type3A_37 {offsets = [1536, 0], sizes = [512, 8], strides = [1, 1]} : vector<2048x8xf32> to vector<512x8xf32>
    %dot_general3A_66 = arith.constant dense<0.000000e+00> : vector<512x8xf32>
    %dot_general3A_67 = tpu.matmul %convert_element_type3A_45, %slice3A_65, %dot_general3A_66 {dimension_numbers = #tpu.dot_dimension_numbers<[1], [0], [0], [1], [0, 0, 1, 1], [], []>, transpose_lhs_hint = false} : vector<512x512xf32>, vector<512x8xf32>, vector<512x8xf32> -> vector<512x8xf32>
    %add3A_68 = vector.broadcast %slice3A_64 : vector<1x8xf32> to vector<512x8xf32>
    %add3A_69 = arith.addf %dot_general3A_67, %add3A_68 : vector<512x8xf32>
    %slice3A_70 = vector.extract_strided_slice %add3A_69 {offsets = [511, 0], sizes = [1, 8], strides = [1, 1]} : vector<512x8xf32> to vector<1x8xf32>
    %concatenate3A = tpu.concatenate %add3A_51, %add3A_57, %add3A_63, %add3A_69 in 0 : vector<512x8xf32>, vector<512x8xf32>, vector<512x8xf32>, vector<512x8xf32> -> vector<2048x8xf32>
    %slice3A_71 = vector.extract_strided_slice %convert_element_type3A_41 {offsets = [0, 0], sizes = [512, 8], strides = [1, 1]} : vector<2048x8xf32> to vector<512x8xf32>
    %dot_general3A_72 = arith.constant dense<0.000000e+00> : vector<512x8xf32>
    %dot_general3A_73 = tpu.matmul %convert_element_type3A_45, %slice3A_71, %dot_general3A_72 {dimension_numbers = #tpu.dot_dimension_numbers<[1], [0], [0], [1], [0, 0, 1, 1], [], []>, transpose_lhs_hint = false} : vector<512x512xf32>, vector<512x8xf32>, vector<512x8xf32> -> vector<512x8xf32>
    %add3A_74 = vector.broadcast %slice3A_70 : vector<1x8xf32> to vector<512x8xf32>
    %add3A_75 = arith.addf %dot_general3A_73, %add3A_74 : vector<512x8xf32>
    %slice3A_76 = vector.extract_strided_slice %add3A_75 {offsets = [511, 0], sizes = [1, 8], strides = [1, 1]} : vector<512x8xf32> to vector<1x8xf32>
    %slice3A_77 = vector.extract_strided_slice %convert_element_type3A_41 {offsets = [512, 0], sizes = [512, 8], strides = [1, 1]} : vector<2048x8xf32> to vector<512x8xf32>
    %dot_general3A_78 = arith.constant dense<0.000000e+00> : vector<512x8xf32>
    %dot_general3A_79 = tpu.matmul %convert_element_type3A_45, %slice3A_77, %dot_general3A_78 {dimension_numbers = #tpu.dot_dimension_numbers<[1], [0], [0], [1], [0, 0, 1, 1], [], []>, transpose_lhs_hint = false} : vector<512x512xf32>, vector<512x8xf32>, vector<512x8xf32> -> vector<512x8xf32>
    %add3A_80 = vector.broadcast %slice3A_76 : vector<1x8xf32> to vector<512x8xf32>
    %add3A_81 = arith.addf %dot_general3A_79, %add3A_80 : vector<512x8xf32>
    %slice3A_82 = vector.extract_strided_slice %add3A_81 {offsets = [511, 0], sizes = [1, 8], strides = [1, 1]} : vector<512x8xf32> to vector<1x8xf32>
    %slice3A_83 = vector.extract_strided_slice %convert_element_type3A_41 {offsets = [1024, 0], sizes = [512, 8], strides = [1, 1]} : vector<2048x8xf32> to vector<512x8xf32>
    %dot_general3A_84 = arith.constant dense<0.000000e+00> : vector<512x8xf32>
    %dot_general3A_85 = tpu.matmul %convert_element_type3A_45, %slice3A_83, %dot_general3A_84 {dimension_numbers = #tpu.dot_dimension_numbers<[1], [0], [0], [1], [0, 0, 1, 1], [], []>, transpose_lhs_hint = false} : vector<512x512xf32>, vector<512x8xf32>, vector<512x8xf32> -> vector<512x8xf32>
    %add3A_86 = vector.broadcast %slice3A_82 : vector<1x8xf32> to vector<512x8xf32>
    %add3A_87 = arith.addf %dot_general3A_85, %add3A_86 : vector<512x8xf32>
    %slice3A_88 = vector.extract_strided_slice %add3A_87 {offsets = [511, 0], sizes = [1, 8], strides = [1, 1]} : vector<512x8xf32> to vector<1x8xf32>
    %slice3A_89 = vector.extract_strided_slice %convert_element_type3A_41 {offsets = [1536, 0], sizes = [512, 8], strides = [1, 1]} : vector<2048x8xf32> to vector<512x8xf32>
    %dot_general3A_90 = arith.constant dense<0.000000e+00> : vector<512x8xf32>
    %dot_general3A_91 = tpu.matmul %convert_element_type3A_45, %slice3A_89, %dot_general3A_90 {dimension_numbers = #tpu.dot_dimension_numbers<[1], [0], [0], [1], [0, 0, 1, 1], [], []>, transpose_lhs_hint = false} : vector<512x512xf32>, vector<512x8xf32>, vector<512x8xf32> -> vector<512x8xf32>
    %add3A_92 = vector.broadcast %slice3A_88 : vector<1x8xf32> to vector<512x8xf32>
    %add3A_93 = arith.addf %dot_general3A_91, %add3A_92 : vector<512x8xf32>
    %slice3A_94 = vector.extract_strided_slice %add3A_93 {offsets = [511, 0], sizes = [1, 8], strides = [1, 1]} : vector<512x8xf32> to vector<1x8xf32>
    %concatenate3A_95 = tpu.concatenate %add3A_75, %add3A_81, %add3A_87, %add3A_93 in 0 : vector<512x8xf32>, vector<512x8xf32>, vector<512x8xf32>, vector<512x8xf32> -> vector<2048x8xf32>
    %convert_element_type3A_96 = arith.fptosi %slice3A_94 : vector<1x8xf32> to vector<1x8xi32>
    %add3A_97 = arith.constant 639 : i32
    %add3A_98 = vector.broadcast %add3A_97 : i32 to vector<1x8xi32>
    %add3A_99 = arith.addi %convert_element_type3A_96, %add3A_98 : vector<1x8xi32>
    %jit3A_100 = arith.constant 640 : i32
    %div3A_101 = vector.broadcast %jit3A_100 : i32 to vector<1x8xi32>
    %div3A_102 = arith.divsi %add3A_99, %div3A_101 : vector<1x8xi32>
    %sign3A = arith.constant 0 : i32
    %sign3A_103 = vector.broadcast %sign3A : i32 to vector<1x8xi32>
    %sign3A_104 = arith.cmpi sgt, %add3A_99, %sign3A_103 : vector<1x8xi32>
    %sign3A_105 = arith.extui %sign3A_104 : vector<1x8xi1> to vector<1x8xi32>
    %sign3A_106 = arith.constant 0 : i32
    %sign3A_107 = vector.broadcast %sign3A_106 : i32 to vector<1x8xi32>
    %sign3A_108 = arith.cmpi slt, %add3A_99, %sign3A_107 : vector<1x8xi32>
    %sign3A_109 = arith.extui %sign3A_108 : vector<1x8xi1> to vector<1x8xi32>
    %sign3A_110 = arith.subi %sign3A_105, %sign3A_109 : vector<1x8xi32>
    %sign3A_111 = arith.constant 0 : i32
    %sign3A_112 = arith.cmpi sgt, %jit3A_100, %sign3A_111 : i32
    %sign3A_113 = arith.extui %sign3A_112 : i1 to i32
    %sign3A_114 = arith.constant 0 : i32
    %sign3A_115 = arith.cmpi slt, %jit3A_100, %sign3A_114 : i32
    %sign3A_116 = arith.extui %sign3A_115 : i1 to i32
    %sign3A_117 = arith.subi %sign3A_113, %sign3A_116 : i32
    %ne3A = vector.broadcast %sign3A_117 : i32 to vector<1x8xi32>
    %ne3A_118 = arith.cmpi ne, %sign3A_110, %ne3A : vector<1x8xi32>
    %rem3A = vector.broadcast %jit3A_100 : i32 to vector<1x8xi32>
    %rem3A_119 = arith.remsi %add3A_99, %rem3A : vector<1x8xi32>
    %ne3A_120 = arith.constant 0 : i32
    %ne3A_121 = vector.broadcast %ne3A_120 : i32 to vector<1x8xi32>
    %ne3A_122 = arith.cmpi ne, %rem3A_119, %ne3A_121 : vector<1x8xi32>
    %and3A = arith.andi %ne3A_118, %ne3A_122 : vector<1x8xi1>
    %sub3A_123 = arith.constant 1 : i32
    %sub3A_124 = vector.broadcast %sub3A_123 : i32 to vector<1x8xi32>
    %sub3A_125 = arith.subi %div3A_102, %sub3A_124 : vector<1x8xi32>
    %select_n3A_126 = arith.select %and3A, %sub3A_125, %div3A_102 : vector<1x8xi1>, vector<1x8xi32>
    %iota3A_127 = tpu.iota {dimensions = array<i32: 0>} : vector<8x8xi32>
    %iota3A_128 = tpu.iota {dimensions = array<i32: 1>} : vector<8x8xi32>
    %le3A_129 = arith.cmpi sle, %iota3A_127, %iota3A_128 : vector<8x8xi32>
    %convert_element_type3A_130 = arith.extui %le3A_129 : vector<8x8xi1> to vector<8x8xi32>
    %convert_element_type3A_131 = arith.sitofp %convert_element_type3A_130 : vector<8x8xi32> to vector<8x8xf32>
    %convert_element_type3A_132 = arith.sitofp %select_n3A_126 : vector<1x8xi32> to vector<1x8xf32>
    %dot_general3A_133 = arith.constant dense<0.000000e+00> : vector<1x8xf32>
    %dot_general3A_134 = tpu.matmul %convert_element_type3A_132, %convert_element_type3A_131, %dot_general3A_133 {dimension_numbers = #tpu.dot_dimension_numbers<[1], [0], [0], [1], [0, 0, 1, 1], [], []>, transpose_lhs_hint = false} : vector<1x8xf32>, vector<8x8xf32>, vector<1x8xf32> -> vector<1x8xf32>
    %convert_element_type3A_135 = arith.sitofp %select_n3A_126 : vector<1x8xi32> to vector<1x8xf32>
    %sub3A_136 = arith.subf %dot_general3A_134, %convert_element_type3A_135 : vector<1x8xf32>
    %mul3A = arith.constant 6.400000e+02 : f32
    %mul3A_137 = vector.broadcast %mul3A : f32 to vector<1x8xf32>
    %mul3A_138 = arith.mulf %sub3A_136, %mul3A_137 : vector<1x8xf32>
    %sub3A_139 = arith.constant 1.000000e+00 : f32
    %sub3A_140 = vector.broadcast %sub3A_139 : f32 to vector<2048x8xf32>
    %sub3A_141 = arith.subf %concatenate3A, %sub3A_140 : vector<2048x8xf32>
    %add3A_142 = vector.broadcast %mul3A_138 : vector<1x8xf32> to vector<2048x8xf32>
    %add3A_143 = arith.addf %sub3A_141, %add3A_142 : vector<2048x8xf32>
    %mul3A_144 = arith.mulf %convert_element_type3A_37, %add3A_143 : vector<2048x8xf32>
    %reduce_sum3A = arith.constant dense<0.000000e+00> : vector<2048xf32>
    %reduce_sum3A_145 = vector.multi_reduction <add>, %mul3A_144, %reduce_sum3A [1] : vector<2048x8xf32> to vector<2048xf32>
    %broadcast_in_dim3A_146 = vector.shape_cast %reduce_sum3A_145 : vector<2048xf32> to vector<2048x1xf32>
    %sub3A_147 = arith.constant 1.000000e+00 : f32
    %sub3A_148 = vector.broadcast %sub3A_147 : f32 to vector<2048x8xf32>
    %sub3A_149 = arith.subf %concatenate3A_95, %sub3A_148 : vector<2048x8xf32>
    %add3A_150 = vector.broadcast %mul3A_138 : vector<1x8xf32> to vector<2048x8xf32>
    %add3A_151 = arith.addf %sub3A_149, %add3A_150 : vector<2048x8xf32>
    %mul3A_152 = arith.mulf %convert_element_type3A_41, %add3A_151 : vector<2048x8xf32>
    %reduce_sum3A_153 = arith.constant dense<0.000000e+00> : vector<2048xf32>
    %reduce_sum3A_154 = vector.multi_reduction <add>, %mul3A_152, %reduce_sum3A_153 [1] : vector<2048x8xf32> to vector<2048xf32>
    %broadcast_in_dim3A_155 = vector.shape_cast %reduce_sum3A_154 : vector<2048xf32> to vector<2048x1xf32>
    %iota3A_156 = tpu.iota {dimensions = array<i32: 1>} : vector<2048x128xi32>
    %eq3A_157 = arith.constant 0 : i32
    %eq3A_158 = vector.broadcast %eq3A_157 : i32 to vector<2048x128xi32>
    %eq3A_159 = arith.cmpi eq, %iota3A_156, %eq3A_158 : vector<2048x128xi32>
    %eq3A_160 = arith.constant 1 : i32
    %eq3A_161 = vector.broadcast %eq3A_160 : i32 to vector<2048x128xi32>
    %eq3A_162 = arith.cmpi eq, %iota3A_156, %eq3A_161 : vector<2048x128xi32>
    %jit3A_163 = arith.constant 0.000000e+00 : f32
    %broadcast_in_dim3A_164 = vector.shape_cast %div3A_34 : vector<2048x1xf32> to vector<2048x1xf32>
    %broadcast_in_dim3A_165 = vector.broadcast %broadcast_in_dim3A_164 : vector<2048x1xf32> to vector<2048x128xf32>
    %broadcast_in_dim3A_166 = vector.broadcast %jit3A_163 : f32 to vector<2048x128xf32>
    %select_n3A_167 = arith.select %eq3A_162, %broadcast_in_dim3A_165, %broadcast_in_dim3A_166 : vector<2048x128xi1>, vector<2048x128xf32>
    %broadcast_in_dim3A_168 = vector.shape_cast %div3A_30 : vector<2048x1xf32> to vector<2048x1xf32>
    %broadcast_in_dim3A_169 = vector.broadcast %broadcast_in_dim3A_168 : vector<2048x1xf32> to vector<2048x128xf32>
    %select_n3A_170 = arith.select %eq3A_159, %broadcast_in_dim3A_169, %select_n3A_167 : vector<2048x128xi1>, vector<2048x128xf32>
    %swap3A = arith.constant 0 : index
    %swap3A_171 = arith.constant 0 : index
    %swap3A_172 = vector.load %arg2[%swap3A, %swap3A_171] : memref<2048x128xf32, #tpu.memory_space<vmem>>, vector<2048x128xf32>
    tpu.vector_store %arg2[%swap3A, %swap3A_171], %select_n3A_170 {strides = array<i32>} : memref<2048x128xf32, #tpu.memory_space<vmem>>, vector<2048x128xf32>,
    %eq3A_173 = arith.constant 0 : i32
    %eq3A_174 = vector.broadcast %eq3A_173 : i32 to vector<2048x128xi32>
    %eq3A_175 = arith.cmpi eq, %iota3A_156, %eq3A_174 : vector<2048x128xi32>
    %convert_element_type3A_176 = arith.fptosi %broadcast_in_dim3A_146 : vector<2048x1xf32> to vector<2048x1xi32>
    %eq3A_177 = arith.constant 1 : i32
    %eq3A_178 = vector.broadcast %eq3A_177 : i32 to vector<2048x128xi32>
    %eq3A_179 = arith.cmpi eq, %iota3A_156, %eq3A_178 : vector<2048x128xi32>
    %convert_element_type3A_180 = arith.fptosi %broadcast_in_dim3A_155 : vector<2048x1xf32> to vector<2048x1xi32>
    %jit3A_181 = arith.constant 0 : i32
    %broadcast_in_dim3A_182 = vector.shape_cast %convert_element_type3A_180 : vector<2048x1xi32> to vector<2048x1xi32>
    %broadcast_in_dim3A_183 = vector.broadcast %broadcast_in_dim3A_182 : vector<2048x1xi32> to vector<2048x128xi32>
    %broadcast_in_dim3A_184 = vector.broadcast %jit3A_181 : i32 to vector<2048x128xi32>
    %select_n3A_185 = arith.select %eq3A_179, %broadcast_in_dim3A_183, %broadcast_in_dim3A_184 : vector<2048x128xi1>, vector<2048x128xi32>
    %broadcast_in_dim3A_186 = vector.shape_cast %convert_element_type3A_176 : vector<2048x1xi32> to vector<2048x1xi32>
    %broadcast_in_dim3A_187 = vector.broadcast %broadcast_in_dim3A_186 : vector<2048x1xi32> to vector<2048x128xi32>
    %select_n3A_188 = arith.select %eq3A_175, %broadcast_in_dim3A_187, %select_n3A_185 : vector<2048x128xi1>, vector<2048x128xi32>
    %swap3A_189 = arith.constant 0 : index
    %swap3A_190 = arith.constant 0 : index
    %swap3A_191 = vector.load %arg3[%swap3A_189, %swap3A_190] : memref<2048x128xi32, #tpu.memory_space<vmem>>, vector<2048x128xi32>
    tpu.vector_store %arg3[%swap3A_189, %swap3A_190], %select_n3A_188 {strides = array<i32>} : memref<2048x128xi32, #tpu.memory_space<vmem>>, vector<2048x128xi32>,
    %broadcast_in_dim3A_192 = arith.constant 0 : i32
    %broadcast_in_dim3A_193 = vector.broadcast %broadcast_in_dim3A_192 : i32 to vector<1x120xi32>
    %concatenate3A_194 = tpu.concatenate %select_n3A_126, %broadcast_in_dim3A_193 in 1 : vector<1x8xi32>, vector<1x120xi32> -> vector<1x128xi32>
    %swap3A_195 = arith.constant 0 : index
    %swap3A_196 = arith.constant 0 : index
    %swap3A_197 = vector.load %arg4[%swap3A_195, %swap3A_196] : memref<1x128xi32, #tpu.memory_space<vmem>>, vector<1x128xi32>
    tpu.vector_store %arg4[%swap3A_195, %swap3A_196], %concatenate3A_194 {strides = array<i32>} : memref<1x128xi32, #tpu.memory_space<vmem>>, vector<1x128xi32>,
    return
  }
}

module attributes {stable_mosaic.version = 14 : i64} {
  func.func @_ffn_body(%arg0: i32, %arg1: i32, %arg2: memref<14xi32, #tpu.memory_space<smem>>, %arg3: memref<1xi32, #tpu.memory_space<smem>>, %arg4: memref<640x768xf32, #tpu.memory_space<vmem>>, %arg5: memref<1x768x1536xf32, #tpu.memory_space<vmem>>, %arg6: memref<1x1x1536xf32, #tpu.memory_space<vmem>>, %arg7: memref<1x1536x768xf32, #tpu.memory_space<vmem>>, %arg8: memref<1x1x768xf32, #tpu.memory_space<vmem>>, %arg9: memref<640x768xf32, #tpu.memory_space<vmem>>, %arg10: memref<640x768xf32, #tpu.memory_space<vmem>>) attributes {dimension_semantics = [#tpu.dimension_semantics<arbitrary>, #tpu.dimension_semantics<arbitrary>], iteration_bounds = array<i64: 14, 2>, scalar_prefetch = 2 : i64, scratch_operands = 1 : i64, tpu.core_type = #tpu.core_type<tc>, window_params = [{transform_indices = @transform_0, window_bounds = array<i64: 640, 768>}, {transform_indices = @transform_1, window_bounds = array<i64: 1, 768, 1536>}, {transform_indices = @transform_2, window_bounds = array<i64: 1, 1, 1536>}, {transform_indices = @transform_3, window_bounds = array<i64: 1, 1536, 768>}, {transform_indices = @transform_4, window_bounds = array<i64: 1, 1, 768>}, {transform_indices = @transform_5, window_bounds = array<i64: 640, 768>}]} {
    %get3A = arith.constant 0 : index
    %get3A_0 = memref.load %arg3[%get3A] : memref<1xi32, #tpu.memory_space<smem>>
    %lt3A = arith.cmpi slt, %arg0, %get3A_0 : i32
    %eq3A = arith.constant 0 : i32
    %eq3A_1 = arith.cmpi eq, %arg1, %eq3A : i32
    %and3A = arith.andi %lt3A, %eq3A_1 : i1
    %convert_element_type3A = arith.extui %and3A : i1 to i32
    %cond3A = arith.constant 0 : i32
    %cond3A_2 = arith.cmpi ne, %convert_element_type3A, %cond3A : i32
    scf.if %cond3A_2 {
      %broadcast_in_dim3A = arith.constant 0.000000e+00 : f32
      %broadcast_in_dim3A_12 = vector.broadcast %broadcast_in_dim3A : f32 to vector<640x768xf32>
      %swap3A = arith.constant 0 : index
      %swap3A_13 = arith.constant 0 : index
      %swap3A_14 = vector.load %arg10[%swap3A, %swap3A_13] : memref<640x768xf32, #tpu.memory_space<vmem>>, vector<640x768xf32>
      tpu.vector_store %arg10[%swap3A, %swap3A_13], %broadcast_in_dim3A_12 {strides = array<i32>} : memref<640x768xf32, #tpu.memory_space<vmem>>, vector<640x768xf32>,
    } else {
    }
    %convert_element_type3A_3 = arith.extui %lt3A : i1 to i32
    %cond3A_4 = arith.constant 0 : i32
    %cond3A_5 = arith.cmpi ne, %convert_element_type3A_3, %cond3A_4 : i32
    scf.if %cond3A_5 {
      %get3A_12 = arith.constant 0 : index
      %get3A_13 = arith.constant 0 : index
      %get3A_14 = vector.load %arg4[%get3A_12, %get3A_13] : memref<640x768xf32, #tpu.memory_space<vmem>>, vector<640x768xf32>
      %get3A_15 = arith.constant 0 : index
      %get3A_16 = arith.constant 0 : index
      %get3A_17 = arith.constant 0 : index
      %get3A_18 = vector.load %arg5[%get3A_15, %get3A_16, %get3A_17] : memref<1x768x1536xf32, #tpu.memory_space<vmem>>, vector<1x768x1536xf32>
      %get3A_19 = vector.shape_cast %get3A_18 : vector<1x768x1536xf32> to vector<768x1536xf32>
      %dot_general3A = arith.constant dense<0.000000e+00> : vector<640x1536xf32>
      %dot_general3A_20 = tpu.matmul %get3A_14, %get3A_19, %dot_general3A {dimension_numbers = #tpu.dot_dimension_numbers<[1], [0], [0], [1], [0, 0, 1, 1], [], []>, transpose_lhs_hint = false} : vector<640x768xf32>, vector<768x1536xf32>, vector<640x1536xf32> -> vector<640x1536xf32>
      %get3A_21 = arith.constant 0 : index
      %get3A_22 = arith.constant 0 : index
      %get3A_23 = arith.constant 0 : index
      %get3A_24 = vector.load %arg6[%get3A_21, %get3A_22, %get3A_23] : memref<1x1x1536xf32, #tpu.memory_space<vmem>>, vector<1x1x1536xf32>
      %get3A_25 = vector.shape_cast %get3A_24 : vector<1x1x1536xf32> to vector<1x1536xf32>
      %add3A = vector.broadcast %get3A_25 : vector<1x1536xf32> to vector<640x1536xf32>
      %add3A_26 = arith.addf %dot_general3A_20, %add3A : vector<640x1536xf32>
      %mul3A = arith.constant 5.000000e-01 : f32
      %mul3A_27 = vector.broadcast %mul3A : f32 to vector<640x1536xf32>
      %mul3A_28 = arith.mulf %mul3A_27, %add3A_26 : vector<640x1536xf32>
      %mul3A_29 = arith.constant 0.707106769 : f32
      %mul3A_30 = vector.broadcast %mul3A_29 : f32 to vector<640x1536xf32>
      %mul3A_31 = arith.mulf %add3A_26, %mul3A_30 : vector<640x1536xf32>
      %erf3A = math.erf %mul3A_31 : vector<640x1536xf32>
      %add3A_32 = arith.constant 1.000000e+00 : f32
      %add3A_33 = vector.broadcast %add3A_32 : f32 to vector<640x1536xf32>
      %add3A_34 = arith.addf %add3A_33, %erf3A : vector<640x1536xf32>
      %mul3A_35 = arith.mulf %mul3A_28, %add3A_34 : vector<640x1536xf32>
      %get3A_36 = arith.constant 0 : index
      %get3A_37 = arith.constant 0 : index
      %get3A_38 = vector.load %arg10[%get3A_36, %get3A_37] : memref<640x768xf32, #tpu.memory_space<vmem>>, vector<640x768xf32>
      %get3A_39 = arith.constant 0 : index
      %get3A_40 = arith.constant 0 : index
      %get3A_41 = arith.constant 0 : index
      %get3A_42 = vector.load %arg7[%get3A_39, %get3A_40, %get3A_41] : memref<1x1536x768xf32, #tpu.memory_space<vmem>>, vector<1x1536x768xf32>
      %get3A_43 = vector.shape_cast %get3A_42 : vector<1x1536x768xf32> to vector<1536x768xf32>
      %dot_general3A_44 = arith.constant dense<0.000000e+00> : vector<640x768xf32>
      %dot_general3A_45 = tpu.matmul %mul3A_35, %get3A_43, %dot_general3A_44 {dimension_numbers = #tpu.dot_dimension_numbers<[1], [0], [0], [1], [0, 0, 1, 1], [], []>, transpose_lhs_hint = false} : vector<640x1536xf32>, vector<1536x768xf32>, vector<640x768xf32> -> vector<640x768xf32>
      %add3A_46 = arith.addf %get3A_38, %dot_general3A_45 : vector<640x768xf32>
      %swap3A = arith.constant 0 : index
      %swap3A_47 = arith.constant 0 : index
      %swap3A_48 = vector.load %arg10[%swap3A, %swap3A_47] : memref<640x768xf32, #tpu.memory_space<vmem>>, vector<640x768xf32>
      tpu.vector_store %arg10[%swap3A, %swap3A_47], %add3A_46 {strides = array<i32>} : memref<640x768xf32, #tpu.memory_space<vmem>>, vector<640x768xf32>,
    } else {
    }
    %eq3A_6 = arith.constant 1 : i32
    %eq3A_7 = arith.cmpi eq, %arg1, %eq3A_6 : i32
    %and3A_8 = arith.andi %lt3A, %eq3A_7 : i1
    %convert_element_type3A_9 = arith.extui %and3A_8 : i1 to i32
    %cond3A_10 = arith.constant 0 : i32
    %cond3A_11 = arith.cmpi ne, %convert_element_type3A_9, %cond3A_10 : i32
    scf.if %cond3A_11 {
      %get3A_12 = arith.constant 0 : index
      %get3A_13 = arith.constant 0 : index
      %get3A_14 = vector.load %arg10[%get3A_12, %get3A_13] : memref<640x768xf32, #tpu.memory_space<vmem>>, vector<640x768xf32>
      %get3A_15 = arith.constant 0 : index
      %get3A_16 = arith.constant 0 : index
      %get3A_17 = arith.constant 0 : index
      %get3A_18 = vector.load %arg8[%get3A_15, %get3A_16, %get3A_17] : memref<1x1x768xf32, #tpu.memory_space<vmem>>, vector<1x1x768xf32>
      %get3A_19 = vector.shape_cast %get3A_18 : vector<1x1x768xf32> to vector<1x768xf32>
      %add3A = vector.broadcast %get3A_19 : vector<1x768xf32> to vector<640x768xf32>
      %add3A_20 = arith.addf %get3A_14, %add3A : vector<640x768xf32>
      %swap3A = arith.constant 0 : index
      %swap3A_21 = arith.constant 0 : index
      %swap3A_22 = vector.load %arg9[%swap3A, %swap3A_21] : memref<640x768xf32, #tpu.memory_space<vmem>>, vector<640x768xf32>
      tpu.vector_store %arg9[%swap3A, %swap3A_21], %add3A_20 {strides = array<i32>} : memref<640x768xf32, #tpu.memory_space<vmem>>, vector<640x768xf32>,
    } else {
    }
    return
  }
  func.func @transform_0(%arg0: i32, %arg1: i32, %arg2: memref<14xi32, #tpu.memory_space<smem>>, %arg3: memref<1xi32, #tpu.memory_space<smem>>) -> (i32, i32) {
    %get3A = arith.constant 0 : index
    %get3A_0 = memref.load %arg3[%get3A] : memref<1xi32, #tpu.memory_space<smem>>
    %lt3A = arith.cmpi slt, %arg0, %get3A_0 : i32
    %get3A_1 = arith.constant 0 : index
    %get3A_2 = memref.load %arg3[%get3A_1] : memref<1xi32, #tpu.memory_space<smem>>
    %sub3A = arith.constant 1 : i32
    %sub3A_3 = arith.subi %get3A_2, %sub3A : i32
    %select_n3A = arith.select %lt3A, %arg0, %sub3A_3 : i32
    %jit3A = arith.constant 1 : i32
    %select_n3A_4 = arith.select %lt3A, %arg1, %jit3A : i32
    %c0_i32 = arith.constant 0 : i32
    %c0_i32_5 = arith.constant 0 : i32
    return %select_n3A, %c0_i32 : i32, i32
  }
  func.func @transform_1(%arg0: i32, %arg1: i32, %arg2: memref<14xi32, #tpu.memory_space<smem>>, %arg3: memref<1xi32, #tpu.memory_space<smem>>) -> (i32, i32, i32) {
    %get3A = arith.constant 0 : index
    %get3A_0 = memref.load %arg3[%get3A] : memref<1xi32, #tpu.memory_space<smem>>
    %lt3A = arith.cmpi slt, %arg0, %get3A_0 : i32
    %get3A_1 = arith.constant 0 : index
    %get3A_2 = memref.load %arg3[%get3A_1] : memref<1xi32, #tpu.memory_space<smem>>
    %sub3A = arith.constant 1 : i32
    %sub3A_3 = arith.subi %get3A_2, %sub3A : i32
    %select_n3A = arith.select %lt3A, %arg0, %sub3A_3 : i32
    %jit3A = arith.constant 1 : i32
    %select_n3A_4 = arith.select %lt3A, %arg1, %jit3A : i32
    %get3A_5 = arith.index_cast %select_n3A : i32 to index
    %get3A_6 = memref.load %arg2[%get3A_5] : memref<14xi32, #tpu.memory_space<smem>>
    %c0_i32 = arith.constant 0 : i32
    %c0_i32_7 = arith.constant 0 : i32
    return %get3A_6, %c0_i32, %select_n3A_4 : i32, i32, i32
  }
  func.func @transform_2(%arg0: i32, %arg1: i32, %arg2: memref<14xi32, #tpu.memory_space<smem>>, %arg3: memref<1xi32, #tpu.memory_space<smem>>) -> (i32, i32, i32) {
    %get3A = arith.constant 0 : index
    %get3A_0 = memref.load %arg3[%get3A] : memref<1xi32, #tpu.memory_space<smem>>
    %lt3A = arith.cmpi slt, %arg0, %get3A_0 : i32
    %get3A_1 = arith.constant 0 : index
    %get3A_2 = memref.load %arg3[%get3A_1] : memref<1xi32, #tpu.memory_space<smem>>
    %sub3A = arith.constant 1 : i32
    %sub3A_3 = arith.subi %get3A_2, %sub3A : i32
    %select_n3A = arith.select %lt3A, %arg0, %sub3A_3 : i32
    %jit3A = arith.constant 1 : i32
    %select_n3A_4 = arith.select %lt3A, %arg1, %jit3A : i32
    %get3A_5 = arith.index_cast %select_n3A : i32 to index
    %get3A_6 = memref.load %arg2[%get3A_5] : memref<14xi32, #tpu.memory_space<smem>>
    %c0_i32 = arith.constant 0 : i32
    %c0_i32_7 = arith.constant 0 : i32
    return %get3A_6, %c0_i32, %select_n3A_4 : i32, i32, i32
  }
  func.func @transform_3(%arg0: i32, %arg1: i32, %arg2: memref<14xi32, #tpu.memory_space<smem>>, %arg3: memref<1xi32, #tpu.memory_space<smem>>) -> (i32, i32, i32) {
    %get3A = arith.constant 0 : index
    %get3A_0 = memref.load %arg3[%get3A] : memref<1xi32, #tpu.memory_space<smem>>
    %lt3A = arith.cmpi slt, %arg0, %get3A_0 : i32
    %get3A_1 = arith.constant 0 : index
    %get3A_2 = memref.load %arg3[%get3A_1] : memref<1xi32, #tpu.memory_space<smem>>
    %sub3A = arith.constant 1 : i32
    %sub3A_3 = arith.subi %get3A_2, %sub3A : i32
    %select_n3A = arith.select %lt3A, %arg0, %sub3A_3 : i32
    %jit3A = arith.constant 1 : i32
    %select_n3A_4 = arith.select %lt3A, %arg1, %jit3A : i32
    %get3A_5 = arith.index_cast %select_n3A : i32 to index
    %get3A_6 = memref.load %arg2[%get3A_5] : memref<14xi32, #tpu.memory_space<smem>>
    %c0_i32 = arith.constant 0 : i32
    %c0_i32_7 = arith.constant 0 : i32
    return %get3A_6, %select_n3A_4, %c0_i32 : i32, i32, i32
  }
  func.func @transform_4(%arg0: i32, %arg1: i32, %arg2: memref<14xi32, #tpu.memory_space<smem>>, %arg3: memref<1xi32, #tpu.memory_space<smem>>) -> (i32, i32, i32) {
    %get3A = arith.constant 0 : index
    %get3A_0 = memref.load %arg3[%get3A] : memref<1xi32, #tpu.memory_space<smem>>
    %lt3A = arith.cmpi slt, %arg0, %get3A_0 : i32
    %get3A_1 = arith.constant 0 : index
    %get3A_2 = memref.load %arg3[%get3A_1] : memref<1xi32, #tpu.memory_space<smem>>
    %sub3A = arith.constant 1 : i32
    %sub3A_3 = arith.subi %get3A_2, %sub3A : i32
    %select_n3A = arith.select %lt3A, %arg0, %sub3A_3 : i32
    %jit3A = arith.constant 1 : i32
    %select_n3A_4 = arith.select %lt3A, %arg1, %jit3A : i32
    %get3A_5 = arith.index_cast %select_n3A : i32 to index
    %get3A_6 = memref.load %arg2[%get3A_5] : memref<14xi32, #tpu.memory_space<smem>>
    %c0_i32 = arith.constant 0 : i32
    %c0_i32_7 = arith.constant 0 : i32
    %c0_i32_8 = arith.constant 0 : i32
    return %get3A_6, %c0_i32, %c0_i32_7 : i32, i32, i32
  }
  func.func @transform_5(%arg0: i32, %arg1: i32, %arg2: memref<14xi32, #tpu.memory_space<smem>>, %arg3: memref<1xi32, #tpu.memory_space<smem>>) -> (i32, i32) {
    %get3A = arith.constant 0 : index
    %get3A_0 = memref.load %arg3[%get3A] : memref<1xi32, #tpu.memory_space<smem>>
    %lt3A = arith.cmpi slt, %arg0, %get3A_0 : i32
    %get3A_1 = arith.constant 0 : index
    %get3A_2 = memref.load %arg3[%get3A_1] : memref<1xi32, #tpu.memory_space<smem>>
    %sub3A = arith.constant 1 : i32
    %sub3A_3 = arith.subi %get3A_2, %sub3A : i32
    %select_n3A = arith.select %lt3A, %arg0, %sub3A_3 : i32
    %jit3A = arith.constant 1 : i32
    %select_n3A_4 = arith.select %lt3A, %arg1, %jit3A : i32
    %c0_i32 = arith.constant 0 : i32
    %c0_i32_5 = arith.constant 0 : i32
    return %select_n3A, %c0_i32 : i32, i32
  }
}

</mosaic_0001>

<sc_bundles>
// kernel: kernel.6.cloned.1.call-start
scs
__scs_entry_jumppad:
0x0: {  	(pc) =	sbr.rel $0x88, $3  }
0x1: {  	(tag) =	ssettag $0x0;
	lr =	simm.s32 $0x1  }
0x2: {  	[smem:$0x3F9B] =	sst lr;
	_ =	strace $0xD0000000  }
0x3: {  	_ = 	snop  }
0x4: {  	_ = 	snop  }
0x5: {  	_ = 	snop  }
0x6: {  	_ = 	snop  }
0x7: {  	_ = 	snop  }
__scs_overlays_trampoline_lowered:
0x8: {  	[smem:$0x3FAA] =	sst s0  }
0x9: {  	[smem:$0x3FAB] =	sst s1  }
0xa: {  	[smem:$0x3FAC] =	sst s2  }
0xb: {  	[smem:$0x3FAD] =	sst s3  }
0xc: {  	[smem:$0x3FAE] =	sst s4  }
0xd: {  	[smem:$0x3FAF] =	sst s5  }
0xe: {  	[smem:$0x3FB0] =	sst s6  }
0xf: {  	[smem:$0x3FB1] =	sst s7  }
0x10: {  	[smem:$0x3FB2] =	sst s8  }
0x11: {  	[smem:$0x3FB3] =	sst s9;
	s0 =	simm.s32 @!p0 $0x0  }
0x12: {  	s1 =	sld [smem:$0x3F99];
	s0 =	simm.s32 @p0 $0x1  }
0x13: {  	[smem:$0x3FB4] =	sst s0;
	s0 =	simm.s32 @!p1 $0x0  }
0x14: {  	s2 =	sld [smem:$0x3F98];
	s0 =	simm.s32 @p1 $0x1  }
0x15: {  	[smem:$0x3FB5] =	sst s0;
	s0 =	simm.s32 @!p2 $0x0  }
0x16: {  	s3 =	sld [smem:$0x3FDB];
	s0 =	simm.s32 @p2 $0x1  }
0x17: {  	s4 =	simm.s32 $0x1BF5;
	[smem:$0x3FB7] =	sst s0  }
0x18: {  	s0 =	sld [smem:$0x3F9A];
	_ =	swait.ge [sflag:s4], $0x0  }
0x19: {  	s7 =	sld [smem:$0x3F9B]  }
0x1a: {  	s8 =	sadd.s32 $0xFFFFE003, lr  }
0x1b: {  	s9 =	sadd.s32 $0xFFFFFEF7, lr;
	s5 =	simm.s32 $0xFFFFFFFF;
	p2 =	slt.u32 s8, $0xFFFFF086  }
0x1c: {  	p1 =	slt.u32 s9, $0xF7A;
	s5 =	simm.s32 @!p2 $0x0  }
0x1d: {  	s5 =	simm.s32 @p1 $0x1;
	p0 =	seq.s32 s7, s2  }
0x1e: {  	s7 =	smul.u32 @!p0 $0xF7A, s2;
	p2 =	seq.s32 @!p0 s5, $0x0  }
0x1f: {  	s9 =	smul.u32 $0xF7A, s1;
	s8 =	simm.s32 @!p0 $0x1BF5;
	p2 =	por !p2, p0  }
0x20: {  	[sflag:s8] =	ssyncset.s32 @!p0 $0xFFFFF086;
	s6 =	sadd.s32 @!p0 s3, s7;
	s7 =	simm.s32 @!p0 $0x108  }
0x21: {  	s3 =	sadd.s32 s3, s9;
	s6 =	sadd.s32 @!p0 $0x88, s6;
	s7 =	simm.s32 @p2 $0x1082  }
0x22: {  	[simem:s7], [sflag:s8] =	dma.local @!p0 [hbm:s6], $0xF7A  }
0x23: {  	s9 =	sor.u32 $0xD0000000, s2;
	s6 =	simm.s32 $0x108;
	_ =	swait.ge @!p0 [sflag:s8], $0x0  }
0x24: {  	s3 =	sadd.s32 $0x88, s3;
	s6 =	simm.s32 @!p1 $0x1082;
	[sflag:s4] =	ssyncset.s32 $0xFFFFF086  }
0x25: {  	[simem:s6], [sflag:s4] =	dma.local [hbm:s3], $0xF7A  }
0x26: {  	[smem:$0x3F9B] =	sst s1;
	(tag) =	ssettag s2;
	_ =	strace s9  }
0x27: {  	s1 =	sld [smem:$0x3FAB]  }
0x28: {  	s2 =	sld [smem:$0x3FAC]  }
0x29: {  	s4 =	sld [smem:$0x3FAE]  }
0x2a: {  	p0 =	seq.s32 s5, $0x0;
	s5 =	sld [smem:$0x3FAF]  }
0x2b: {  	s6 =	sld [smem:$0x3FB0]  }
0x2c: {  	s7 =	sld [smem:$0x3FB1]  }
0x2d: {  	s3 =	simm.s32 $0x108;
	s8 =	sld [smem:$0x3FB2]  }
0x2e: {  	s3 =	simm.s32 @!p0 $0x1082;
	s9 =	sld [smem:$0x3FB3]  }
0x2f: {  	lr =	sadd.s32 s0, s3;
	s0 =	sld [smem:$0x3FAA]  }
0x30: {  	s3 =	sld [smem:$0x3FAD]  }
0x31: {  	[smem:$0x3FB6] =	sst s10  }
0x32: {  	s10 =	sld [smem:$0x3FB4];
	_ =	sdelay $0x3  }
0x33: {  	p0 =	seq.s32 s10, $0x1;
	s10 =	sld [smem:$0x3FB6];
	_ =	sdelay $0x3  }
0x34: {  	[smem:$0x3FB6] =	sst s10  }
0x35: {  	s10 =	sld [smem:$0x3FB5];
	_ =	sdelay $0x3  }
0x36: {  	p1 =	seq.s32 s10, $0x1;
	s10 =	sld [smem:$0x3FB6];
	_ =	sdelay $0x3  }
0x37: {  	[smem:$0x3FB6] =	sst s10  }
0x38: {  	s10 =	sld [smem:$0x3FB7]  }
0x39: {  	_ = 	snop;
	(pc) =	sbr.ind lr, $3  }
0x3a: {  	_ = 	snop  }
0x3b: {  	_ = 	snop  }
0x3c: {  	p2 =	seq.s32 s10, $0x1;
	s10 =	sld [smem:$0x3FB6]  }
0x3d: {  	_ =	shalt  }
0x3e: {  	_ =	shalt  }
0x3f: {  	_ =	shalt  }
0x40: {  	_ =	shalt  }
0x41: {  	_ =	shalt  }
0x42: {  	_ =	shalt  }
0x43: {  	_ =	shalt  }
0x44: {  	_ =	shalt  }
0x45: {  	_ =	shalt  }
0x46: {  	_ =	shalt  }
0x47: {  	_ =	shalt  }
0x48: {  	_ =	shalt  }
0x49: {  	_ =	shalt  }
0x4a: {  	_ =	shalt  }
0x4b: {  	_ =	shalt  }
0x4c: {  	_ =	shalt  }
0x4d: {  	_ =	shalt  }
0x4e: {  	_ =	shalt  }
0x4f: {  	_ =	shalt  }
0x50: {  	_ =	shalt  }
0x51: {  	_ =	shalt  }
0x52: {  	_ =	shalt  }
0x53: {  	_ =	shalt  }
0x54: {  	_ =	shalt  }
0x55: {  	_ =	shalt  }
0x56: {  	_ =	shalt  }
0x57: {  	_ =	shalt  }
0x58: {  	_ =	shalt  }
0x59: {  	_ =	shalt  }
0x5a: {  	_ =	shalt  }
0x5b: {  	_ =	shalt  }
0x5c: {  	_ =	shalt  }
0x5d: {  	_ =	shalt  }
0x5e: {  	_ =	shalt  }
0x5f: {  	_ =	shalt  }
0x60: {  	_ =	shalt  }
0x61: {  	_ =	shalt  }
0x62: {  	_ =	shalt  }
0x63: {  	_ =	shalt  }
0x64: {  	_ =	shalt  }
0x65: {  	_ =	shalt  }
0x66: {  	_ =	shalt  }
0x67: {  	_ =	shalt  }
0x68: {  	_ =	shalt  }
0x69: {  	_ =	shalt  }
0x6a: {  	_ =	shalt  }
0x6b: {  	_ =	shalt  }
0x6c: {  	_ =	shalt  }
0x6d: {  	_ =	shalt  }
0x6e: {  	_ =	shalt  }
0x6f: {  	_ =	shalt  }
0x70: {  	_ =	shalt  }
0x71: {  	_ =	shalt  }
0x72: {  	_ =	shalt  }
0x73: {  	_ =	shalt  }
0x74: {  	_ =	shalt  }
0x75: {  	_ =	shalt  }
0x76: {  	_ =	shalt  }
0x77: {  	_ =	shalt  }
0x78: {  	_ =	shalt  }
0x79: {  	_ =	shalt  }
0x7a: {  	_ =	shalt  }
0x7b: {  	_ =	shalt  }
0x7c: {  	_ =	shalt  }
0x7d: {  	_ =	shalt  }
0x7e: {  	_ =	shalt  }
0x7f: {  	_ =	shalt  }
0x80: {  	_ =	shalt  }
0x81: {  	_ =	shalt  }
0x82: {  	_ =	shalt  }
0x83: {  	_ =	shalt  }
0x84: {  	_ =	shalt  }
0x85: {  	_ =	shalt  }
0x86: {  	_ =	shalt  }
0x87: {  	_ =	shalt  }
.Lfunc_end0:
.L_simem_size_0:
called_computation_lowered:
.L_overlay_start_0:
0x88: {  	s2 =	sld [smem:$0x3FD9]  }
0x89: {  	s3 =	sld [smem:$0x3FFE];
	_ =	sdelay $0x1  }
0x8a: {  	s1 =	srdreg.scid  }
0x8b: {  	s0 =	sand.u32 $0x1, s1  }
0x8c: {  	s17 =	sshll.u32 s0, $0xA;
	s2 =	sadd.s32 s3, s2  }
0x8d: {  	s2 =	sadd.s32 s2, s17  }
0x8e: {  	[smem:$0x3FC2] =	sst s2  }
0x8f: {  	_ = 	snop  }
0x90: {  	s2 =	sld [smem:$0x3FC9];
	(tm) =	ssettm $0x1  }
0x91: {  	s18 =	sld [smem:$0x3FFB];
	_ =	sdelay $0x3  }
0x92: {  	_ =	strace s18  }
0x93: {  	s3 =	sld [smem:$0x3FFC];
	_ =	sdelay $0x3  }
0x94: {  	_ =	strace s3  }
0x95: {  	s3 =	sld [smem:$0x3FFD];
	_ =	sdelay $0x3  }
0x96: {  	_ =	strace s3  }
0x97: {  	_ =	strace $0x8FFFFFFF  }
0x98: {  	s19 =	sld [smem:$0x3FDB];
	_ =	sdelay $0x1  }
0x99: {  	s4 =	simm.s32 $_scs_section_size  }
0x9a: {  	s5 =	simm.s32 $_size__tile_overlayer_lowered;
	s6 =	simm.s32 $_tile_overlayer_lowered  }
0x9b: {  	s22 =	simm.s32 $0x1BFF;
	s21 =	sshll.u32 s6, $0x1;
	s3 =	sadd.s32 s4, s19  }
0x9c: {  	s7 =	simm.s32 $0x0;
	s20 =	sshll.u32 s5, $0x1;
	s5 =	sadd.s32 s21, s3  }
0x9d: {  	[timem:s7], [sflag:s22] =	dma.local [hbm:s5], s20  }
0x9e: {  	_ =	swait.ge [sflag:s22], s20  }
0x9f: {  	s4 =	ssub.s32 $0x0, s20;
	[sflag:s22] =	ssyncset.done $0x0  }
0xa0: {  	[sflag:s22] =	ssyncadd.s32 s4;
	_ =	sdelay $0x1  }
0xa1: {  	s23 =	simm.s32 $0x1B8B  }
0xa2: {  	_ =	swait.ge [sflag:s23], $0x1  }
0xa3: {  	[sflag:s23] =	ssyncset.done $0x0  }
0xa4: {  	s25 =	simm.s32 $0x1B8E;
	s24 =	sld [smem:$0x3FFE];
	[sflag:s23] =	ssyncadd.s32 $0xFFFFFFFF  }
0xa5: {  	s26 =	simm.s32 $execute0_lowered;
	[smem:$0x3FD2] =	sst s25  }
0xa6: {  	s5 =	sshll.u32 s26, $0x1;
	_ =	strace $0x80000046;
	[dreg:$0x1] =	wrdreg $0xFFFFFFFF  }
0xa7: {  	s28 =	simm.s32 $_size_execute0_lowered;
	s3 =	sadd.s32 s3, s5;
	[dreg:$0x0] =	wrdreg $0x0  }
0xa8: {  	s5 =	sshll.u32 s28, $0x1;
	[dreg:$0x2] =	wrdreg s3  }
0xa9: {  	[dreg:$0x3] =	wrdreg s5  }
0xaa: {  	[dreg:$0x4] =	wrdreg $0xC0  }
0xab: {  	_ =	task [dreg:s7], $0x5FFFF  }
0xac: {  	[dreg:$0x1] =	wrdreg $0xFFFFFFFF  }
0xad: {  	[dreg:$0x0] =	wrdreg $0x60  }
0xae: {  	[dreg:$0x2] =	wrdreg s2  }
0xaf: {  	[dreg:$0x3] =	wrdreg s24  }
0xb0: {  	[dreg:$0x4] =	wrdreg $0x9  }
0xb1: {  	_ =	task.clear_ibuf [dreg:s7], $0x5FFFF;
	_ =	strace $0x90000046  }
0xb2: {  	s29 =	simm.s32 $0x9;
	_ =	strace $0x80000048  }
0xb3: {  	_ =	swait.ge [sflag:s29], $0x1  }
0xb4: {  	[sflag:s29] =	ssyncadd.s32 $0xFFFFFFFF  }
0xb5: {  	_ =	strace $0x90000048  }
0xb6: {  	_ =	sfence  }
0xb7: {  	s30 =	sld [smem:$0x0];
	_ =	sdelay $0x2  }
0xb8: {  	s31 =	sshll.u32 s1, $0xD;
	s1 =	sshrl.u32 s1, $0x2  }
0xb9: {  	s3 =	sand.u32 $0x4000, s31;
	s1 =	sadd.s32 s1, s30  }
0xba: {  	s0 =	sor.u32 s3, s0;
	s1 =	sshll.u32 s1, $0x11  }
0xbb: {  	s0 =	sor.u32 s1, s0  }
0xbc: {  	s0 =	sadd.s32 $0x8F2B, s0  }
0xbd: {  	[sflag:s0] =	ssyncadd.remote.s32 $0x1  }
0xbe: {  	_ =	sfence.sel $0xFFFF  }
0xbf: {  	[dreg:$0x0] =	wrdreg $0xFFFFFFFF;
	(pc) =	sbr.abs _section_cstart, $3  }
0xc0: {  	[dreg:$0x1] =	wrdreg $0xFFFFFFFF  }
0xc1: {  	_ =	task.clear_ibuf [dreg:s7], $0x2FFFF;
	_ =	strace $0x9FFFFFFF  }
0xc2: {  	(tm) =	ssettm $0x7FFFFFFF  }
0xc3: {  	_ =	shalt  }
tec
execute0_lowered:
.L_overlay_start_1:
0x0: {  	(tag) =	ssettag $0x1  }
0x1: {  	s0 =	srdreg.scid;
	s1 =	rddreg [dreg:$0x0]  }
0x2: {  	s2 =	stileid.u32;
	s6 =	rddreg [dreg:$0x1];
	s25 =	simm.s32 $0xC000  }
0x3: {  	s26 =	simm.s32 $0xC080;
	s8 =	simm.s32 $0x2;
	s10 =	simm.s32 $0x1000  }
0x4: {  	s11 =	simm.s32 $0x1800;
	s12 =	simm.s32 $0x2000;
	s13 =	simm.s32 $0x2800  }
0x5: {  	s14 =	simm.s32 $0x3000;
	s15 =	simm.s32 $0x3800;
	s16 =	simm.s32 $0x4000  }
0x6: {  	s17 =	simm.s32 $0x4800;
	s18 =	simm.s32 $0x5000;
	s19 =	simm.s32 $0x5800  }
0x7: {  	s20 =	simm.s32 $0x6000;
	s21 =	simm.s32 $0x6800;
	s22 =	simm.s32 $0x7000  }
0x8: {  	s23 =	simm.s32 $0x7800;
	s28 =	simm.s32 $0x9800;
	s29 =	simm.s32 $0xA000  }
0x9: {  	s30 =	simm.s32 $0xA800;
	s31 =	simm.s32 $0xB000;
	s0 =	sand.u32 $0x1, s0  }
0xa: {  	s3 =	sshll.u32 s2, $0x4;
	s2 =	simm.s32 $0x0;
	s4 =	sshll.u32 s0, $0x3  }
0xb: {  	[smem:$0x7FF] =	sst s2;
	s0 =	ssub.s32 $0x2, s0;
	s4 =	sor.u32 s4, s3  }
0xc: {  	_ =	strace $0x80000047;
	s3 =	sadd.s32 $0x400, s6;
	[dreg:$0x5] =	wrdreg s25  }
0xd: {  	s7 =	sshrl.u32 s0, $0x1;
	[dreg:$0x6] =	wrdreg s26;
	s25 =	simm.s32 $0x8800  }
0xe: {  	s26 =	simm.s32 $0x9000;
	s5 =	smul.u32 $0x300, s4;
	s4 =	sadd.s32 s6, s4  }
0xf: {  	s0 =	ssub.s32 s0, s7;
	[dreg:$0x7] =	wrdreg s4;
	s24 =	sadd.s32 $0x200, s4  }
0x10: {  	v2 =	vlaneseq.u32;
	s7 =	smax.u32 s0, $0x1;
	s0 =	simm.s32 $0x1;
	s1 =	sadd.s32 s1, s5  }
0x11: {  	vm0 =	vmmov $0xffff;
	v1 =	vshrl.u32 v2, $0x3;
	[dreg:$0x4] =	wrdreg s24;
	s5 =	sadd.s32 $0x500, s6;
	s6 =	sadd.s32 $0x600, s6  }
0x12: {  	v0 =	vand.u32 $0x7, v2;
	v2 =	vor.u32 $0x8, v2;
	v1 =	vmul.u32 $0x8, v1;
	s24 =	simm.s32 $0x8000;
	[dreg:$0x3] =	wrdreg s1;
	s1 =	simm.s32 $0xB800  }
.LBB2_1:
0x13: {  	s4 =	rddreg [dreg:$0x3]  }
0x14: {  	[tilespmem:s2], [sflag:$0x2] =	stream.linear.gather [hbm4b:s4+s2], $0xC000, $0x38;
	[tilespmem:$0xC100] =	vst v63  }
0x15: {  	_ =	swait.ge [sflag:s8], $0xC000  }
0x16: {  	s4 =	rddreg [dreg:$0x4];
	[sflag:s8] =	ssyncset.done $0x0  }
0x17: {  	s9 =	rddreg [dreg:$0x5];
	[sflag:s8] =	ssyncadd.s32 $0xFFFF4000  }
0x18: {  	[tilespmem:s9], [sflag:$0x2] =	stream.linear.gather [hbm4b:s4+s2], $0x40, $0x38;
	[tilespmem:$0xC100] =	vst v63  }
0x19: {  	_ =	swait.ge [sflag:s8], $0x40  }
0x1a: {  	s4 =	rddreg [dreg:$0x6];
	[sflag:s8] =	ssyncset.done $0x0  }
0x1b: {  	s9 =	rddreg [dreg:$0x7];
	[sflag:s8] =	ssyncadd.s32 $0xFFFFFFC0  }
0x1c: {  	[tilespmem:s4], [sflag:$0x2] =	stream.linear.gather [hbm4b:s9+s2], $0x40, $0x38;
	[tilespmem:$0xC100] =	vst v63  }
0x1d: {  	_ =	swait.ge [sflag:s8], $0x40  }
0x1e: {  	[sflag:s8] =	ssyncset.done $0x0  }
0x1f: {  	[sflag:s8] =	ssyncadd.s32 $0xFFFFFFC0  }
0x20: {  	v3 =	vld [tilespmem:$0xC000];
	_ =	sdelay $0x4  }
0x21: {  	v4 =	vshrl.u32 v3, $0x3  }
0x22: {  	v4 =	vmul.u32 $0x30, v4  }
0x23: {  	v3 =	vand.u32 $0x7, v3  }
0x24: {  	v3 =	vor.u32 v3, v4  }
0x25: {  	v4 =	vperm.xlane v3, v0;
	_ =	sdelay $0x1  }
0x26: {  	v4 =	vadd.s32 v1, v4;
	_ =	sdelay $0x3  }
0x27: {  	v3 =	vperm.xlane v3, v2  }
0x28: {  	[hbm4b:s3+s2] =	stream.indirect_vreg.scatter [tilespmem:s2], [sflag:$0x1], $0x80, v4, vm0, $0xb8;
	[tilespmem:$0xC100] =	vst v63  }
0x29: {  	s9 =	simm.s32 $0x800;
	v3 =	vadd.s32 v1, v3  }
0x2a: {  	[hbm4b:s5+s2] =	stream.indirect_vreg.scatter [tilespmem:s9], [sflag:$0x1], $0x80, v4, vm0, $0xb8;
	[tilespmem:$0xC100] =	vst v63  }
0x2b: {  	_ = 	snop  }
0x2c: {  	[hbm4b:s6+s2] =	stream.indirect_vreg.scatter [tilespmem:s10], [sflag:$0x1], $0x80, v4, vm0, $0xb8;
	[tilespmem:$0xC100] =	vst v63  }
0x2d: {  	_ = 	snop  }
0x2e: {  	[hbm4b:s3+s2] =	stream.indirect_vreg.scatter [tilespmem:s11], [sflag:$0x1], $0x80, v3, vm0, $0xb8;
	[tilespmem:$0xC100] =	vst v63  }
0x2f: {  	_ = 	snop  }
0x30: {  	[hbm4b:s5+s2] =	stream.indirect_vreg.scatter [tilespmem:s12], [sflag:$0x1], $0x80, v3, vm0, $0xb8;
	[tilespmem:$0xC100] =	vst v63  }
0x31: {  	_ = 	snop  }
0x32: {  	[hbm4b:s6+s2] =	stream.indirect_vreg.scatter [tilespmem:s13], [sflag:$0x1], $0x80, v3, vm0, $0xb8;
	[tilespmem:$0xC100] =	vst v63  }
0x33: {  	v3 =	vld [tilespmem:$0xC010];
	_ =	sdelay $0x4  }
0x34: {  	v57 =	vshrl.u32 v3, $0x3  }
0x35: {  	v4 =	vmul.u32 $0x30, v57  }
0x36: {  	v3 =	vand.u32 $0x7, v3  }
0x37: {  	v3 =	vor.u32 v3, v4  }
0x38: {  	v4 =	vperm.xlane v3, v0;
	_ =	sdelay $0x1  }
0x39: {  	v4 =	vadd.s32 v1, v4;
	_ =	sdelay $0x3  }
0x3a: {  	v3 =	vperm.xlane v3, v2  }
0x3b: {  	[hbm4b:s3+s2] =	stream.indirect_vreg.scatter [tilespmem:s14], [sflag:$0x1], $0x80, v4, vm0, $0xb8;
	[tilespmem:$0xC100] =	vst v63  }
0x3c: {  	v3 =	vadd.s32 v1, v3  }
0x3d: {  	[hbm4b:s5+s2] =	stream.indirect_vreg.scatter [tilespmem:s15], [sflag:$0x1], $0x80, v4, vm0, $0xb8;
	[tilespmem:$0xC100] =	vst v63  }
0x3e: {  	_ = 	snop  }
0x3f: {  	[hbm4b:s6+s2] =	stream.indirect_vreg.scatter [tilespmem:s16], [sflag:$0x1], $0x80, v4, vm0, $0xb8;
	[tilespmem:$0xC100] =	vst v63  }
0x40: {  	_ = 	snop  }
0x41: {  	[hbm4b:s3+s2] =	stream.indirect_vreg.scatter [tilespmem:s17], [sflag:$0x1], $0x80, v3, vm0, $0xb8;
	[tilespmem:$0xC100] =	vst v63  }
0x42: {  	_ = 	snop  }
0x43: {  	[hbm4b:s5+s2] =	stream.indirect_vreg.scatter [tilespmem:s18], [sflag:$0x1], $0x80, v3, vm0, $0xb8;
	[tilespmem:$0xC100] =	vst v63  }
0x44: {  	_ = 	snop  }
0x45: {  	[hbm4b:s6+s2] =	stream.indirect_vreg.scatter [tilespmem:s19], [sflag:$0x1], $0x80, v3, vm0, $0xb8;
	[tilespmem:$0xC100] =	vst v63  }
0x46: {  	v3 =	vld [tilespmem:$0xC020];
	_ =	sdelay $0x4  }
0x47: {  	v58 =	vshrl.u32 v3, $0x3  }
0x48: {  	v4 =	vmul.u32 $0x30, v58  }
0x49: {  	v3 =	vand.u32 $0x7, v3  }
0x4a: {  	v3 =	vor.u32 v3, v4  }
0x4b: {  	v4 =	vperm.xlane v3, v0;
	_ =	sdelay $0x1  }
0x4c: {  	v4 =	vadd.s32 v1, v4;
	_ =	sdelay $0x3  }
0x4d: {  	v3 =	vperm.xlane v3, v2  }
0x4e: {  	[hbm4b:s3+s2] =	stream.indirect_vreg.scatter [tilespmem:s20], [sflag:$0x1], $0x80, v4, vm0, $0xb8;
	[tilespmem:$0xC100] =	vst v63  }
0x4f: {  	v3 =	vadd.s32 v1, v3  }
0x50: {  	[hbm4b:s5+s2] =	stream.indirect_vreg.scatter [tilespmem:s21], [sflag:$0x1], $0x80, v4, vm0, $0xb8;
	[tilespmem:$0xC100] =	vst v63  }
0x51: {  	_ = 	snop  }
0x52: {  	[hbm4b:s6+s2] =	stream.indirect_vreg.scatter [tilespmem:s22], [sflag:$0x1], $0x80, v4, vm0, $0xb8;
	[tilespmem:$0xC100] =	vst v63  }
0x53: {  	_ = 	snop  }
0x54: {  	[hbm4b:s3+s2] =	stream.indirect_vreg.scatter [tilespmem:s23], [sflag:$0x1], $0x80, v3, vm0, $0xb8;
	[tilespmem:$0xC100] =	vst v63  }
0x55: {  	_ = 	snop  }
0x56: {  	[hbm4b:s5+s2] =	stream.indirect_vreg.scatter [tilespmem:s24], [sflag:$0x1], $0x80, v3, vm0, $0xb8;
	[tilespmem:$0xC100] =	vst v63  }
0x57: {  	_ = 	snop  }
0x58: {  	[hbm4b:s6+s2] =	stream.indirect_vreg.scatter [tilespmem:s25], [sflag:$0x1], $0x80, v3, vm0, $0xb8;
	[tilespmem:$0xC100] =	vst v63  }
0x59: {  	v3 =	vld [tilespmem:$0xC030];
	_ =	sdelay $0x4  }
0x5a: {  	v59 =	vshrl.u32 v3, $0x3  }
0x5b: {  	v4 =	vmul.u32 $0x30, v59  }
0x5c: {  	v3 =	vand.u32 $0x7, v3  }
0x5d: {  	v3 =	vor.u32 v3, v4  }
0x5e: {  	v4 =	vperm.xlane v3, v0;
	_ =	sdelay $0x1  }
0x5f: {  	v4 =	vadd.s32 v1, v4;
	_ =	sdelay $0x3  }
0x60: {  	v3 =	vperm.xlane v3, v2  }
0x61: {  	[hbm4b:s3+s2] =	stream.indirect_vreg.scatter [tilespmem:s26], [sflag:$0x1], $0x80, v4, vm0, $0xb8;
	[tilespmem:$0xC100] =	vst v63  }
0x62: {  	v3 =	vadd.s32 v1, v3  }
0x63: {  	[hbm4b:s5+s2] =	stream.indirect_vreg.scatter [tilespmem:s28], [sflag:$0x1], $0x80, v4, vm0, $0xb8;
	[tilespmem:$0xC100] =	vst v63  }
0x64: {  	_ = 	snop  }
0x65: {  	[hbm4b:s6+s2] =	stream.indirect_vreg.scatter [tilespmem:s29], [sflag:$0x1], $0x80, v4, vm0, $0xb8;
	[tilespmem:$0xC100] =	vst v63  }
0x66: {  	_ = 	snop  }
0x67: {  	[hbm4b:s3+s2] =	stream.indirect_vreg.scatter [tilespmem:s30], [sflag:$0x1], $0x80, v3, vm0, $0xb8;
	[tilespmem:$0xC100] =	vst v63  }
0x68: {  	_ = 	snop  }
0x69: {  	[hbm4b:s5+s2] =	stream.indirect_vreg.scatter [tilespmem:s31], [sflag:$0x1], $0x80, v3, vm0, $0xb8;
	[tilespmem:$0xC100] =	vst v63  }
0x6a: {  	_ = 	snop  }
0x6b: {  	[hbm4b:s6+s2] =	stream.indirect_vreg.scatter [tilespmem:s1], [sflag:$0x1], $0x80, v3, vm0, $0xb8;
	[tilespmem:$0xC100] =	vst v63  }
0x6c: {  	v3 =	vld [tilespmem:$0xC080];
	_ =	sdelay $0x4  }
0x6d: {  	v60 =	vshrl.u32 v3, $0x3  }
0x6e: {  	v4 =	vmul.u32 $0x30, v60  }
0x6f: {  	v3 =	vand.u32 $0x7, v3  }
0x70: {  	v3 =	vor.u32 v3, v4  }
0x71: {  	v4 =	vperm.xlane v3, v0;
	_ =	sdelay $0x1  }
0x72: {  	v4 =	vadd.s32 v1, v4;
	_ =	sdelay $0x3  }
0x73: {  	v3 =	vperm.xlane v3, v2  }
0x74: {  	[hbm4b:s3+s2] =	stream.indirect_vreg.scatter [tilespmem:s2], [sflag:$0x1], $0x80, v4, vm0, $0xb8;
	[tilespmem:$0xC100] =	vst v63  }
0x75: {  	v3 =	vadd.s32 v1, v3  }
0x76: {  	[hbm4b:s5+s2] =	stream.indirect_vreg.scatter [tilespmem:s9], [sflag:$0x1], $0x80, v4, vm0, $0xb8;
	[tilespmem:$0xC100] =	vst v63  }
0x77: {  	_ = 	snop  }
0x78: {  	[hbm4b:s6+s2] =	stream.indirect_vreg.scatter [tilespmem:s10], [sflag:$0x1], $0x80, v4, vm0, $0xb8;
	[tilespmem:$0xC100] =	vst v63  }
0x79: {  	_ = 	snop  }
0x7a: {  	[hbm4b:s3+s2] =	stream.indirect_vreg.scatter [tilespmem:s11], [sflag:$0x1], $0x80, v3, vm0, $0xb8;
	[tilespmem:$0xC100] =	vst v63  }
0x7b: {  	_ = 	snop  }
0x7c: {  	[hbm4b:s5+s2] =	stream.indirect_vreg.scatter [tilespmem:s12], [sflag:$0x1], $0x80, v3, vm0, $0xb8;
	[tilespmem:$0xC100] =	vst v63  }
0x7d: {  	_ = 	snop  }
0x7e: {  	[hbm4b:s6+s2] =	stream.indirect_vreg.scatter [tilespmem:s13], [sflag:$0x1], $0x80, v3, vm0, $0xb8;
	[tilespmem:$0xC100] =	vst v63  }
0x7f: {  	v3 =	vld [tilespmem:$0xC090];
	_ =	sdelay $0x4  }
0x80: {  	v61 =	vshrl.u32 v3, $0x3  }
0x81: {  	v4 =	vmul.u32 $0x30, v61  }
0x82: {  	v3 =	vand.u32 $0x7, v3  }
0x83: {  	v3 =	vor.u32 v3, v4  }
0x84: {  	v4 =	vperm.xlane v3, v0;
	_ =	sdelay $0x1  }
0x85: {  	v4 =	vadd.s32 v1, v4;
	_ =	sdelay $0x3  }
0x86: {  	v3 =	vperm.xlane v3, v2  }
0x87: {  	[hbm4b:s3+s2] =	stream.indirect_vreg.scatter [tilespmem:s14], [sflag:$0x1], $0x80, v4, vm0, $0xb8;
	[tilespmem:$0xC100] =	vst v63  }
0x88: {  	v3 =	vadd.s32 v1, v3  }
0x89: {  	[hbm4b:s5+s2] =	stream.indirect_vreg.scatter [tilespmem:s15], [sflag:$0x1], $0x80, v4, vm0, $0xb8;
	[tilespmem:$0xC100] =	vst v63  }
0x8a: {  	_ = 	snop  }
0x8b: {  	[hbm4b:s6+s2] =	stream.indirect_vreg.scatter [tilespmem:s16], [sflag:$0x1], $0x80, v4, vm0, $0xb8;
	[tilespmem:$0xC100] =	vst v63  }
0x8c: {  	_ = 	snop  }
0x8d: {  	[hbm4b:s3+s2] =	stream.indirect_vreg.scatter [tilespmem:s17], [sflag:$0x1], $0x80, v3, vm0, $0xb8;
	[tilespmem:$0xC100] =	vst v63  }
0x8e: {  	_ = 	snop  }
0x8f: {  	[hbm4b:s5+s2] =	stream.indirect_vreg.scatter [tilespmem:s18], [sflag:$0x1], $0x80, v3, vm0, $0xb8;
	[tilespmem:$0xC100] =	vst v63  }
0x90: {  	_ = 	snop  }
0x91: {  	[hbm4b:s6+s2] =	stream.indirect_vreg.scatter [tilespmem:s19], [sflag:$0x1], $0x80, v3, vm0, $0xb8;
	[tilespmem:$0xC100] =	vst v63  }
0x92: {  	v3 =	vld [tilespmem:$0xC0A0];
	_ =	sdelay $0x4  }
0x93: {  	v62 =	vshrl.u32 v3, $0x3  }
0x94: {  	v4 =	vmul.u32 $0x30, v62  }
0x95: {  	v3 =	vand.u32 $0x7, v3  }
0x96: {  	v3 =	vor.u32 v3, v4  }
0x97: {  	v4 =	vperm.xlane v3, v0;
	_ =	sdelay $0x1  }
0x98: {  	v4 =	vadd.s32 v1, v4;
	_ =	sdelay $0x3  }
0x99: {  	v3 =	vperm.xlane v3, v2  }
0x9a: {  	[hbm4b:s3+s2] =	stream.indirect_vreg.scatter [tilespmem:s20], [sflag:$0x1], $0x80, v4, vm0, $0xb8;
	[tilespmem:$0xC100] =	vst v63  }
0x9b: {  	v3 =	vadd.s32 v1, v3  }
0x9c: {  	[hbm4b:s5+s2] =	stream.indirect_vreg.scatter [tilespmem:s21], [sflag:$0x1], $0x80, v4, vm0, $0xb8;
	[tilespmem:$0xC100] =	vst v63  }
0x9d: {  	_ = 	snop  }
0x9e: {  	[hbm4b:s6+s2] =	stream.indirect_vreg.scatter [tilespmem:s22], [sflag:$0x1], $0x80, v4, vm0, $0xb8;
	[tilespmem:$0xC100] =	vst v63  }
0x9f: {  	_ = 	snop  }
0xa0: {  	[hbm4b:s3+s2] =	stream.indirect_vreg.scatter [tilespmem:s23], [sflag:$0x1], $0x80, v3, vm0, $0xb8;
	[tilespmem:$0xC100] =	vst v63  }
0xa1: {  	_ = 	snop  }
0xa2: {  	[hbm4b:s5+s2] =	stream.indirect_vreg.scatter [tilespmem:s24], [sflag:$0x1], $0x80, v3, vm0, $0xb8;
	[tilespmem:$0xC100] =	vst v63  }
0xa3: {  	_ = 	snop  }
0xa4: {  	[hbm4b:s6+s2] =	stream.indirect_vreg.scatter [tilespmem:s25], [sflag:$0x1], $0x80, v3, vm0, $0xb8;
	[tilespmem:$0xC100] =	vst v63  }
0xa5: {  	v3 =	vld [tilespmem:$0xC0B0];
	_ =	sdelay $0x4  }
0xa6: {  	v63 =	vshrl.u32 v3, $0x3  }
0xa7: {  	v4 =	vmul.u32 $0x30, v63  }
0xa8: {  	v3 =	vand.u32 $0x7, v3  }
0xa9: {  	v3 =	vor.u32 v3, v4  }
0xaa: {  	v4 =	vperm.xlane v3, v0;
	_ =	sdelay $0x1  }
0xab: {  	v4 =	vadd.s32 v1, v4;
	_ =	sdelay $0x3  }
0xac: {  	v3 =	vperm.xlane v3, v2  }
0xad: {  	[hbm4b:s3+s2] =	stream.indirect_vreg.scatter [tilespmem:s26], [sflag:$0x1], $0x80, v4, vm0, $0xb8;
	[tilespmem:$0xC100] =	vst v63  }
0xae: {  	v3 =	vadd.s32 v1, v3  }
0xaf: {  	[hbm4b:s5+s2] =	stream.indirect_vreg.scatter [tilespmem:s28], [sflag:$0x1], $0x80, v4, vm0, $0xb8;
	[tilespmem:$0xC100] =	vst v63  }
0xb0: {  	_ = 	snop  }
0xb1: {  	[hbm4b:s6+s2] =	stream.indirect_vreg.scatter [tilespmem:s29], [sflag:$0x1], $0x80, v4, vm0, $0xb8;
	[tilespmem:$0xC100] =	vst v63  }
0xb2: {  	_ = 	snop  }
0xb3: {  	[hbm4b:s3+s2] =	stream.indirect_vreg.scatter [tilespmem:s30], [sflag:$0x1], $0x80, v3, vm0, $0xb8;
	[tilespmem:$0xC100] =	vst v63  }
0xb4: {  	_ = 	snop  }
0xb5: {  	[hbm4b:s5+s2] =	stream.indirect_vreg.scatter [tilespmem:s31], [sflag:$0x1], $0x80, v3, vm0, $0xb8;
	[tilespmem:$0xC100] =	vst v63  }
0xb6: {  	_ = 	snop  }
0xb7: {  	[hbm4b:s6+s2] =	stream.indirect_vreg.scatter [tilespmem:s1], [sflag:$0x1], $0x80, v3, vm0, $0xb8;
	[tilespmem:$0xC100] =	vst v63  }
0xb8: {  	p0 =	sne.s32 s7, $0x1;
	_ =	swait.ge [sflag:s0], $0xC000  }
.Ltmp0:
0xb9: {  	[sflag:s0] =	ssyncset.done $0x0;
	(pc) =	sbr.rel @p0 .LBB2_1-.Ltmp0, $4  }
0xba: {  	[sflag:s0] =	ssyncadd.s32 $0xFFFF4000  }
0xbb: {  	_ =	swait.ge [sflag:s0], $0xC000  }
0xbc: {  	[sflag:s0] =	ssyncset.done $0x0  }
0xbd: {  	s7 =	sadd.s32 $0xFFFFFFFF, s7;
	[sflag:s0] =	ssyncadd.s32 $0xFFFF4000  }
0xbe: {  	_ =	sfence.sel $0x180000  }
0xbf: {  	[bflag:$0x0] =	sbarrier.arrive $0xFFFF  }
0xc0: {  	_ =	strace $0x90000047  }
0xc1: {  	s0 =	stileid.u32;
	[bflag:$0x2] =	sbarrier.arrive $0xFFFF  }
0xc2: {  	p0 =	sne.s32 s0, $0x0;
	s0 =	rddreg [dreg:$0x2]  }
0xc3: {  	s0 =	sadd.s32 @!p0 $0x100000, s0  }
0xc4: {  	[sflag:s0] =	ssyncadd.tile.s32 @!p0 $0x1;
	_ =	shalt  }
.Lfunc_end2:
_tile_overlayer_lowered:
.L_overlay_start_2:
0xc5: {  	(tag) =	ssettag $0x2  }
0xc6: {  	s0 =	rddreg [dreg:$0x0];
	s2 =	stileid.u32  }
0xc7: {  	s1 =	rddreg [dreg:$0x1];
	p0 =	sne.s32 s2, $0x0  }
0xc8: {  	s3 =	rddreg [dreg:$0x2];
	[bflag:$0x3] =	sbarrier.arrive $0xFFFF;
	s2 =	simm.s32 @!p0 $0x1C02  }
0xc9: {  	[timem:s3], [sflag:s2] =	dma.local @!p0 [hbm:s0], s1  }
0xca: {  	s0 =	simm.s32 @!p0 $0x2  }
0xcb: {  	_ =	swait.ge @!p0 [sflag:s0], s1  }
0xcc: {  	s1 =	ssub.s32 @!p0 $0x0, s1;
	[sflag:s0] =	ssyncset.done @!p0 $0x0  }
0xcd: {  	[sflag:s0] =	ssyncadd.s32 @!p0 s1  }
0xce: {  	[bflag:$0x3] =	sbarrier.arrive $0xFFFF  }
0xcf: {  	_ =	shalt  }

// kernel: kernel.9.cloned.1.call-start
scs
__scs_entry_jumppad:
0x0: {  	(pc) =	sbr.rel $0x88, $3  }
0x1: {  	(tag) =	ssettag $0x0;
	lr =	simm.s32 $0x1  }
0x2: {  	[smem:$0x3F9B] =	sst lr;
	_ =	strace $0xD0000000  }
0x3: {  	_ = 	snop  }
0x4: {  	_ = 	snop  }
0x5: {  	_ = 	snop  }
0x6: {  	_ = 	snop  }
0x7: {  	_ = 	snop  }
__scs_overlays_trampoline_lowered:
0x8: {  	[smem:$0x3FAA] =	sst s0  }
0x9: {  	[smem:$0x3FAB] =	sst s1  }
0xa: {  	[smem:$0x3FAC] =	sst s2  }
0xb: {  	[smem:$0x3FAD] =	sst s3  }
0xc: {  	[smem:$0x3FAE] =	sst s4  }
0xd: {  	[smem:$0x3FAF] =	sst s5  }
0xe: {  	[smem:$0x3FB0] =	sst s6  }
0xf: {  	[smem:$0x3FB1] =	sst s7  }
0x10: {  	[smem:$0x3FB2] =	sst s8  }
0x11: {  	[smem:$0x3FB3] =	sst s9;
	s0 =	simm.s32 @!p0 $0x0  }
0x12: {  	s1 =	sld [smem:$0x3F99];
	s0 =	simm.s32 @p0 $0x1  }
0x13: {  	[smem:$0x3FB4] =	sst s0;
	s0 =	simm.s32 @!p1 $0x0  }
0x14: {  	s2 =	sld [smem:$0x3F98];
	s0 =	simm.s32 @p1 $0x1  }
0x15: {  	[smem:$0x3FB5] =	sst s0;
	s0 =	simm.s32 @!p2 $0x0  }
0x16: {  	s3 =	sld [smem:$0x3FDB];
	s0 =	simm.s32 @p2 $0x1  }
0x17: {  	s4 =	simm.s32 $0x1BF5;
	[smem:$0x3FB7] =	sst s0  }
0x18: {  	s0 =	sld [smem:$0x3F9A];
	_ =	swait.ge [sflag:s4], $0x0  }
0x19: {  	s7 =	sld [smem:$0x3F9B]  }
0x1a: {  	s8 =	sadd.s32 $0xFFFFE003, lr  }
0x1b: {  	s9 =	sadd.s32 $0xFFFFFEF7, lr;
	s5 =	simm.s32 $0xFFFFFFFF;
	p2 =	slt.u32 s8, $0xFFFFF086  }
0x1c: {  	p1 =	slt.u32 s9, $0xF7A;
	s5 =	simm.s32 @!p2 $0x0  }
0x1d: {  	s5 =	simm.s32 @p1 $0x1;
	p0 =	seq.s32 s7, s2  }
0x1e: {  	s7 =	smul.u32 @!p0 $0xF7A, s2;
	p2 =	seq.s32 @!p0 s5, $0x0  }
0x1f: {  	s9 =	smul.u32 $0xF7A, s1;
	s8 =	simm.s32 @!p0 $0x1BF5;
	p2 =	por !p2, p0  }
0x20: {  	[sflag:s8] =	ssyncset.s32 @!p0 $0xFFFFF086;
	s6 =	sadd.s32 @!p0 s3, s7;
	s7 =	simm.s32 @!p0 $0x108  }
0x21: {  	s3 =	sadd.s32 s3, s9;
	s6 =	sadd.s32 @!p0 $0x88, s6;
	s7 =	simm.s32 @p2 $0x1082  }
0x22: {  	[simem:s7], [sflag:s8] =	dma.local @!p0 [hbm:s6], $0xF7A  }
0x23: {  	s9 =	sor.u32 $0xD0000000, s2;
	s6 =	simm.s32 $0x108;
	_ =	swait.ge @!p0 [sflag:s8], $0x0  }
0x24: {  	s3 =	sadd.s32 $0x88, s3;
	s6 =	simm.s32 @!p1 $0x1082;
	[sflag:s4] =	ssyncset.s32 $0xFFFFF086  }
0x25: {  	[simem:s6], [sflag:s4] =	dma.local [hbm:s3], $0xF7A  }
0x26: {  	[smem:$0x3F9B] =	sst s1;
	(tag) =	ssettag s2;
	_ =	strace s9  }
0x27: {  	s1 =	sld [smem:$0x3FAB]  }
0x28: {  	s2 =	sld [smem:$0x3FAC]  }
0x29: {  	s4 =	sld [smem:$0x3FAE]  }
0x2a: {  	p0 =	seq.s32 s5, $0x0;
	s5 =	sld [smem:$0x3FAF]  }
0x2b: {  	s6 =	sld [smem:$0x3FB0]  }
0x2c: {  	s7 =	sld [smem:$0x3FB1]  }
0x2d: {  	s3 =	simm.s32 $0x108;
	s8 =	sld [smem:$0x3FB2]  }
0x2e: {  	s3 =	simm.s32 @!p0 $0x1082;
	s9 =	sld [smem:$0x3FB3]  }
0x2f: {  	lr =	sadd.s32 s0, s3;
	s0 =	sld [smem:$0x3FAA]  }
0x30: {  	s3 =	sld [smem:$0x3FAD]  }
0x31: {  	[smem:$0x3FB6] =	sst s10  }
0x32: {  	s10 =	sld [smem:$0x3FB4];
	_ =	sdelay $0x3  }
0x33: {  	p0 =	seq.s32 s10, $0x1;
	s10 =	sld [smem:$0x3FB6];
	_ =	sdelay $0x3  }
0x34: {  	[smem:$0x3FB6] =	sst s10  }
0x35: {  	s10 =	sld [smem:$0x3FB5];
	_ =	sdelay $0x3  }
0x36: {  	p1 =	seq.s32 s10, $0x1;
	s10 =	sld [smem:$0x3FB6];
	_ =	sdelay $0x3  }
0x37: {  	[smem:$0x3FB6] =	sst s10  }
0x38: {  	s10 =	sld [smem:$0x3FB7]  }
0x39: {  	_ = 	snop;
	(pc) =	sbr.ind lr, $3  }
0x3a: {  	_ = 	snop  }
0x3b: {  	_ = 	snop  }
0x3c: {  	p2 =	seq.s32 s10, $0x1;
	s10 =	sld [smem:$0x3FB6]  }
0x3d: {  	_ =	shalt  }
0x3e: {  	_ =	shalt  }
0x3f: {  	_ =	shalt  }
0x40: {  	_ =	shalt  }
0x41: {  	_ =	shalt  }
0x42: {  	_ =	shalt  }
0x43: {  	_ =	shalt  }
0x44: {  	_ =	shalt  }
0x45: {  	_ =	shalt  }
0x46: {  	_ =	shalt  }
0x47: {  	_ =	shalt  }
0x48: {  	_ =	shalt  }
0x49: {  	_ =	shalt  }
0x4a: {  	_ =	shalt  }
0x4b: {  	_ =	shalt  }
0x4c: {  	_ =	shalt  }
0x4d: {  	_ =	shalt  }
0x4e: {  	_ =	shalt  }
0x4f: {  	_ =	shalt  }
0x50: {  	_ =	shalt  }
0x51: {  	_ =	shalt  }
0x52: {  	_ =	shalt  }
0x53: {  	_ =	shalt  }
0x54: {  	_ =	shalt  }
0x55: {  	_ =	shalt  }
0x56: {  	_ =	shalt  }
0x57: {  	_ =	shalt  }
0x58: {  	_ =	shalt  }
0x59: {  	_ =	shalt  }
0x5a: {  	_ =	shalt  }
0x5b: {  	_ =	shalt  }
0x5c: {  	_ =	shalt  }
0x5d: {  	_ =	shalt  }
0x5e: {  	_ =	shalt  }
0x5f: {  	_ =	shalt  }
0x60: {  	_ =	shalt  }
0x61: {  	_ =	shalt  }
0x62: {  	_ =	shalt  }
0x63: {  	_ =	shalt  }
0x64: {  	_ =	shalt  }
0x65: {  	_ =	shalt  }
0x66: {  	_ =	shalt  }
0x67: {  	_ =	shalt  }
0x68: {  	_ =	shalt  }
0x69: {  	_ =	shalt  }
0x6a: {  	_ =	shalt  }
0x6b: {  	_ =	shalt  }
0x6c: {  	_ =	shalt  }
0x6d: {  	_ =	shalt  }
0x6e: {  	_ =	shalt  }
0x6f: {  	_ =	shalt  }
0x70: {  	_ =	shalt  }
0x71: {  	_ =	shalt  }
0x72: {  	_ =	shalt  }
0x73: {  	_ =	shalt  }
0x74: {  	_ =	shalt  }
0x75: {  	_ =	shalt  }
0x76: {  	_ =	shalt  }
0x77: {  	_ =	shalt  }
0x78: {  	_ =	shalt  }
0x79: {  	_ =	shalt  }
0x7a: {  	_ =	shalt  }
0x7b: {  	_ =	shalt  }
0x7c: {  	_ =	shalt  }
0x7d: {  	_ =	shalt  }
0x7e: {  	_ =	shalt  }
0x7f: {  	_ =	shalt  }
0x80: {  	_ =	shalt  }
0x81: {  	_ =	shalt  }
0x82: {  	_ =	shalt  }
0x83: {  	_ =	shalt  }
0x84: {  	_ =	shalt  }
0x85: {  	_ =	shalt  }
0x86: {  	_ =	shalt  }
0x87: {  	_ =	shalt  }
.Lfunc_end0:
.L_simem_size_0:
called_computation.1_lowered:
.L_overlay_start_0:
0x88: {  	s2 =	sld [smem:$0x3FD9]  }
0x89: {  	s3 =	sld [smem:$0x3FFE];
	_ =	sdelay $0x1  }
0x8a: {  	s1 =	srdreg.scid  }
0x8b: {  	s0 =	sand.u32 $0x1, s1  }
0x8c: {  	s17 =	sshll.u32 s0, $0xA;
	s2 =	sadd.s32 s3, s2  }
0x8d: {  	s2 =	sadd.s32 s2, s17  }
0x8e: {  	[smem:$0x3FC2] =	sst s2  }
0x8f: {  	_ = 	snop  }
0x90: {  	s2 =	sld [smem:$0x3FD0];
	(tm) =	ssettm $0x1  }
0x91: {  	s18 =	sld [smem:$0x3FFB];
	_ =	sdelay $0x3  }
0x92: {  	_ =	strace s18  }
0x93: {  	s3 =	sld [smem:$0x3FFC];
	_ =	sdelay $0x3  }
0x94: {  	_ =	strace s3  }
0x95: {  	s3 =	sld [smem:$0x3FFD];
	_ =	sdelay $0x3  }
0x96: {  	_ =	strace s3  }
0x97: {  	_ =	strace $0x8FFFFFFF  }
0x98: {  	s19 =	sld [smem:$0x3FDB];
	_ =	sdelay $0x1  }
0x99: {  	s4 =	simm.s32 $_scs_section_size  }
0x9a: {  	s5 =	simm.s32 $_size__tile_overlayer_lowered;
	s6 =	simm.s32 $_tile_overlayer_lowered  }
0x9b: {  	s22 =	simm.s32 $0x1BFF;
	s21 =	sshll.u32 s6, $0x1;
	s3 =	sadd.s32 s4, s19  }
0x9c: {  	s7 =	simm.s32 $0x0;
	s20 =	sshll.u32 s5, $0x1;
	s5 =	sadd.s32 s21, s3  }
0x9d: {  	[timem:s7], [sflag:s22] =	dma.local [hbm:s5], s20  }
0x9e: {  	_ =	swait.ge [sflag:s22], s20  }
0x9f: {  	s4 =	ssub.s32 $0x0, s20;
	[sflag:s22] =	ssyncset.done $0x0  }
0xa0: {  	[sflag:s22] =	ssyncadd.s32 s4;
	_ =	sdelay $0x1  }
0xa1: {  	s23 =	simm.s32 $0x1B8B  }
0xa2: {  	_ =	swait.ge [sflag:s23], $0x1  }
0xa3: {  	[sflag:s23] =	ssyncset.done $0x0  }
0xa4: {  	s25 =	simm.s32 $0x1B8E;
	s24 =	sld [smem:$0x3FFE];
	[sflag:s23] =	ssyncadd.s32 $0xFFFFFFFF  }
0xa5: {  	s26 =	simm.s32 $execute0_lowered;
	[smem:$0x3FD2] =	sst s25  }
0xa6: {  	s5 =	sshll.u32 s26, $0x1;
	_ =	strace $0x80000049;
	[dreg:$0x1] =	wrdreg $0xFFFFFFFF  }
0xa7: {  	s28 =	simm.s32 $_size_execute0_lowered;
	s3 =	sadd.s32 s3, s5;
	[dreg:$0x0] =	wrdreg $0x0  }
0xa8: {  	s5 =	sshll.u32 s28, $0x1;
	[dreg:$0x2] =	wrdreg s3  }
0xa9: {  	[dreg:$0x3] =	wrdreg s5  }
0xaa: {  	[dreg:$0x4] =	wrdreg $0xC0  }
0xab: {  	_ =	task [dreg:s7], $0x5FFFF  }
0xac: {  	[dreg:$0x1] =	wrdreg $0xFFFFFFFF  }
0xad: {  	[dreg:$0x0] =	wrdreg $0x60  }
0xae: {  	[dreg:$0x2] =	wrdreg s24  }
0xaf: {  	[dreg:$0x3] =	wrdreg s2  }
0xb0: {  	[dreg:$0x4] =	wrdreg $0x9  }
0xb1: {  	_ =	task.clear_ibuf [dreg:s7], $0x5FFFF;
	_ =	strace $0x90000049  }
0xb2: {  	s29 =	simm.s32 $0x9;
	_ =	strace $0x8000004B  }
0xb3: {  	_ =	swait.ge [sflag:s29], $0x1  }
0xb4: {  	[sflag:s29] =	ssyncadd.s32 $0xFFFFFFFF  }
0xb5: {  	_ =	strace $0x9000004B  }
0xb6: {  	_ =	sfence  }
0xb7: {  	s30 =	sld [smem:$0x0];
	_ =	sdelay $0x2  }
0xb8: {  	s31 =	sshll.u32 s1, $0xD;
	s1 =	sshrl.u32 s1, $0x2  }
0xb9: {  	s3 =	sand.u32 $0x4000, s31;
	s1 =	sadd.s32 s1, s30  }
0xba: {  	s0 =	sor.u32 s3, s0;
	s1 =	sshll.u32 s1, $0x11  }
0xbb: {  	s0 =	sor.u32 s1, s0  }
0xbc: {  	s0 =	sadd.s32 $0x8F2B, s0  }
0xbd: {  	[sflag:s0] =	ssyncadd.remote.s32 $0x1  }
0xbe: {  	_ =	sfence.sel $0xFFFF  }
0xbf: {  	[dreg:$0x0] =	wrdreg $0xFFFFFFFF;
	(pc) =	sbr.abs _section_cstart, $3  }
0xc0: {  	[dreg:$0x1] =	wrdreg $0xFFFFFFFF  }
0xc1: {  	_ =	task.clear_ibuf [dreg:s7], $0x2FFFF;
	_ =	strace $0x9FFFFFFF  }
0xc2: {  	(tm) =	ssettm $0x7FFFFFFF  }
0xc3: {  	_ =	shalt  }
tec
execute0_lowered:
.L_overlay_start_1:
0x0: {  	(tag) =	ssettag $0x1  }
0x1: {  	s0 =	rddreg [dreg:$0x0]  }
0x2: {  	s1 =	rddreg [dreg:$0x1]  }
0x3: {  	s2 =	simm.s32 $0x0;
	s3 =	srdreg.scid;
	s5 =	stileid.u32  }
0x4: {  	s13 =	simm.s32 $0x2;
	s12 =	simm.s32 $0x13800;
	s14 =	simm.s32 $0x14000  }
0x5: {  	s15 =	simm.s32 $0x14800;
	s16 =	simm.s32 $0x15000;
	s17 =	simm.s32 $0x15800  }
0x6: {  	s18 =	simm.s32 $0x16000;
	s19 =	simm.s32 $0x16800;
	s20 =	simm.s32 $0x17000  }
0x7: {  	s21 =	simm.s32 $0x17800;
	s22 =	simm.s32 $0x1;
	s23 =	simm.s32 $0x0  }
0x8: {  	[smem:$0x7FF] =	sst s2;
	s3 =	sand.u32 $0x1, s3;
	s5 =	sshll.u32 s5, $0x4  }
0x9: {  	s8 =	sadd.s32 $0xD2B00, s0;
	s9 =	sadd.s32 $0xD2C00, s0;
	s4 =	ssub.s32 $0x2, s3  }
0xa: {  	s3 =	sshll.u32 s3, $0x3;
	_ =	strace $0x8000004A;
	s6 =	sshrl.u32 s4, $0x1  }
0xb: {  	s7 =	sor.u32 s3, s5;
	s3 =	sadd.s32 $0xD2A00, s0;
	s11 =	ssub.s32 s4, s6  }
0xc: {  	v2 =	vlaneseq.u32;
	s4 =	sadd.s32 s0, s7;
	s10 =	smul.u32 $0x300, s7;
	s0 =	simm.s32 $0x12800  }
0xd: {  	vm0 =	vmmov $0xffff;
	v1 =	vshrl.u32 v2, $0x3;
	s5 =	sadd.s32 $0x200, s4;
	s6 =	sadd.s32 $0xD2800, s4;
	s7 =	sadd.s32 $0xD2600, s4  }
0xe: {  	v0 =	vand.u32 $0x7, v2;
	v2 =	vor.u32 $0x8, v2;
	v1 =	vmul.u32 $0x8, v1;
	s11 =	smax.u32 s11, $0x1;
	s10 =	sadd.s32 s1, s10;
	s1 =	simm.s32 $0x13000  }
.LBB2_1:
0xf: {  	s24 =	simm.s32 $0x18100  }
0x10: {  	[tilespmem:s24], [sflag:$0x2] =	stream.linear.gather [hbm4b:s5+s2], $0x40, $0x38;
	[tilespmem:$0x18200] =	vst v63  }
0x11: {  	_ =	swait.ge [sflag:s13], $0x40  }
0x12: {  	[sflag:s13] =	ssyncset.done $0x0  }
0x13: {  	s30 =	simm.s32 $0x18180;
	[sflag:s13] =	ssyncadd.s32 $0xFFFFFFC0  }
0x14: {  	[tilespmem:s30], [sflag:$0x2] =	stream.linear.gather [hbm4b:s4+s2], $0x40, $0x38;
	[tilespmem:$0x18200] =	vst v63  }
0x15: {  	_ =	swait.ge [sflag:s13], $0x40  }
0x16: {  	[sflag:s13] =	ssyncset.done $0x0  }
0x17: {  	s24 =	simm.s32 $0x18000;
	[sflag:s13] =	ssyncadd.s32 $0xFFFFFFC0  }
0x18: {  	[tilespmem:s24], [sflag:$0x2] =	stream.linear.gather [hbm4b:s6+s2], $0x40, $0x38;
	[tilespmem:$0x18200] =	vst v63  }
0x19: {  	_ =	swait.ge [sflag:s13], $0x40  }
0x1a: {  	[sflag:s13] =	ssyncset.done $0x0  }
0x1b: {  	s25 =	simm.s32 $0x18080;
	[sflag:s13] =	ssyncadd.s32 $0xFFFFFFC0  }
0x1c: {  	[tilespmem:s25], [sflag:$0x2] =	stream.linear.gather [hbm4b:s7+s2], $0x40, $0x38;
	[tilespmem:$0x18200] =	vst v63  }
0x1d: {  	_ =	swait.ge [sflag:s13], $0x40  }
0x1e: {  	[sflag:s13] =	ssyncset.done $0x0  }
0x1f: {  	[sflag:s13] =	ssyncadd.s32 $0xFFFFFFC0  }
0x20: {  	v3 =	vld [tilespmem:$0x18100];
	_ =	sdelay $0x4  }
0x21: {  	v4 =	vshrl.u32 v3, $0x3  }
0x22: {  	v4 =	vmul.u32 $0x30, v4  }
0x23: {  	v3 =	vand.u32 $0x7, v3  }
0x24: {  	v3 =	vor.u32 v3, v4  }
0x25: {  	v4 =	vperm.xlane v3, v0;
	_ =	sdelay $0x1  }
0x26: {  	v4 =	vadd.s32 v1, v4;
	_ =	sdelay $0x3  }
0x27: {  	v3 =	vperm.xlane v3, v2  }
0x28: {  	[tilespmem:s2], [sflag:$0x1] =	stream.indirect_vreg.gather [hbm4b:s3+s2], $0x80, v4, vm0, $0xb8;
	[tilespmem:$0x18200] =	vst v63  }
0x29: {  	s26 =	simm.s32 $0x800;
	v3 =	vadd.s32 v1, v3  }
0x2a: {  	[tilespmem:s26], [sflag:$0x1] =	stream.indirect_vreg.gather [hbm4b:s8+s2], $0x80, v4, vm0, $0xb8;
	[tilespmem:$0x18200] =	vst v63  }
0x2b: {  	s31 =	simm.s32 $0x1000  }
0x2c: {  	[tilespmem:s31], [sflag:$0x1] =	stream.indirect_vreg.gather [hbm4b:s9+s2], $0x80, v4, vm0, $0xb8;
	[tilespmem:$0x18200] =	vst v63  }
0x2d: {  	s30 =	simm.s32 $0x1800  }
0x2e: {  	[tilespmem:s30], [sflag:$0x1] =	stream.indirect_vreg.gather [hbm4b:s3+s2], $0x80, v3, vm0, $0xb8;
	[tilespmem:$0x18200] =	vst v63  }
0x2f: {  	s31 =	simm.s32 $0x2000  }
0x30: {  	[tilespmem:s31], [sflag:$0x1] =	stream.indirect_vreg.gather [hbm4b:s8+s2], $0x80, v3, vm0, $0xb8;
	[tilespmem:$0x18200] =	vst v63  }
0x31: {  	s30 =	simm.s32 $0x2800  }
0x32: {  	[tilespmem:s30], [sflag:$0x1] =	stream.indirect_vreg.gather [hbm4b:s9+s2], $0x80, v3, vm0, $0xb8;
	[tilespmem:$0x18200] =	vst v63  }
0x33: {  	v3 =	vld [tilespmem:$0x18110];
	_ =	sdelay $0x4  }
0x34: {  	v4 =	vshrl.u32 v3, $0x3  }
0x35: {  	v4 =	vmul.u32 $0x30, v4  }
0x36: {  	v3 =	vand.u32 $0x7, v3  }
0x37: {  	v3 =	vor.u32 v3, v4  }
0x38: {  	v4 =	vperm.xlane v3, v0;
	_ =	sdelay $0x1  }
0x39: {  	v4 =	vadd.s32 v1, v4;
	_ =	sdelay $0x3  }
0x3a: {  	s31 =	simm.s32 $0x3000;
	v3 =	vperm.xlane v3, v2  }
0x3b: {  	[tilespmem:s31], [sflag:$0x1] =	stream.indirect_vreg.gather [hbm4b:s3+s2], $0x80, v4, vm0, $0xb8;
	[tilespmem:$0x18200] =	vst v63  }
0x3c: {  	s30 =	simm.s32 $0x3800;
	v3 =	vadd.s32 v1, v3  }
0x3d: {  	[tilespmem:s30], [sflag:$0x1] =	stream.indirect_vreg.gather [hbm4b:s8+s2], $0x80, v4, vm0, $0xb8;
	[tilespmem:$0x18200] =	vst v63  }
0x3e: {  	s31 =	simm.s32 $0x4000  }
0x3f: {  	[tilespmem:s31], [sflag:$0x1] =	stream.indirect_vreg.gather [hbm4b:s9+s2], $0x80, v4, vm0, $0xb8;
	[tilespmem:$0x18200] =	vst v63  }
0x40: {  	s30 =	simm.s32 $0x4800  }
0x41: {  	[tilespmem:s30], [sflag:$0x1] =	stream.indirect_vreg.gather [hbm4b:s3+s2], $0x80, v3, vm0, $0xb8;
	[tilespmem:$0x18200] =	vst v63  }
0x42: {  	s31 =	simm.s32 $0x5000  }
0x43: {  	[tilespmem:s31], [sflag:$0x1] =	stream.indirect_vreg.gather [hbm4b:s8+s2], $0x80, v3, vm0, $0xb8;
	[tilespmem:$0x18200] =	vst v63  }
0x44: {  	s30 =	simm.s32 $0x5800  }
0x45: {  	[tilespmem:s30], [sflag:$0x1] =	stream.indirect_vreg.gather [hbm4b:s9+s2], $0x80, v3, vm0, $0xb8;
	[tilespmem:$0x18200] =	vst v63  }
0x46: {  	v3 =	vld [tilespmem:$0x18120];
	_ =	sdelay $0x4  }
0x47: {  	v4 =	vshrl.u32 v3, $0x3  }
0x48: {  	v4 =	vmul.u32 $0x30, v4  }
0x49: {  	v3 =	vand.u32 $0x7, v3  }
0x4a: {  	v3 =	vor.u32 v3, v4  }
0x4b: {  	v4 =	vperm.xlane v3, v0;
	_ =	sdelay $0x1  }
0x4c: {  	v4 =	vadd.s32 v1, v4;
	_ =	sdelay $0x3  }
0x4d: {  	s31 =	simm.s32 $0x6000;
	v3 =	vperm.xlane v3, v2  }
0x4e: {  	[tilespmem:s31], [sflag:$0x1] =	stream.indirect_vreg.gather [hbm4b:s3+s2], $0x80, v4, vm0, $0xb8;
	[tilespmem:$0x18200] =	vst v63  }
0x4f: {  	s30 =	simm.s32 $0x6800;
	v3 =	vadd.s32 v1, v3  }
0x50: {  	[tilespmem:s30], [sflag:$0x1] =	stream.indirect_vreg.gather [hbm4b:s8+s2], $0x80, v4, vm0, $0xb8;
	[tilespmem:$0x18200] =	vst v63  }
0x51: {  	s31 =	simm.s32 $0x7000  }
0x52: {  	[tilespmem:s31], [sflag:$0x1] =	stream.indirect_vreg.gather [hbm4b:s9+s2], $0x80, v4, vm0, $0xb8;
	[tilespmem:$0x18200] =	vst v63  }
0x53: {  	s30 =	simm.s32 $0x7800  }
0x54: {  	[tilespmem:s30], [sflag:$0x1] =	stream.indirect_vreg.gather [hbm4b:s3+s2], $0x80, v3, vm0, $0xb8;
	[tilespmem:$0x18200] =	vst v63  }
0x55: {  	s31 =	simm.s32 $0x8000  }
0x56: {  	[tilespmem:s31], [sflag:$0x1] =	stream.indirect_vreg.gather [hbm4b:s8+s2], $0x80, v3, vm0, $0xb8;
	[tilespmem:$0x18200] =	vst v63  }
0x57: {  	s30 =	simm.s32 $0x8800  }
0x58: {  	[tilespmem:s30], [sflag:$0x1] =	stream.indirect_vreg.gather [hbm4b:s9+s2], $0x80, v3, vm0, $0xb8;
	[tilespmem:$0x18200] =	vst v63  }
0x59: {  	v3 =	vld [tilespmem:$0x18130];
	_ =	sdelay $0x4  }
0x5a: {  	v4 =	vshrl.u32 v3, $0x3  }
0x5b: {  	v4 =	vmul.u32 $0x30, v4  }
0x5c: {  	v3 =	vand.u32 $0x7, v3  }
0x5d: {  	v3 =	vor.u32 v3, v4  }
0x5e: {  	v4 =	vperm.xlane v3, v0;
	_ =	sdelay $0x1  }
0x5f: {  	v4 =	vadd.s32 v1, v4;
	_ =	sdelay $0x3  }
0x60: {  	s31 =	simm.s32 $0x9000;
	v3 =	vperm.xlane v3, v2  }
0x61: {  	[tilespmem:s31], [sflag:$0x1] =	stream.indirect_vreg.gather [hbm4b:s3+s2], $0x80, v4, vm0, $0xb8;
	[tilespmem:$0x18200] =	vst v63  }
0x62: {  	s30 =	simm.s32 $0x9800;
	v3 =	vadd.s32 v1, v3  }
0x63: {  	[tilespmem:s30], [sflag:$0x1] =	stream.indirect_vreg.gather [hbm4b:s8+s2], $0x80, v4, vm0, $0xb8;
	[tilespmem:$0x18200] =	vst v63  }
0x64: {  	s31 =	simm.s32 $0xA000  }
0x65: {  	[tilespmem:s31], [sflag:$0x1] =	stream.indirect_vreg.gather [hbm4b:s9+s2], $0x80, v4, vm0, $0xb8;
	[tilespmem:$0x18200] =	vst v63  }
0x66: {  	s30 =	simm.s32 $0xA800  }
0x67: {  	[tilespmem:s30], [sflag:$0x1] =	stream.indirect_vreg.gather [hbm4b:s3+s2], $0x80, v3, vm0, $0xb8;
	[tilespmem:$0x18200] =	vst v63  }
0x68: {  	s31 =	simm.s32 $0xB000  }
0x69: {  	[tilespmem:s31], [sflag:$0x1] =	stream.indirect_vreg.gather [hbm4b:s8+s2], $0x80, v3, vm0, $0xb8;
	[tilespmem:$0x18200] =	vst v63  }
0x6a: {  	s30 =	simm.s32 $0xB800  }
0x6b: {  	[tilespmem:s30], [sflag:$0x1] =	stream.indirect_vreg.gather [hbm4b:s9+s2], $0x80, v3, vm0, $0xb8;
	[tilespmem:$0x18200] =	vst v63  }
0x6c: {  	v3 =	vld [tilespmem:$0x18180];
	_ =	sdelay $0x4  }
0x6d: {  	v4 =	vshrl.u32 v3, $0x3  }
0x6e: {  	v4 =	vmul.u32 $0x30, v4  }
0x6f: {  	v3 =	vand.u32 $0x7, v3  }
0x70: {  	v3 =	vor.u32 v3, v4  }
0x71: {  	v4 =	vperm.xlane v3, v0;
	_ =	sdelay $0x1  }
0x72: {  	v4 =	vadd.s32 v1, v4;
	_ =	sdelay $0x3  }
0x73: {  	s31 =	simm.s32 $0xC000;
	v3 =	vperm.xlane v3, v2  }
0x74: {  	[tilespmem:s31], [sflag:$0x1] =	stream.indirect_vreg.gather [hbm4b:s3+s2], $0x80, v4, vm0, $0xb8;
	[tilespmem:$0x18200] =	vst v63  }
0x75: {  	s30 =	simm.s32 $0xC800;
	v3 =	vadd.s32 v1, v3  }
0x76: {  	[tilespmem:s30], [sflag:$0x1] =	stream.indirect_vreg.gather [hbm4b:s8+s2], $0x80, v4, vm0, $0xb8;
	[tilespmem:$0x18200] =	vst v63  }
0x77: {  	s31 =	simm.s32 $0xD000  }
0x78: {  	[tilespmem:s31], [sflag:$0x1] =	stream.indirect_vreg.gather [hbm4b:s9+s2], $0x80, v4, vm0, $0xb8;
	[tilespmem:$0x18200] =	vst v63  }
0x79: {  	s30 =	simm.s32 $0xD800  }
0x7a: {  	[tilespmem:s30], [sflag:$0x1] =	stream.indirect_vreg.gather [hbm4b:s3+s2], $0x80, v3, vm0, $0xb8;
	[tilespmem:$0x18200] =	vst v63  }
0x7b: {  	s31 =	simm.s32 $0xE000  }
0x7c: {  	[tilespmem:s31], [sflag:$0x1] =	stream.indirect_vreg.gather [hbm4b:s8+s2], $0x80, v3, vm0, $0xb8;
	[tilespmem:$0x18200] =	vst v63  }
0x7d: {  	s30 =	simm.s32 $0xE800  }
0x7e: {  	[tilespmem:s30], [sflag:$0x1] =	stream.indirect_vreg.gather [hbm4b:s9+s2], $0x80, v3, vm0, $0xb8;
	[tilespmem:$0x18200] =	vst v63  }
0x7f: {  	v3 =	vld [tilespmem:$0x18190];
	_ =	sdelay $0x4  }
0x80: {  	v4 =	vshrl.u32 v3, $0x3  }
0x81: {  	v4 =	vmul.u32 $0x30, v4  }
0x82: {  	v3 =	vand.u32 $0x7, v3  }
0x83: {  	v3 =	vor.u32 v3, v4  }
0x84: {  	v4 =	vperm.xlane v3, v0;
	_ =	sdelay $0x1  }
0x85: {  	v4 =	vadd.s32 v1, v4;
	_ =	sdelay $0x3  }
0x86: {  	s31 =	simm.s32 $0xF000;
	v3 =	vperm.xlane v3, v2  }
0x87: {  	[tilespmem:s31], [sflag:$0x1] =	stream.indirect_vreg.gather [hbm4b:s3+s2], $0x80, v4, vm0, $0xb8;
	[tilespmem:$0x18200] =	vst v63  }
0x88: {  	s30 =	simm.s32 $0xF800;
	v3 =	vadd.s32 v1, v3  }
0x89: {  	[tilespmem:s30], [sflag:$0x1] =	stream.indirect_vreg.gather [hbm4b:s8+s2], $0x80, v4, vm0, $0xb8;
	[tilespmem:$0x18200] =	vst v63  }
0x8a: {  	s31 =	simm.s32 $0x10000  }
0x8b: {  	[tilespmem:s31], [sflag:$0x1] =	stream.indirect_vreg.gather [hbm4b:s9+s2], $0x80, v4, vm0, $0xb8;
	[tilespmem:$0x18200] =	vst v63  }
0x8c: {  	s30 =	simm.s32 $0x10800  }
0x8d: {  	[tilespmem:s30], [sflag:$0x1] =	stream.indirect_vreg.gather [hbm4b:s3+s2], $0x80, v3, vm0, $0xb8;
	[tilespmem:$0x18200] =	vst v63  }
0x8e: {  	s31 =	simm.s32 $0x11000  }
0x8f: {  	[tilespmem:s31], [sflag:$0x1] =	stream.indirect_vreg.gather [hbm4b:s8+s2], $0x80, v3, vm0, $0xb8;
	[tilespmem:$0x18200] =	vst v63  }
0x90: {  	s30 =	simm.s32 $0x11800  }
0x91: {  	[tilespmem:s30], [sflag:$0x1] =	stream.indirect_vreg.gather [hbm4b:s9+s2], $0x80, v3, vm0, $0xb8;
	[tilespmem:$0x18200] =	vst v63  }
0x92: {  	v3 =	vld [tilespmem:$0x181A0];
	_ =	sdelay $0x4  }
0x93: {  	v4 =	vshrl.u32 v3, $0x3  }
0x94: {  	v4 =	vmul.u32 $0x30, v4  }
0x95: {  	v3 =	vand.u32 $0x7, v3  }
0x96: {  	v3 =	vor.u32 v3, v4  }
0x97: {  	v4 =	vperm.xlane v3, v0;
	_ =	sdelay $0x1  }
0x98: {  	v4 =	vadd.s32 v1, v4;
	_ =	sdelay $0x3  }
0x99: {  	s31 =	simm.s32 $0x12000;
	v3 =	vperm.xlane v3, v2  }
0x9a: {  	[tilespmem:s31], [sflag:$0x1] =	stream.indirect_vreg.gather [hbm4b:s3+s2], $0x80, v4, vm0, $0xb8;
	[tilespmem:$0x18200] =	vst v63  }
0x9b: {  	v3 =	vadd.s32 v1, v3  }
0x9c: {  	[tilespmem:s0], [sflag:$0x1] =	stream.indirect_vreg.gather [hbm4b:s8+s2], $0x80, v4, vm0, $0xb8;
	[tilespmem:$0x18200] =	vst v63  }
0x9d: {  	_ = 	snop  }
0x9e: {  	[tilespmem:s1], [sflag:$0x1] =	stream.indirect_vreg.gather [hbm4b:s9+s2], $0x80, v4, vm0, $0xb8;
	[tilespmem:$0x18200] =	vst v63  }
0x9f: {  	_ = 	snop  }
0xa0: {  	[tilespmem:s12], [sflag:$0x1] =	stream.indirect_vreg.gather [hbm4b:s3+s2], $0x80, v3, vm0, $0xb8;
	[tilespmem:$0x18200] =	vst v63  }
0xa1: {  	_ = 	snop  }
0xa2: {  	[tilespmem:s14], [sflag:$0x1] =	stream.indirect_vreg.gather [hbm4b:s8+s2], $0x80, v3, vm0, $0xb8;
	[tilespmem:$0x18200] =	vst v63  }
0xa3: {  	_ = 	snop  }
0xa4: {  	[tilespmem:s15], [sflag:$0x1] =	stream.indirect_vreg.gather [hbm4b:s9+s2], $0x80, v3, vm0, $0xb8;
	[tilespmem:$0x18200] =	vst v63  }
0xa5: {  	v3 =	vld [tilespmem:$0x181B0];
	_ =	sdelay $0x4  }
0xa6: {  	v4 =	vshrl.u32 v3, $0x3  }
0xa7: {  	v4 =	vmul.u32 $0x30, v4  }
0xa8: {  	v3 =	vand.u32 $0x7, v3  }
0xa9: {  	v3 =	vor.u32 v3, v4  }
0xaa: {  	v4 =	vperm.xlane v3, v0;
	_ =	sdelay $0x1  }
0xab: {  	v4 =	vadd.s32 v1, v4;
	_ =	sdelay $0x3  }
0xac: {  	v3 =	vperm.xlane v3, v2  }
0xad: {  	[tilespmem:s16], [sflag:$0x1] =	stream.indirect_vreg.gather [hbm4b:s3+s2], $0x80, v4, vm0, $0xb8;
	[tilespmem:$0x18200] =	vst v63  }
0xae: {  	v3 =	vadd.s32 v1, v3  }
0xaf: {  	[tilespmem:s17], [sflag:$0x1] =	stream.indirect_vreg.gather [hbm4b:s8+s2], $0x80, v4, vm0, $0xb8;
	[tilespmem:$0x18200] =	vst v63  }
0xb0: {  	_ = 	snop  }
0xb1: {  	[tilespmem:s18], [sflag:$0x1] =	stream.indirect_vreg.gather [hbm4b:s9+s2], $0x80, v4, vm0, $0xb8;
	[tilespmem:$0x18200] =	vst v63  }
0xb2: {  	_ = 	snop  }
0xb3: {  	[tilespmem:s19], [sflag:$0x1] =	stream.indirect_vreg.gather [hbm4b:s3+s2], $0x80, v3, vm0, $0xb8;
	[tilespmem:$0x18200] =	vst v63  }
0xb4: {  	_ = 	snop  }
0xb5: {  	[tilespmem:s20], [sflag:$0x1] =	stream.indirect_vreg.gather [hbm4b:s8+s2], $0x80, v3, vm0, $0xb8;
	[tilespmem:$0x18200] =	vst v63  }
0xb6: {  	_ = 	snop  }
0xb7: {  	[tilespmem:s21], [sflag:$0x1] =	stream.indirect_vreg.gather [hbm4b:s9+s2], $0x80, v3, vm0, $0xb8;
	[tilespmem:$0x18200] =	vst v63  }
0xb8: {  	_ =	swait.ge [sflag:s22], $0xC000  }
0xb9: {  	[sflag:s22] =	ssyncset.done $0x0  }
0xba: {  	s30 =	simm.s32 $0x0;
	[sflag:s22] =	ssyncadd.s32 $0xFFFF4000  }
0xbb: {  	s26 =	smul.u32 $0x1800, s30;
	_ =	swait.ge [sflag:s22], $0xC000  }
0xbc: {  	s28 =	sand.u32 $0x380, s2;
	[sflag:s22] =	ssyncset.done $0x0  }
0xbd: {  	s29 =	sor.u32 s28, s26;
	[sflag:s22] =	ssyncadd.s32 $0xFFFF4000  }
0xbe: {  	v4 =	vld [tilespmem:s29+$0x10]  }
0xbf: {  	v3 =	vld [tilespmem:s29+$0xC010]  }
0xc0: {  	v6 =	vld [tilespmem:s29+$0x20]  }
0xc1: {  	v5 =	vld [tilespmem:s29+$0xC020]  }
0xc2: {  	v10 =	vld [tilespmem:s29+$0x30]  }
0xc3: {  	v9 =	vld [tilespmem:s29+$0xC030]  }
0xc4: {  	v12 =	vld [tilespmem:s29+$0x40]  }
0xc5: {  	v11 =	vld [tilespmem:s29+$0xC040]  }
0xc6: {  	v13 =	vld [tilespmem:s29+$0x60]  }
0xc7: {  	v14 =	vld [tilespmem:s29+$0x70]  }
0xc8: {  	v15 =	vld [tilespmem:s29+$0x400]  }
0xc9: {  	v16 =	vld [tilespmem:s29+$0x410]  }
0xca: {  	v17 =	vld [tilespmem:s29+$0x420]  }
0xcb: {  	v18 =	vld [tilespmem:s29+$0x430]  }
0xcc: {  	v19 =	vld [tilespmem:s29+$0x440]  }
0xcd: {  	v20 =	vld [tilespmem:s29+$0x450]  }
0xce: {  	v21 =	vld [tilespmem:s29+$0x460]  }
0xcf: {  	v22 =	vld [tilespmem:s29+$0x470]  }
0xd0: {  	v23 =	vld [tilespmem:s29+$0x800]  }
0xd1: {  	v24 =	vld [tilespmem:s29+$0x810]  }
0xd2: {  	v25 =	vld [tilespmem:s29+$0x820]  }
0xd3: {  	v26 =	vld [tilespmem:s29+$0x830]  }
0xd4: {  	v27 =	vld [tilespmem:s29+$0x840]  }
0xd5: {  	v28 =	vld [tilespmem:s29+$0x850]  }
0xd6: {  	v29 =	vld [tilespmem:s29+$0x860]  }
0xd7: {  	v30 =	vld [tilespmem:s29+$0x870]  }
0xd8: {  	v31 =	vld [tilespmem:s29+$0xC00]  }
0xd9: {  	v32 =	vld [tilespmem:s29+$0xC10]  }
0xda: {  	v33 =	vld [tilespmem:s29+$0xC20]  }
0xdb: {  	v34 =	vld [tilespmem:s29+$0xC30]  }
0xdc: {  	v35 =	vld [tilespmem:s29+$0xC40]  }
0xdd: {  	v36 =	vld [tilespmem:s29+$0xC50]  }
0xde: {  	v37 =	vld [tilespmem:s29+$0xC60]  }
0xdf: {  	v38 =	vld [tilespmem:s29+$0xC70]  }
0xe0: {  	v39 =	vld [tilespmem:s29+$0x1000]  }
0xe1: {  	v40 =	vld [tilespmem:s29+$0x1010]  }
0xe2: {  	v41 =	vld [tilespmem:s29+$0x1020]  }
0xe3: {  	v42 =	vld [tilespmem:s29+$0x1030]  }
0xe4: {  	v43 =	vld [tilespmem:s29+$0x1040]  }
0xe5: {  	v45 =	vld [tilespmem:s29+$0x1060]  }
0xe6: {  	v46 =	vld [tilespmem:s29+$0x1400]  }
0xe7: {  	v47 =	vld [tilespmem:s29+$0x1410]  }
0xe8: {  	v48 =	vld [tilespmem:s29+$0xD410]  }
0xe9: {  	v49 =	vld [tilespmem:s29+$0xD430]  }
0xea: {  	v50 =	vld [tilespmem:s29+$0x1420]  }
0xeb: {  	v7 =	vld.msk [tilespmem:s24+$0x0 ss:$0x0], $0xffff  }
0xec: {  	v8 =	vld.msk [tilespmem:s25+$0x0 ss:$0x0], $0xffff  }
0xed: {  	v51 =	vld [tilespmem:s29+$0x1430]  }
0xee: {  	v52 =	vld [tilespmem:s29+$0xD420]  }
0xef: {  	v53 =	vld [tilespmem:s29+$0xD400]  }
0xf0: {  	v54 =	vld [tilespmem:s29+$0x1070]  }
0xf1: {  	v55 =	vld [tilespmem:s29+$0xD070]  }
0xf2: {  	v57 =	vld [tilespmem:s29+$0xD050];
	v51 =	vmul.f32 v51, v7  }
0xf3: {  	v56 =	vld [tilespmem:s29+$0xD060];
	v49 =	vmul.f32 v49, v8;
	v50 =	vmul.f32 v50, v7  }
0xf4: {  	v44 =	vld [tilespmem:s29+$0x1050];
	v52 =	vmul.f32 v52, v8;
	v47 =	vmul.f32 v47, v7  }
0xf5: {  	v58 =	vld [tilespmem:s29+$0xD040];
	v48 =	vmul.f32 v48, v8;
	v46 =	vmul.f32 v46, v7  }
0xf6: {  	v63 =	vmul.f32 v53, v8;
	v53 =	vld [tilespmem:s29+$0xD030];
	v59 =	vmul.f32 v54, v7;
	v49 =	vadd.f32 v49, v51  }
0xf7: {  	v60 =	vmul.f32 v55, v8;
	v62 =	vmul.f32 v57, v8;
	v57 =	vld [tilespmem:s29+$0xCC60];
	v50 =	vadd.f32 v52, v50  }
0xf8: {  	v45 =	vmul.f32 v45, v7;
	v61 =	vmul.f32 v56, v8;
	v55 =	vld [tilespmem:s29+$0xC870];
	v47 =	vadd.f32 v48, v47;
	[tilespmem:s29+$0x1430] =	vst v49  }
0xf9: {  	v44 =	vmul.f32 v44, v7;
	v43 =	vmul.f32 v43, v7;
	v56 =	vld [tilespmem:s29+$0xC860];
	v46 =	vadd.f32 v63, v46;
	[tilespmem:s29+$0x1420] =	vst v50  }
0xfa: {  	v42 =	vmul.f32 v42, v7;
	v41 =	vmul.f32 v41, v7;
	v48 =	vld [tilespmem:s29+$0xD020];
	v52 =	vadd.f32 v60, v59;
	[tilespmem:s29+$0x1410] =	vst v47  }
0xfb: {  	v12 =	vmul.f32 v12, v7;
	v11 =	vmul.f32 v11, v8;
	v45 =	vadd.f32 v61, v45;
	v59 =	vld [tilespmem:s29+$0xCC50];
	[tilespmem:s29+$0x1400] =	vst v46  }
0xfc: {  	v40 =	vmul.f32 v40, v7;
	v63 =	vmul.f32 v58, v8;
	v44 =	vadd.f32 v62, v44;
	v60 =	vld [tilespmem:s29+$0xCC40];
	[tilespmem:s29+$0x1070] =	vst v52  }
0xfd: {  	v39 =	vmul.f32 v39, v7;
	v61 =	vld [tilespmem:s29+$0xCC30];
	v11 =	vadd.f32 v11, v12;
	[tilespmem:s29+$0x1060] =	vst v45;
	v58 =	vmul.f32 v53, v8  }
0xfe: {  	v37 =	vmul.f32 v37, v7;
	v62 =	vld [tilespmem:s29+$0xCC20];
	v43 =	vadd.f32 v63, v43;
	[tilespmem:s29+$0x1050] =	vst v44;
	v46 =	vmul.f32 v57, v8  }
0xff: {  	v38 =	vmul.f32 v38, v7;
	v49 =	vld [tilespmem:s29+$0xD010];
	[tilespmem:s29+$0x40] =	vst v11;
	v48 =	vmul.f32 v48, v8;
	v42 =	vadd.f32 v58, v42  }
0x100: {  	v36 =	vmul.f32 v36, v7;
	v50 =	vld [tilespmem:s29+$0xD000];
	[tilespmem:s29+$0x1040] =	vst v43;
	v54 =	vmul.f32 v59, v8;
	v37 =	vadd.f32 v46, v37  }
0x101: {  	v35 =	vmul.f32 v35, v7;
	v47 =	vld [tilespmem:s29+$0xCC70];
	v45 =	vmul.f32 v60, v8;
	v41 =	vadd.f32 v48, v41;
	[tilespmem:s29+$0x1030] =	vst v42  }
0x102: {  	v34 =	vmul.f32 v34, v7;
	v63 =	vld [tilespmem:s29+$0xCC10];
	v44 =	vmul.f32 v61, v8;
	v36 =	vadd.f32 v54, v36;
	[tilespmem:s29+$0xC60] =	vst v37  }
0x103: {  	v33 =	vmul.f32 v33, v7;
	v53 =	vld [tilespmem:s29+$0xCC00];
	v43 =	vmul.f32 v62, v8;
	v35 =	vadd.f32 v45, v35;
	[tilespmem:s29+$0x1020] =	vst v41  }
0x104: {  	v32 =	vmul.f32 v32, v7;
	v58 =	vld [tilespmem:s29+$0xC840];
	v49 =	vmul.f32 v49, v8;
	v34 =	vadd.f32 v44, v34;
	[tilespmem:s29+$0xC50] =	vst v36  }
0x105: {  	v31 =	vmul.f32 v31, v7;
	v59 =	vld [tilespmem:s29+$0xC830];
	v50 =	vmul.f32 v50, v8;
	v33 =	vadd.f32 v43, v33;
	[tilespmem:s29+$0xC40] =	vst v35  }
0x106: {  	v6 =	vmul.f32 v6, v7;
	v60 =	vld [tilespmem:s29+$0xC820];
	v47 =	vmul.f32 v47, v8;
	v40 =	vadd.f32 v49, v40;
	[tilespmem:s29+$0xC30] =	vst v34  }
0x107: {  	v5 =	vmul.f32 v5, v8;
	v61 =	vld [tilespmem:s29+$0xC810];
	v42 =	vmul.f32 v63, v8;
	v39 =	vadd.f32 v50, v39;
	[tilespmem:s29+$0xC20] =	vst v33  }
0x108: {  	v27 =	vmul.f32 v27, v7;
	v12 =	vld [tilespmem:s29+$0x1460];
	v38 =	vadd.f32 v47, v38;
	v41 =	vmul.f32 v53, v8;
	[tilespmem:s29+$0x1010] =	vst v40  }
0x109: {  	v5 =	vadd.f32 v5, v6;
	v6 =	vld [tilespmem:s29+$0x0];
	v32 =	vadd.f32 v42, v32;
	v37 =	vmul.f32 v58, v8;
	[tilespmem:s29+$0x1000] =	vst v39  }
0x10a: {  	v26 =	vmul.f32 v26, v7;
	v57 =	vld [tilespmem:s29+$0xC850];
	v36 =	vmul.f32 v59, v8;
	[tilespmem:s29+$0xC70] =	vst v38;
	v31 =	vadd.f32 v41, v31  }
0x10b: {  	v25 =	vmul.f32 v25, v7;
	v62 =	vld [tilespmem:s29+$0xC800];
	v35 =	vmul.f32 v60, v8;
	[tilespmem:s29+$0xC10] =	vst v32;
	v27 =	vadd.f32 v37, v27  }
0x10c: {  	v24 =	vmul.f32 v24, v7;
	v63 =	vld [tilespmem:s29+$0xC470];
	v34 =	vmul.f32 v61, v8;
	v26 =	vadd.f32 v36, v26;
	[tilespmem:s29+$0xC00] =	vst v31  }
0x10d: {  	v30 =	vmul.f32 v30, v7;
	v40 =	vmul.f32 v55, v8;
	v25 =	vadd.f32 v35, v25;
	v31 =	vld [tilespmem:s29+$0xC460];
	[tilespmem:s29+$0x840] =	vst v27  }
0x10e: {  	v29 =	vmul.f32 v29, v7;
	v39 =	vmul.f32 v56, v8;
	v24 =	vadd.f32 v34, v24;
	v27 =	vld [tilespmem:s29+$0xC420];
	[tilespmem:s29+$0x830] =	vst v26  }
0x10f: {  	v28 =	vmul.f32 v28, v7;
	v38 =	vmul.f32 v57, v8;
	v30 =	vadd.f32 v40, v30;
	v26 =	vld [tilespmem:s29+$0xC410];
	[tilespmem:s29+$0x820] =	vst v25  }
0x110: {  	v23 =	vmul.f32 v23, v7;
	v33 =	vmul.f32 v62, v8;
	v29 =	vadd.f32 v39, v29;
	v25 =	vld [tilespmem:s29+$0xC400];
	[tilespmem:s29+$0x810] =	vst v24  }
0x111: {  	v22 =	vmul.f32 v22, v7;
	v32 =	vmul.f32 v63, v8;
	v28 =	vadd.f32 v38, v28;
	[tilespmem:s29+$0x870] =	vst v30;
	v30 =	vld [tilespmem:s29+$0xC450]  }
0x112: {  	v21 =	vmul.f32 v21, v7;
	v23 =	vadd.f32 v33, v23;
	[tilespmem:s29+$0x860] =	vst v29;
	v29 =	vld [tilespmem:s29+$0xC440];
	v31 =	vmul.f32 v31, v8  }
0x113: {  	v17 =	vmul.f32 v17, v7;
	v22 =	vadd.f32 v32, v22;
	[tilespmem:s29+$0x850] =	vst v28;
	v28 =	vld [tilespmem:s29+$0xC430];
	v27 =	vmul.f32 v27, v8  }
0x114: {  	v16 =	vmul.f32 v16, v7;
	[tilespmem:s29+$0x800] =	vst v23;
	v23 =	vld [tilespmem:s29+$0xC060];
	v26 =	vmul.f32 v26, v8;
	v21 =	vadd.f32 v31, v21  }
0x115: {  	v15 =	vmul.f32 v15, v7;
	v24 =	vld [tilespmem:s29+$0xC070];
	[tilespmem:s29+$0x470] =	vst v22;
	v25 =	vmul.f32 v25, v8;
	v17 =	vadd.f32 v27, v17  }
0x116: {  	v20 =	vmul.f32 v20, v7;
	v22 =	vld [tilespmem:s29+$0x50];
	v30 =	vmul.f32 v30, v8;
	v16 =	vadd.f32 v26, v16;
	[tilespmem:s29+$0x460] =	vst v21  }
0x117: {  	v19 =	vmul.f32 v19, v7;
	v29 =	vmul.f32 v29, v8;
	v15 =	vadd.f32 v25, v15;
	v21 =	vld [tilespmem:s29+$0xC050];
	[tilespmem:s29+$0x420] =	vst v17  }
0x118: {  	v18 =	vmul.f32 v18, v7;
	v28 =	vmul.f32 v28, v8;
	v20 =	vadd.f32 v30, v20;
	v17 =	vld [tilespmem:s29+$0x1440];
	[tilespmem:s29+$0x410] =	vst v16  }
0x119: {  	v13 =	vmul.f32 v13, v7;
	v23 =	vmul.f32 v23, v8;
	v19 =	vadd.f32 v29, v19;
	[tilespmem:s29+$0x400] =	vst v15;
	v15 =	vld [tilespmem:s29+$0x1450]  }
0x11a: {  	v14 =	vmul.f32 v14, v7;
	v24 =	vmul.f32 v24, v8;
	v18 =	vadd.f32 v28, v18;
	[tilespmem:s29+$0x450] =	vst v20;
	v20 =	vld [tilespmem:s29+$0xD440]  }
0x11b: {  	v10 =	vmul.f32 v10, v7;
	v9 =	vmul.f32 v9, v8;
	v13 =	vadd.f32 v23, v13;
	[tilespmem:s29+$0x440] =	vst v19;
	v19 =	vld [tilespmem:s29+$0xD450]  }
0x11c: {  	v4 =	vmul.f32 v4, v7;
	v3 =	vmul.f32 v3, v8;
	v14 =	vadd.f32 v24, v14;
	[tilespmem:s29+$0x430] =	vst v18;
	v18 =	vld [tilespmem:s29+$0xD460]  }
0x11d: {  	v9 =	vadd.f32 v9, v10;
	v10 =	vmul.f32 v22, v7;
	v16 =	vld [tilespmem:s29+$0xD470];
	[tilespmem:s29+$0x60] =	vst v13;
	v13 =	vmul.f32 v21, v8  }
0x11e: {  	v3 =	vadd.f32 v3, v4;
	[tilespmem:s29+$0x70] =	vst v14;
	v14 =	vld [tilespmem:s29+$0x1470]  }
0x11f: {  	s31 =	simm.s32 $0x0;
	[tilespmem:s29+$0x30] =	vst v9;
	v9 =	vld [tilespmem:s29+$0xC000];
	v11 =	vmul.f32 v17, v7;
	v17 =	vmul.f32 v20, v8;
	v4 =	vadd.f32 v13, v10  }
0x120: {  	s28 =	simm.s32 $0x80;
	s26 =	smul.u32 $0x1800, s31;
	[tilespmem:s29+$0x20] =	vst v5;
	v5 =	vmul.f32 v15, v7;
	v10 =	vmul.f32 v19, v8  }
0x121: {  	s30 =	sand.u32 $0x380, s28;
	v11 =	vadd.f32 v17, v11;
	[tilespmem:s29+$0x50] =	vst v4;
	v4 =	vmul.f32 v12, v7;
	v12 =	vmul.f32 v18, v8  }
0x122: {  	s26 =	sor.u32 s30, s26;
	[tilespmem:s29+$0x10] =	vst v3;
	v5 =	vadd.f32 v10, v5  }
0x123: {  	v3 =	vld [tilespmem:s26+$0x10];
	v10 =	vmul.f32 v14, v7;
	[tilespmem:s29+$0x1440] =	vst v11;
	v11 =	vmul.f32 v16, v8;
	v12 =	vadd.f32 v12, v4  }
0x124: {  	v7 =	vmul.f32 v6, v7;
	v8 =	vmul.f32 v9, v8;
	v4 =	vld [tilespmem:s26+$0xC010];
	[tilespmem:s29+$0x1450] =	vst v5  }
0x125: {  	v9 =	vadd.f32 v11, v10;
	v6 =	vld [tilespmem:s26+$0x20];
	[tilespmem:s29+$0x1460] =	vst v12  }
0x126: {  	v7 =	vadd.f32 v8, v7;
	v5 =	vld [tilespmem:s26+$0xC020]  }
0x127: {  	v8 =	vld [tilespmem:s26+$0x30];
	[tilespmem:s29+$0x1470] =	vst v9  }
0x128: {  	v18 =	vld [tilespmem:s26+$0x430];
	[tilespmem:s29+$0x0] =	vst v7  }
0x129: {  	v7 =	vld [tilespmem:s26+$0xC030]  }
0x12a: {  	v10 =	vld [tilespmem:s26+$0x40]  }
0x12b: {  	v9 =	vld [tilespmem:s26+$0xC040]  }
0x12c: {  	v12 =	vld [tilespmem:s26+$0x50]  }
0x12d: {  	v11 =	vld [tilespmem:s26+$0xC050]  }
0x12e: {  	v13 =	vld [tilespmem:s26+$0x60]  }
0x12f: {  	v14 =	vld [tilespmem:s26+$0x70]  }
0x130: {  	v15 =	vld [tilespmem:s26+$0x400]  }
0x131: {  	v16 =	vld [tilespmem:s26+$0x410]  }
0x132: {  	v17 =	vld [tilespmem:s26+$0x420]  }
0x133: {  	v19 =	vld [tilespmem:s26+$0x440]  }
0x134: {  	v20 =	vld [tilespmem:s26+$0x450]  }
0x135: {  	v21 =	vld [tilespmem:s26+$0x460]  }
0x136: {  	v22 =	vld [tilespmem:s26+$0x470]  }
0x137: {  	v23 =	vld [tilespmem:s26+$0x800]  }
0x138: {  	v24 =	vld [tilespmem:s26+$0x810]  }
0x139: {  	v25 =	vld [tilespmem:s26+$0x820]  }
0x13a: {  	v26 =	vld [tilespmem:s26+$0x830]  }
0x13b: {  	v27 =	vld [tilespmem:s26+$0x840]  }
0x13c: {  	v28 =	vld [tilespmem:s26+$0x850]  }
0x13d: {  	v29 =	vld [tilespmem:s26+$0x860]  }
0x13e: {  	v30 =	vld [tilespmem:s26+$0x870]  }
0x13f: {  	v32 =	vld [tilespmem:s26+$0xC00]  }
0x140: {  	v34 =	vld [tilespmem:s26+$0xC10]  }
0x141: {  	v35 =	vld [tilespmem:s26+$0xC20]  }
0x142: {  	v36 =	vld [tilespmem:s26+$0xC30]  }
0x143: {  	v37 =	vld [tilespmem:s26+$0xC40]  }
0x144: {  	v38 =	vld [tilespmem:s26+$0xC50]  }
0x145: {  	v39 =	vld [tilespmem:s26+$0xC60]  }
0x146: {  	v40 =	vld [tilespmem:s26+$0xC70]  }
0x147: {  	v41 =	vld [tilespmem:s26+$0x1000]  }
0x148: {  	v42 =	vld [tilespmem:s26+$0x1010]  }
0x149: {  	v43 =	vld [tilespmem:s26+$0x1020]  }
0x14a: {  	v44 =	vld [tilespmem:s26+$0x1030]  }
0x14b: {  	v45 =	vld [tilespmem:s26+$0x1040]  }
0x14c: {  	v46 =	vld [tilespmem:s26+$0x1050]  }
0x14d: {  	v47 =	vld [tilespmem:s26+$0x1060]  }
0x14e: {  	v48 =	vld [tilespmem:s26+$0x1400]  }
0x14f: {  	v50 =	vld [tilespmem:s26+$0x1410]  }
0x150: {  	v49 =	vld [tilespmem:s26+$0xD410]  }
0x151: {  	s29 =	simm.s32 $0x2;
	v51 =	vld [tilespmem:s26+$0xD430]  }
.LBB2_2:
0x152: {  	p0 =	sne.s32 s29, $0x3F;
	v52 =	vld [tilespmem:s26+$0x1420];
	s24 =	sadd.s32 $0x1, s24  }
0x153: {  	s25 =	sadd.s32 $0x1, s25;
	v33 =	vld.msk [tilespmem:s24+$0x0 ss:$0x0], $0xffff  }
0x154: {  	v31 =	vld.msk [tilespmem:s25+$0x0 ss:$0x0], $0xffff  }
0x155: {  	v53 =	vld [tilespmem:s26+$0x1430]  }
0x156: {  	v54 =	vld [tilespmem:s26+$0xD420]  }
0x157: {  	v55 =	vld [tilespmem:s26+$0xD400]  }
0x158: {  	v56 =	vld [tilespmem:s26+$0x1070]  }
0x159: {  	v50 =	vmul.f32 v50, v33;
	v52 =	vmul.f32 v52, v33;
	v57 =	vld [tilespmem:s26+$0xD070]  }
0x15a: {  	v51 =	vmul.f32 v51, v31;
	v58 =	vld [tilespmem:s26+$0xD060];
	v53 =	vmul.f32 v53, v33  }
0x15b: {  	v49 =	vmul.f32 v49, v31;
	v59 =	vld [tilespmem:s26+$0xD050];
	v54 =	vmul.f32 v54, v31  }
0x15c: {  	v48 =	vmul.f32 v48, v33;
	v60 =	vld [tilespmem:s26+$0xD040];
	v55 =	vmul.f32 v55, v31;
	v51 =	vadd.f32 v51, v53  }
0x15d: {  	v49 =	vadd.f32 v49, v50;
	v53 =	vld [tilespmem:s26+$0xD030];
	v56 =	vmul.f32 v56, v33;
	v50 =	vadd.f32 v54, v52  }
0x15e: {  	v47 =	vmul.f32 v47, v33;
	v52 =	vld [tilespmem:s26+$0xD020];
	v54 =	vmul.f32 v57, v31;
	v48 =	vadd.f32 v55, v48;
	[tilespmem:s26+$0x1430] =	vst v51  }
0x15f: {  	v46 =	vmul.f32 v46, v33;
	v51 =	vld [tilespmem:s26+$0xD010];
	v55 =	vmul.f32 v58, v31;
	[tilespmem:s26+$0x1420] =	vst v50  }
0x160: {  	v45 =	vmul.f32 v45, v33;
	v50 =	vld [tilespmem:s26+$0xD000];
	v57 =	vmul.f32 v59, v31;
	v54 =	vadd.f32 v54, v56;
	[tilespmem:s26+$0x1410] =	vst v49  }
0x161: {  	v44 =	vmul.f32 v44, v33;
	v49 =	vld [tilespmem:s26+$0xCC70];
	v56 =	vmul.f32 v60, v31;
	v47 =	vadd.f32 v55, v47;
	[tilespmem:s26+$0x1400] =	vst v48  }
0x162: {  	v43 =	vmul.f32 v43, v33;
	v48 =	vld [tilespmem:s26+$0xCC60];
	v53 =	vmul.f32 v53, v31;
	v46 =	vadd.f32 v57, v46;
	[tilespmem:s26+$0x1070] =	vst v54  }
0x163: {  	v42 =	vmul.f32 v42, v33;
	v54 =	vld [tilespmem:s26+$0xCC50];
	v52 =	vmul.f32 v52, v31;
	v45 =	vadd.f32 v56, v45;
	[tilespmem:s26+$0x1060] =	vst v47  }
0x164: {  	v41 =	vmul.f32 v41, v33;
	v47 =	vld [tilespmem:s26+$0xCC40];
	v51 =	vmul.f32 v51, v31;
	v44 =	vadd.f32 v53, v44;
	[tilespmem:s26+$0x1050] =	vst v46  }
0x165: {  	v40 =	vmul.f32 v40, v33;
	v46 =	vld [tilespmem:s26+$0xCC30];
	v50 =	vmul.f32 v50, v31;
	v43 =	vadd.f32 v52, v43;
	[tilespmem:s26+$0x1040] =	vst v45  }
0x166: {  	v39 =	vmul.f32 v39, v33;
	v45 =	vld [tilespmem:s26+$0xCC20];
	v49 =	vmul.f32 v49, v31;
	v42 =	vadd.f32 v51, v42;
	[tilespmem:s26+$0x1030] =	vst v44  }
0x167: {  	v38 =	vmul.f32 v38, v33;
	v44 =	vld [tilespmem:s26+$0xCC10];
	v48 =	vmul.f32 v48, v31;
	v41 =	vadd.f32 v50, v41;
	[tilespmem:s26+$0x1020] =	vst v43  }
0x168: {  	v37 =	vmul.f32 v37, v33;
	v43 =	vld [tilespmem:s26+$0xCC00];
	v50 =	vmul.f32 v54, v31;
	v40 =	vadd.f32 v49, v40;
	[tilespmem:s26+$0x1010] =	vst v42  }
0x169: {  	v36 =	vmul.f32 v36, v33;
	v42 =	vld [tilespmem:s26+$0xC870];
	v47 =	vmul.f32 v47, v31;
	v39 =	vadd.f32 v48, v39;
	[tilespmem:s26+$0x1000] =	vst v41  }
0x16a: {  	v35 =	vmul.f32 v35, v33;
	v41 =	vld [tilespmem:s26+$0xC860];
	v46 =	vmul.f32 v46, v31;
	v38 =	vadd.f32 v50, v38;
	[tilespmem:s26+$0xC70] =	vst v40  }
0x16b: {  	v34 =	vmul.f32 v34, v33;
	v40 =	vld [tilespmem:s26+$0xC850];
	v45 =	vmul.f32 v45, v31;
	v37 =	vadd.f32 v47, v37;
	[tilespmem:s26+$0xC60] =	vst v39  }
0x16c: {  	v32 =	vmul.f32 v32, v33;
	v39 =	vld [tilespmem:s26+$0xC840];
	v44 =	vmul.f32 v44, v31;
	v36 =	vadd.f32 v46, v36;
	[tilespmem:s26+$0xC50] =	vst v38  }
0x16d: {  	v30 =	vmul.f32 v30, v33;
	v38 =	vld [tilespmem:s26+$0xC830];
	v43 =	vmul.f32 v43, v31;
	v35 =	vadd.f32 v45, v35;
	[tilespmem:s26+$0xC40] =	vst v37  }
0x16e: {  	v29 =	vmul.f32 v29, v33;
	v37 =	vld [tilespmem:s26+$0xC820];
	v42 =	vmul.f32 v42, v31;
	v34 =	vadd.f32 v44, v34;
	[tilespmem:s26+$0xC30] =	vst v36  }
0x16f: {  	v28 =	vmul.f32 v28, v33;
	v36 =	vld [tilespmem:s26+$0xC810];
	v41 =	vmul.f32 v41, v31;
	v32 =	vadd.f32 v43, v32;
	[tilespmem:s26+$0xC20] =	vst v35  }
0x170: {  	v27 =	vmul.f32 v27, v33;
	v35 =	vld [tilespmem:s26+$0xC800];
	v40 =	vmul.f32 v40, v31;
	v30 =	vadd.f32 v42, v30;
	[tilespmem:s26+$0xC10] =	vst v34  }
0x171: {  	v26 =	vmul.f32 v26, v33;
	v34 =	vld [tilespmem:s26+$0xC470];
	v39 =	vmul.f32 v39, v31;
	v29 =	vadd.f32 v41, v29;
	[tilespmem:s26+$0xC00] =	vst v32  }
0x172: {  	v25 =	vmul.f32 v25, v33;
	v32 =	vld [tilespmem:s26+$0xC460];
	v38 =	vmul.f32 v38, v31;
	v28 =	vadd.f32 v40, v28;
	[tilespmem:s26+$0x870] =	vst v30  }
0x173: {  	v24 =	vmul.f32 v24, v33;
	v30 =	vld [tilespmem:s26+$0xC450];
	v37 =	vmul.f32 v37, v31;
	v27 =	vadd.f32 v39, v27;
	[tilespmem:s26+$0x860] =	vst v29  }
0x174: {  	v23 =	vmul.f32 v23, v33;
	v29 =	vld [tilespmem:s26+$0xC440];
	v36 =	vmul.f32 v36, v31;
	v26 =	vadd.f32 v38, v26;
	[tilespmem:s26+$0x850] =	vst v28  }
0x175: {  	v22 =	vmul.f32 v22, v33;
	v28 =	vld [tilespmem:s26+$0xC430];
	v35 =	vmul.f32 v35, v31;
	v25 =	vadd.f32 v37, v25;
	[tilespmem:s26+$0x840] =	vst v27  }
0x176: {  	v21 =	vmul.f32 v21, v33;
	v27 =	vld [tilespmem:s26+$0xC420];
	v34 =	vmul.f32 v34, v31;
	v24 =	vadd.f32 v36, v24;
	[tilespmem:s26+$0x830] =	vst v26  }
0x177: {  	v20 =	vmul.f32 v20, v33;
	v26 =	vld [tilespmem:s26+$0xC410];
	v32 =	vmul.f32 v32, v31;
	v23 =	vadd.f32 v35, v23;
	[tilespmem:s26+$0x820] =	vst v25  }
0x178: {  	v19 =	vmul.f32 v19, v33;
	v25 =	vld [tilespmem:s26+$0xC400];
	v30 =	vmul.f32 v30, v31;
	v22 =	vadd.f32 v34, v22;
	[tilespmem:s26+$0x810] =	vst v24  }
0x179: {  	v18 =	vmul.f32 v18, v33;
	v24 =	vld [tilespmem:s26+$0xC070];
	v29 =	vmul.f32 v29, v31;
	v21 =	vadd.f32 v32, v21;
	[tilespmem:s26+$0x800] =	vst v23  }
0x17a: {  	v17 =	vmul.f32 v17, v33;
	v23 =	vld [tilespmem:s26+$0xC060];
	v28 =	vmul.f32 v28, v31;
	v20 =	vadd.f32 v30, v20;
	[tilespmem:s26+$0x470] =	vst v22  }
0x17b: {  	v16 =	vmul.f32 v16, v33;
	v22 =	vmul.f32 v27, v31;
	v19 =	vadd.f32 v29, v19;
	[tilespmem:s26+$0x460] =	vst v21;
	v21 =	vld [tilespmem:s26+$0xD440]  }
0x17c: {  	v15 =	vmul.f32 v15, v33;
	v26 =	vmul.f32 v26, v31;
	v18 =	vadd.f32 v28, v18;
	[tilespmem:s26+$0x450] =	vst v20;
	v20 =	vld [tilespmem:s26+$0xD450]  }
0x17d: {  	v14 =	vmul.f32 v14, v33;
	v25 =	vmul.f32 v25, v31;
	v17 =	vadd.f32 v22, v17;
	[tilespmem:s26+$0x440] =	vst v19;
	v19 =	vld [tilespmem:s26+$0xD460]  }
0x17e: {  	v13 =	vmul.f32 v13, v33;
	v22 =	vmul.f32 v24, v31;
	v16 =	vadd.f32 v26, v16;
	[tilespmem:s26+$0x430] =	vst v18;
	v18 =	vld [tilespmem:s26+$0xD470]  }
0x17f: {  	v12 =	vmul.f32 v12, v33;
	v23 =	vmul.f32 v23, v31;
	v15 =	vadd.f32 v25, v15;
	[tilespmem:s26+$0x420] =	vst v17;
	v17 =	vld [tilespmem:s26+$0x1440]  }
0x180: {  	v10 =	vmul.f32 v10, v33;
	v11 =	vmul.f32 v11, v31;
	v14 =	vadd.f32 v22, v14;
	[tilespmem:s26+$0x410] =	vst v16;
	v16 =	vld [tilespmem:s26+$0x1450]  }
0x181: {  	v8 =	vmul.f32 v8, v33;
	v9 =	vmul.f32 v9, v31;
	v13 =	vadd.f32 v23, v13;
	[tilespmem:s26+$0x400] =	vst v15;
	v15 =	vld [tilespmem:s26+$0x1460]  }
0x182: {  	v6 =	vmul.f32 v6, v33;
	v7 =	vmul.f32 v7, v31;
	v11 =	vadd.f32 v11, v12;
	[tilespmem:s26+$0x70] =	vst v14;
	v12 =	vld [tilespmem:s26+$0x1470]  }
0x183: {  	v3 =	vmul.f32 v3, v33;
	v5 =	vmul.f32 v5, v31;
	v9 =	vadd.f32 v9, v10;
	v14 =	vld [tilespmem:s26+$0x0];
	[tilespmem:s26+$0x60] =	vst v13  }
0x184: {  	v4 =	vmul.f32 v4, v31;
	v7 =	vadd.f32 v7, v8;
	v10 =	vld [tilespmem:s26+$0xC000];
	[tilespmem:s26+$0x50] =	vst v11;
	v8 =	vmul.f32 v17, v33  }
0x185: {  	s30 =	sshrl.u32 s29, $0x3;
	v5 =	vadd.f32 v5, v6;
	v6 =	vmul.f32 v21, v31;
	[tilespmem:s26+$0x40] =	vst v9;
	v9 =	vmul.f32 v16, v33  }
0x186: {  	s28 =	sadd.s32 $0x80, s28;
	s30 =	smul.u32 $0x1800, s30;
	v3 =	vadd.f32 v4, v3;
	v4 =	vmul.f32 v20, v31;
	[tilespmem:s26+$0x30] =	vst v7;
	v7 =	vmul.f32 v15, v33  }
0x187: {  	s31 =	sand.u32 $0x380, s28;
	[tilespmem:s26+$0x20] =	vst v5;
	v5 =	vadd.f32 v6, v8;
	v6 =	vmul.f32 v19, v31;
	v8 =	vmul.f32 v12, v33  }
0x188: {  	s30 =	sor.u32 s31, s30;
	v9 =	vadd.f32 v4, v9;
	v12 =	vmul.f32 v18, v31;
	v11 =	vmul.f32 v14, v33;
	[tilespmem:s26+$0x10] =	vst v3  }
0x189: {  	v3 =	vld [tilespmem:s30+$0x10];
	v10 =	vmul.f32 v10, v31;
	[tilespmem:s26+$0x1440] =	vst v5;
	v5 =	vadd.f32 v6, v7  }
0x18a: {  	v7 =	vadd.f32 v12, v8;
	v4 =	vld [tilespmem:s30+$0xC010];
	[tilespmem:s26+$0x1450] =	vst v9  }
0x18b: {  	v6 =	vld [tilespmem:s30+$0x20];
	v9 =	vadd.f32 v10, v11;
	[tilespmem:s26+$0x1460] =	vst v5  }
0x18c: {  	v5 =	vld [tilespmem:s30+$0xC020];
	[tilespmem:s26+$0x1470] =	vst v7  }
0x18d: {  	v8 =	vld [tilespmem:s30+$0x30];
	[tilespmem:s26+$0x0] =	vst v9;
	s26 =	smov.u32 s30  }
0x18e: {  	v7 =	vld [tilespmem:s26+$0xC030]  }
0x18f: {  	v10 =	vld [tilespmem:s26+$0x40]  }
0x190: {  	v9 =	vld [tilespmem:s26+$0xC040]  }
0x191: {  	v12 =	vld [tilespmem:s26+$0x50]  }
0x192: {  	v11 =	vld [tilespmem:s26+$0xC050]  }
0x193: {  	v13 =	vld [tilespmem:s26+$0x60]  }
0x194: {  	v14 =	vld [tilespmem:s26+$0x70]  }
0x195: {  	v15 =	vld [tilespmem:s26+$0x400]  }
0x196: {  	v16 =	vld [tilespmem:s26+$0x410]  }
0x197: {  	v17 =	vld [tilespmem:s26+$0x420]  }
0x198: {  	v18 =	vld [tilespmem:s26+$0x430]  }
0x199: {  	v19 =	vld [tilespmem:s26+$0x440]  }
0x19a: {  	v20 =	vld [tilespmem:s26+$0x450]  }
0x19b: {  	v21 =	vld [tilespmem:s26+$0x460]  }
0x19c: {  	v22 =	vld [tilespmem:s26+$0x470]  }
0x19d: {  	v23 =	vld [tilespmem:s26+$0x800]  }
0x19e: {  	v24 =	vld [tilespmem:s26+$0x810]  }
0x19f: {  	v25 =	vld [tilespmem:s26+$0x820]  }
0x1a0: {  	v26 =	vld [tilespmem:s26+$0x830]  }
0x1a1: {  	v27 =	vld [tilespmem:s26+$0x840]  }
0x1a2: {  	v28 =	vld [tilespmem:s26+$0x850]  }
0x1a3: {  	v29 =	vld [tilespmem:s26+$0x860]  }
0x1a4: {  	v30 =	vld [tilespmem:s26+$0x870]  }
0x1a5: {  	v32 =	vld [tilespmem:s26+$0xC00]  }
0x1a6: {  	v34 =	vld [tilespmem:s26+$0xC10]  }
0x1a7: {  	v35 =	vld [tilespmem:s26+$0xC20]  }
0x1a8: {  	v36 =	vld [tilespmem:s26+$0xC30]  }
0x1a9: {  	v37 =	vld [tilespmem:s26+$0xC40]  }
0x1aa: {  	v38 =	vld [tilespmem:s26+$0xC50]  }
0x1ab: {  	v39 =	vld [tilespmem:s26+$0xC60]  }
0x1ac: {  	v40 =	vld [tilespmem:s26+$0xC70]  }
0x1ad: {  	v41 =	vld [tilespmem:s26+$0x1000]  }
0x1ae: {  	v42 =	vld [tilespmem:s26+$0x1010]  }
0x1af: {  	v43 =	vld [tilespmem:s26+$0x1020]  }
0x1b0: {  	v44 =	vld [tilespmem:s26+$0x1030]  }
0x1b1: {  	v45 =	vld [tilespmem:s26+$0x1040]  }
0x1b2: {  	v46 =	vld [tilespmem:s26+$0x1050]  }
.Ltmp0:
0x1b3: {  	v47 =	vld [tilespmem:s26+$0x1060];
	(pc) =	sbr.rel @p0 .LBB2_2-.Ltmp0, $4  }
0x1b4: {  	v48 =	vld [tilespmem:s26+$0x1400]  }
0x1b5: {  	v50 =	vld [tilespmem:s26+$0x1410]  }
0x1b6: {  	v49 =	vld [tilespmem:s26+$0xD410]  }
0x1b7: {  	s29 =	sadd.s32 $0x1, s29;
	v51 =	vld [tilespmem:s26+$0xD430]  }
0x1b8: {  	v52 =	vld [tilespmem:s26+$0x1420]  }
0x1b9: {  	s24 =	sadd.s32 $0x1, s24;
	v53 =	vld [tilespmem:s26+$0x1430]  }
0x1ba: {  	s31 =	sadd.s32 $0x1, s25;
	v31 =	vld.msk [tilespmem:s24+$0x0 ss:$0x0], $0xffff  }
0x1bb: {  	v33 =	vld.msk [tilespmem:s31+$0x0 ss:$0x0], $0xffff  }
0x1bc: {  	v54 =	vld [tilespmem:s26+$0xD420];
	_ =	sdelay $0x1  }
0x1bd: {  	v55 =	vld [tilespmem:s26+$0xD400]  }
0x1be: {  	v56 =	vld [tilespmem:s26+$0x1070]  }
0x1bf: {  	v58 =	vld [tilespmem:s26+$0xD060];
	v53 =	vmul.f32 v53, v31;
	v51 =	vmul.f32 v51, v33  }
0x1c0: {  	v57 =	vld [tilespmem:s26+$0xD070];
	v52 =	vmul.f32 v52, v31;
	v54 =	vmul.f32 v54, v33  }
0x1c1: {  	v59 =	vld [tilespmem:s26+$0xD050];
	v50 =	vmul.f32 v50, v31;
	v49 =	vmul.f32 v49, v33  }
0x1c2: {  	v60 =	vld [tilespmem:s26+$0xD040];
	v48 =	vmul.f32 v48, v31;
	v62 =	vmul.f32 v55, v33;
	v51 =	vadd.f32 v51, v53  }
0x1c3: {  	v61 =	vld [tilespmem:s26+$0xD020];
	v63 =	vmul.f32 v56, v31;
	v47 =	vmul.f32 v47, v31;
	v52 =	vadd.f32 v54, v52  }
0x1c4: {  	v58 =	vmul.f32 v58, v33;
	v55 =	vld [tilespmem:s26+$0xC460];
	v12 =	vmul.f32 v12, v31;
	v49 =	vadd.f32 v49, v50;
	[tilespmem:s26+$0x1430] =	vst v51  }
0x1c5: {  	v56 =	vld [tilespmem:s26+$0xC450];
	v11 =	vmul.f32 v11, v33;
	v10 =	vmul.f32 v10, v31;
	v48 =	vadd.f32 v62, v48;
	[tilespmem:s26+$0x1420] =	vst v52  }
0x1c6: {  	v9 =	vmul.f32 v9, v33;
	v8 =	vmul.f32 v8, v31;
	v53 =	vld [tilespmem:s26+$0xD030];
	v47 =	vadd.f32 v58, v47;
	[tilespmem:s26+$0x1410] =	vst v49  }
0x1c7: {  	v7 =	vmul.f32 v7, v33;
	v6 =	vmul.f32 v6, v31;
	v50 =	vld [tilespmem:s26+$0xD000];
	v11 =	vadd.f32 v11, v12;
	[tilespmem:s26+$0x1400] =	vst v48  }
0x1c8: {  	v5 =	vmul.f32 v5, v33;
	v3 =	vmul.f32 v3, v31;
	v58 =	vld [tilespmem:s26+$0xCC20];
	v9 =	vadd.f32 v9, v10;
	[tilespmem:s26+$0x1060] =	vst v47  }
0x1c9: {  	v4 =	vmul.f32 v4, v33;
	v62 =	vmul.f32 v59, v33;
	v59 =	vld [tilespmem:s26+$0xCC10];
	v7 =	vadd.f32 v7, v8;
	[tilespmem:s26+$0x50] =	vst v11  }
0x1ca: {  	v57 =	vmul.f32 v57, v33;
	v54 =	vld [tilespmem:s26+$0xC470];
	v5 =	vadd.f32 v5, v6;
	[tilespmem:s26+$0x40] =	vst v9  }
0x1cb: {  	v46 =	vmul.f32 v46, v31;
	v3 =	vadd.f32 v4, v3;
	v51 =	vld [tilespmem:s26+$0xD010];
	[tilespmem:s26+$0x30] =	vst v7  }
0x1cc: {  	v45 =	vmul.f32 v45, v31;
	v49 =	vld [tilespmem:s26+$0xCC70];
	v52 =	vadd.f32 v57, v63;
	v63 =	vmul.f32 v60, v33;
	[tilespmem:s26+$0x20] =	vst v5  }
0x1cd: {  	v43 =	vmul.f32 v43, v31;
	v48 =	vld [tilespmem:s26+$0xCC60];
	v46 =	vadd.f32 v62, v46;
	v57 =	vmul.f32 v61, v33;
	[tilespmem:s26+$0x10] =	vst v3  }
0x1ce: {  	v44 =	vmul.f32 v44, v31;
	v47 =	vld [tilespmem:s26+$0xCC40];
	[tilespmem:s26+$0x1070] =	vst v52;
	v45 =	vadd.f32 v63, v45;
	v53 =	vmul.f32 v53, v33  }
0x1cf: {  	v41 =	vmul.f32 v41, v31;
	v60 =	vld [tilespmem:s26+$0xCC00];
	[tilespmem:s26+$0x1050] =	vst v46;
	v43 =	vadd.f32 v57, v43;
	v50 =	vmul.f32 v50, v33  }
0x1d0: {  	v35 =	vmul.f32 v35, v31;
	v61 =	vld [tilespmem:s26+$0xC870];
	[tilespmem:s26+$0x1040] =	vst v45;
	v45 =	vmul.f32 v58, v33;
	v44 =	vadd.f32 v53, v44  }
0x1d1: {  	v42 =	vmul.f32 v42, v31;
	v52 =	vld [tilespmem:s26+$0xCC50];
	[tilespmem:s26+$0x1020] =	vst v43;
	v51 =	vmul.f32 v51, v33;
	v41 =	vadd.f32 v50, v41  }
0x1d2: {  	v40 =	vmul.f32 v40, v31;
	v46 =	vld [tilespmem:s26+$0xCC30];
	v49 =	vmul.f32 v49, v33;
	v35 =	vadd.f32 v45, v35;
	[tilespmem:s26+$0x1030] =	vst v44  }
0x1d3: {  	v39 =	vmul.f32 v39, v31;
	v62 =	vld [tilespmem:s26+$0xC860];
	v48 =	vmul.f32 v48, v33;
	v42 =	vadd.f32 v51, v42;
	[tilespmem:s26+$0x1000] =	vst v41  }
0x1d4: {  	v37 =	vmul.f32 v37, v31;
	v57 =	vld [tilespmem:s26+$0xC440];
	v47 =	vmul.f32 v47, v33;
	v40 =	vadd.f32 v49, v40;
	[tilespmem:s26+$0xC20] =	vst v35  }
0x1d5: {  	v32 =	vmul.f32 v32, v31;
	v58 =	vld [tilespmem:s26+$0xC430];
	v43 =	vmul.f32 v60, v33;
	v39 =	vadd.f32 v48, v39;
	[tilespmem:s26+$0x1010] =	vst v42  }
0x1d6: {  	v38 =	vmul.f32 v38, v31;
	v50 =	vld [tilespmem:s26+$0xC830];
	v63 =	vmul.f32 v52, v33;
	v37 =	vadd.f32 v47, v37;
	[tilespmem:s26+$0xC70] =	vst v40  }
0x1d7: {  	v36 =	vmul.f32 v36, v31;
	v53 =	vld [tilespmem:s26+$0xC800];
	v46 =	vmul.f32 v46, v33;
	v32 =	vadd.f32 v43, v32;
	[tilespmem:s26+$0xC60] =	vst v39  }
0x1d8: {  	v34 =	vmul.f32 v34, v31;
	v60 =	vld [tilespmem:s26+$0xC410];
	v44 =	vmul.f32 v59, v33;
	v38 =	vadd.f32 v63, v38;
	[tilespmem:s26+$0xC40] =	vst v37  }
0x1d9: {  	v29 =	vmul.f32 v29, v31;
	v45 =	vld [tilespmem:s26+$0x1440];
	v41 =	vmul.f32 v62, v33;
	v36 =	vadd.f32 v46, v36;
	[tilespmem:s26+$0xC00] =	vst v32  }
0x1da: {  	v21 =	vmul.f32 v21, v31;
	v48 =	vld [tilespmem:s26+$0xC850];
	v62 =	vmul.f32 v55, v33;
	v34 =	vadd.f32 v44, v34;
	[tilespmem:s26+$0xC50] =	vst v38  }
0x1db: {  	v30 =	vmul.f32 v30, v31;
	v49 =	vld [tilespmem:s26+$0xC840];
	v42 =	vmul.f32 v61, v33;
	v29 =	vadd.f32 v41, v29;
	[tilespmem:s26+$0xC30] =	vst v36  }
0x1dc: {  	v23 =	vmul.f32 v23, v31;
	v51 =	vld [tilespmem:s26+$0xC820];
	v21 =	vadd.f32 v62, v21;
	v35 =	vmul.f32 v53, v33;
	[tilespmem:s26+$0xC10] =	vst v34  }
0x1dd: {  	v16 =	vmul.f32 v16, v31;
	v52 =	vld [tilespmem:s26+$0xC810];
	v41 =	vmul.f32 v60, v33;
	v30 =	vadd.f32 v42, v30;
	[tilespmem:s26+$0x860] =	vst v29  }
0x1de: {  	v26 =	vmul.f32 v26, v31;
	v59 =	vld [tilespmem:s26+$0xC420];
	v38 =	vmul.f32 v50, v33;
	[tilespmem:s26+$0x460] =	vst v21;
	v23 =	vadd.f32 v35, v23  }
0x1df: {  	v22 =	vmul.f32 v22, v31;
	v43 =	vld [tilespmem:s26+$0xD470];
	v34 =	vmul.f32 v54, v33;
	v16 =	vadd.f32 v41, v16;
	[tilespmem:s26+$0x870] =	vst v30  }
0x1e0: {  	v28 =	vmul.f32 v28, v31;
	v61 =	vld [tilespmem:s26+$0xC400];
	v40 =	vmul.f32 v48, v33;
	v26 =	vadd.f32 v38, v26;
	[tilespmem:s26+$0x800] =	vst v23  }
0x1e1: {  	v27 =	vmul.f32 v27, v31;
	v63 =	vld [tilespmem:s26+$0xC070];
	v39 =	vmul.f32 v49, v33;
	v22 =	vadd.f32 v34, v22;
	[tilespmem:s26+$0x410] =	vst v16  }
0x1e2: {  	v25 =	vmul.f32 v25, v31;
	v46 =	vld [tilespmem:s26+$0x1450];
	v37 =	vmul.f32 v51, v33;
	v28 =	vadd.f32 v40, v28;
	[tilespmem:s26+$0x830] =	vst v26  }
0x1e3: {  	v24 =	vmul.f32 v24, v31;
	v50 =	vld [tilespmem:s26+$0xC000];
	v36 =	vmul.f32 v52, v33;
	v27 =	vadd.f32 v39, v27;
	[tilespmem:s26+$0x470] =	vst v22  }
0x1e4: {  	v19 =	vmul.f32 v19, v31;
	v35 =	vmul.f32 v57, v33;
	v48 =	vld [tilespmem:s26+$0x1460];
	v25 =	vadd.f32 v37, v25;
	[tilespmem:s26+$0x850] =	vst v28  }
0x1e5: {  	v20 =	vmul.f32 v20, v31;
	v51 =	vld [tilespmem:s26+$0x0];
	v30 =	vmul.f32 v56, v33;
	v24 =	vadd.f32 v36, v24;
	[tilespmem:s26+$0x840] =	vst v27  }
0x1e6: {  	v18 =	vmul.f32 v18, v31;
	v34 =	vld [tilespmem:s26+$0xC060];
	v37 =	vmul.f32 v58, v33;
	v19 =	vadd.f32 v35, v19;
	[tilespmem:s26+$0x820] =	vst v25  }
0x1e7: {  	v17 =	vmul.f32 v17, v31;
	v38 =	vld [tilespmem:s26+$0xD450];
	v39 =	vmul.f32 v59, v33;
	v20 =	vadd.f32 v30, v20;
	[tilespmem:s26+$0x810] =	vst v24  }
0x1e8: {  	v15 =	vmul.f32 v15, v31;
	v36 =	vld [tilespmem:s26+$0xD440];
	v42 =	vmul.f32 v61, v33;
	v18 =	vadd.f32 v37, v18;
	[tilespmem:s26+$0x440] =	vst v19  }
0x1e9: {  	v14 =	vmul.f32 v14, v31;
	v40 =	vld [tilespmem:s26+$0xD460];
	v44 =	vmul.f32 v63, v33;
	v17 =	vadd.f32 v39, v17;
	[tilespmem:s26+$0x450] =	vst v20  }
0x1ea: {  	v49 =	vld [tilespmem:s26+$0x1470];
	v15 =	vadd.f32 v42, v15;
	v10 =	vmul.f32 v50, v33;
	v61 =	vmul.f32 v51, v31;
	[tilespmem:s26+$0x430] =	vst v18  }
0x1eb: {  	v13 =	vmul.f32 v13, v31;
	v14 =	vadd.f32 v44, v14;
	[tilespmem:s26+$0x420] =	vst v17;
	v47 =	vmul.f32 v34, v33  }
0x1ec: {  	v54 =	vmul.f32 v46, v31;
	[tilespmem:s26+$0x400] =	vst v15;
	v55 =	vmul.f32 v38, v33;
	v63 =	vadd.f32 v10, v61  }
0x1ed: {  	v52 =	vmul.f32 v45, v31;
	[tilespmem:s26+$0x70] =	vst v14;
	v53 =	vmul.f32 v36, v33;
	v13 =	vadd.f32 v47, v13  }
0x1ee: {  	v56 =	vmul.f32 v48, v31;
	v58 =	vmul.f32 v40, v33;
	v3 =	vadd.f32 v55, v54;
	[tilespmem:s26+$0x0] =	vst v63  }
0x1ef: {  	v60 =	vmul.f32 v43, v33;
	v59 =	vmul.f32 v49, v31;
	v57 =	vadd.f32 v53, v52;
	[tilespmem:s26+$0x60] =	vst v13  }
0x1f0: {  	v62 =	vadd.f32 v58, v56;
	[tilespmem:s26+$0x1450] =	vst v3  }
0x1f1: {  	s23 =	sadd.s32 $0x1, s23;
	v3 =	vadd.f32 v60, v59;
	[tilespmem:s26+$0x1440] =	vst v57  }
0x1f2: {  	p0 =	sne.s32 s23, s11;
	[tilespmem:s26+$0x1460] =	vst v62  }
.Ltmp1:
0x1f3: {  	[tilespmem:s26+$0x1470] =	vst v3;
	(pc) =	sbr.rel @p0 .LBB2_1-.Ltmp1, $4  }
0x1f4: {  	[hbm4b:s10+s2] =	stream.linear.scatter [tilespmem:s2], [sflag:$0x2], $0xC000, $0x38;
	[tilespmem:$0x18200] =	vst v63  }
0x1f5: {  	_ =	swait.ge [sflag:s13], $0xC000  }
0x1f6: {  	[sflag:s13] =	ssyncset.done $0x0  }
0x1f7: {  	[sflag:s13] =	ssyncadd.s32 $0xFFFF4000  }
0x1f8: {  	_ =	sfence.sel $0x180000  }
0x1f9: {  	[bflag:$0x0] =	sbarrier.arrive $0xFFFF  }
0x1fa: {  	_ =	strace $0x9000004A  }
0x1fb: {  	s0 =	stileid.u32;
	[bflag:$0x2] =	sbarrier.arrive $0xFFFF  }
0x1fc: {  	p0 =	sne.s32 s0, $0x0;
	s0 =	rddreg [dreg:$0x2]  }
0x1fd: {  	s0 =	sadd.s32 @!p0 $0x100000, s0  }
0x1fe: {  	[sflag:s0] =	ssyncadd.tile.s32 @!p0 $0x1;
	_ =	shalt  }
.Lfunc_end2:
_tile_overlayer_lowered:
.L_overlay_start_2:
0x1ff: {  	(tag) =	ssettag $0x2  }
0x200: {  	s0 =	rddreg [dreg:$0x0];
	s2 =	stileid.u32  }
0x201: {  	s1 =	rddreg [dreg:$0x1];
	p0 =	sne.s32 s2, $0x0  }
0x202: {  	s3 =	rddreg [dreg:$0x2];
	[bflag:$0x3] =	sbarrier.arrive $0xFFFF;
	s2 =	simm.s32 @!p0 $0x1C02  }
0x203: {  	[timem:s3], [sflag:s2] =	dma.local @!p0 [hbm:s0], s1  }
0x204: {  	s0 =	simm.s32 @!p0 $0x2  }
0x205: {  	_ =	swait.ge @!p0 [sflag:s0], s1  }
0x206: {  	s1 =	ssub.s32 @!p0 $0x0, s1;
	[sflag:s0] =	ssyncset.done @!p0 $0x0  }
0x207: {  	[sflag:s0] =	ssyncadd.s32 @!p0 s1  }
0x208: {  	[bflag:$0x3] =	sbarrier.arrive $0xFFFF  }
0x209: {  	_ =	shalt  }

</sc_bundles>
